<compile_context>
chip_gen: v7x
topology: tpu7x:2x2x1
jax: 0.10.2.dev20260603
libtpu: 0.0.44.dev20260713+nightly
codegen_flags: <defaults>
</compile_context>

<pallas_src>
import functools

import jax
import jax.numpy as jnp
from jax import lax
from jax.experimental import pallas as pl
from jax.experimental.pallas import tpu as pltpu
from jax.experimental.pallas import tpu_sc as plsc

B, S, D = 4, 4096, 2048
N_SENTS = 128
R = B * N_SENTS
NC, NS, L = 2, 16, 16
NW = NC * NS
RPW = R // NW
G = RPW // 2
CHUNKS = D // L
UNROLL = 8

_mesh = plsc.VectorSubcoreMesh(core_axis_name="c", subcore_axis_name="s")


@functools.partial(
    pl.kernel,
    mesh=_mesh,
    out_type=jax.ShapeDtypeStruct((R, D), jnp.float32),
    scratch_types=[
        pltpu.VMEM((RPW,), jnp.int32),
        pltpu.VMEM((RPW, L), jnp.float32),
        pltpu.VMEM((RPW, D), jnp.float32),
        pltpu.SemaphoreType.DMA,
        pltpu.SemaphoreType.DMA,
        pltpu.SemaphoreType.DMA,
        pltpu.SemaphoreType.DMA,
        pltpu.SemaphoreType.DMA,
    ],
)
def _gather_pool(wv_hbm, ids_hbm, maskrep_hbm, out_hbm,
                 idx_v, maskr_v, rows_v, sem_i, sem_m, sem_g0, sem_g1, sem_w):
    wid = lax.axis_index("s") * NC + lax.axis_index("c")
    base = wid * RPW
    cp_i = pltpu.async_copy(ids_hbm.at[pl.ds(base, RPW)], idx_v, sem_i)
    cp_m = pltpu.async_copy(maskrep_hbm.at[pl.ds(base, RPW)], maskr_v, sem_m)
    cp_i.wait()
    b = wid // (N_SENTS // RPW)
    idx_v[...] = idx_v[...] + b * S
    cp_g0 = pltpu.async_copy(
        wv_hbm.at[idx_v.at[pl.ds(0, G)]], rows_v.at[pl.ds(0, G)], sem_g0)
    cp_g1 = pltpu.async_copy(
        wv_hbm.at[idx_v.at[pl.ds(G, G)]], rows_v.at[pl.ds(G, G)], sem_g1)
    cp_m.wait()

    def mul_rows(lo, hi):
        for j in range(lo, hi):
            mrow = maskr_v[j, :]

            def body(c, _, j=j, mrow=mrow):
                off = c * (UNROLL * L)
                for u in range(UNROLL):
                    sl = pl.ds(off + u * L, L)
                    rows_v[j, sl] = rows_v[j, sl] * mrow
                return 0

            lax.fori_loop(0, CHUNKS // UNROLL, body, 0)

    cp_g0.wait()
    mul_rows(0, G)
    cp_w0 = pltpu.async_copy(
        rows_v.at[pl.ds(0, G)], out_hbm.at[pl.ds(base, G)], sem_w)
    cp_g1.wait()
    mul_rows(G, RPW)
    cp_w1 = pltpu.async_copy(
        rows_v.at[pl.ds(G, G)], out_hbm.at[pl.ds(base + G, G)], sem_g1)
    cp_w0.wait()
    cp_w1.wait()


def kernel(word_vectors, sent_rep_token_ids, sent_rep_mask):
    table = word_vectors.reshape(B * S, D)
    ids = sent_rep_token_ids.reshape(R)
    maskrep = jnp.broadcast_to(
        sent_rep_mask.astype(jnp.float32).reshape(R, 1), (R, L))
    out = _gather_pool(table, ids, maskrep)
    return out.reshape(B, N_SENTS, D), sent_rep_mask

# --- scband reference (transcript-rebuilt; emitter-appended) ---
"""Pipeline reference for scband-pooling-11905649345073 (READ-ONLY COPY).

The authoritative reference and input builder live on the scoring server;
editing this copy changes nothing except your own understanding.
"""

import jax, jax.numpy as jnp
import numpy as np


def setup_inputs(seed: int = 0) -> dict:
    key = jax.random.key(seed)
    k1, k2, k3 = jax.random.split(key, 3)
    B, S, D = 4, 4096, 2048
    num_sents = 128
    word_vectors = jax.random.normal(k1, (B, S, D), dtype=jnp.float32)
    sent_rep_token_ids = jax.random.randint(k2, (B, num_sents), 0, S, dtype=jnp.int32)
    sent_rep_mask = jax.random.randint(k3, (B, num_sents), 0, 2, dtype=jnp.int32)
    return {
        "word_vectors": word_vectors,
        "sent_rep_token_ids": sent_rep_token_ids,
        "sent_rep_mask": sent_rep_mask,
    }


def reference(word_vectors, sent_rep_token_ids, sent_rep_mask):
    # Pooling(sent_rep_tokens=True, mean_tokens=False)
    B = word_vectors.shape[0]
    # word_vectors[arange(B)[:, None], sent_rep_token_ids] -> [B, num_sents, D]
    sents_vec = word_vectors[jnp.arange(B)[:, None], sent_rep_token_ids]
    # torch .squeeze() removes size-1 dims; here all dims > 1 so it is a no-op,
    # but mirror the semantics faithfully
    sents_vec = jnp.squeeze(sents_vec)
    sents_vec = sents_vec * sent_rep_mask[:, :, None].astype(jnp.float32)
    # single pooling method -> concat of one element along dim 1 is identity
    output_vector = sents_vec
    output_mask = sent_rep_mask
    return (output_vector, output_mask)

if __name__ == "__main__":
    import jax
    _d = setup_inputs()
    print(jax.jit(kernel)(*tuple(_d.values())))

</pallas_src>

<mosaic_0001>
#map = affine_map<(d0, d1) -> (0, 0)>
#map1 = affine_map<(d0, d1) -> (0)>
module attributes {stable_mosaic.version = 14 : i64} {
  func.func @_gather_pool(%arg0: i32, %arg1: i32, %arg2: memref<16384x2048xf32, #tpu.memory_space<hbm>>, %arg3: memref<512xi32, #tpu.memory_space<hbm>>, %arg4: memref<512x16xf32, #tpu.memory_space<hbm>>, %arg5: memref<512x2048xf32, #tpu.memory_space<hbm>>, %arg6: memref<16xi32, #tpu.memory_space<vmem>>, %arg7: memref<16x16xf32, #tpu.memory_space<vmem>>, %arg8: memref<16x2048xf32, #tpu.memory_space<vmem>>, %arg9: memref<!tpu.dma_semaphore, #tpu.memory_space<semaphore_mem>>, %arg10: memref<!tpu.dma_semaphore, #tpu.memory_space<semaphore_mem>>, %arg11: memref<!tpu.dma_semaphore, #tpu.memory_space<semaphore_mem>>, %arg12: memref<!tpu.dma_semaphore, #tpu.memory_space<semaphore_mem>>, %arg13: memref<!tpu.dma_semaphore, #tpu.memory_space<semaphore_mem>>) attributes {dimension_semantics = [#tpu.dimension_semantics<core_parallel>, #tpu.dimension_semantics<subcore_parallel>], iteration_bounds = array<i64: 2, 16>, scalar_prefetch = 0 : i64, scratch_operands = 8 : i64, tpu.core_type = #tpu.core_type<sc_vector_subcore>, window_params = [{transform_indices = #map}, {transform_indices = #map1}, {transform_indices = #map}, {transform_indices = #map}]} {
    %mul3A = arith.constant 2 : i32
    %mul3A_0 = arith.muli %arg1, %mul3A : i32
    %add3A = arith.addi %mul3A_0, %arg0 : i32
    %mul3A_1 = arith.constant 16 : i32
    %mul3A_2 = arith.muli %add3A, %mul3A_1 : i32
    %dma_start3A = tpu.memref_slice %arg3[%mul3A_2] : memref<512xi32, #tpu.memory_space<hbm>> -> memref<16xi32, #tpu.memory_space<hbm>>
    %dma_start3A_3 = tpu.memref_slice %arg3[%mul3A_2] : memref<512xi32, #tpu.memory_space<hbm>> -> memref<16xi32, #tpu.memory_space<hbm>>
    tpu.enqueue_dma source(%dma_start3A_3 : memref<16xi32, #tpu.memory_space<hbm>>) target(%arg6 : memref<16xi32, #tpu.memory_space<vmem>>) target_semaphore(%arg9 : memref<!tpu.dma_semaphore, #tpu.memory_space<semaphore_mem>>)
    %dma_start3A_4 = arith.constant 0 : i32
    %dma_start3A_5 = tpu.memref_slice %arg4[%mul3A_2, %dma_start3A_4] : memref<512x16xf32, #tpu.memory_space<hbm>> -> memref<16x16xf32, #tpu.memory_space<hbm>>
    %dma_start3A_6 = arith.constant 0 : i32
    %dma_start3A_7 = tpu.memref_slice %arg4[%mul3A_2, %dma_start3A_6] : memref<512x16xf32, #tpu.memory_space<hbm>> -> memref<16x16xf32, #tpu.memory_space<hbm>>
    tpu.enqueue_dma source(%dma_start3A_7 : memref<16x16xf32, #tpu.memory_space<hbm>>) target(%arg7 : memref<16x16xf32, #tpu.memory_space<vmem>>) target_semaphore(%arg10 : memref<!tpu.dma_semaphore, #tpu.memory_space<semaphore_mem>>)
    %dma_wait3A = tpu.memref_slice %arg3[%mul3A_2] : memref<512xi32, #tpu.memory_space<hbm>> -> memref<16xi32, #tpu.memory_space<hbm>>
    %dma_wait3A_8 = tpu.memref_slice %arg3[%mul3A_2] : memref<512xi32, #tpu.memory_space<hbm>> -> memref<16xi32, #tpu.memory_space<hbm>>
    tpu.wait_dma2 semaphore(%arg9 : memref<!tpu.dma_semaphore, #tpu.memory_space<semaphore_mem>>) src(%dma_wait3A_8 : memref<16xi32, #tpu.memory_space<hbm>>) dst(%arg6 : memref<16xi32, #tpu.memory_space<vmem>>)
    %jit3A = arith.constant 8 : i32
    %div3A = arith.divsi %add3A, %jit3A : i32
    %sign3A = arith.constant 0 : i32
    %sign3A_9 = arith.cmpi sgt, %add3A, %sign3A : i32
    %sign3A_10 = arith.extui %sign3A_9 : i1 to i32
    %sign3A_11 = arith.constant 0 : i32
    %sign3A_12 = arith.cmpi slt, %add3A, %sign3A_11 : i32
    %sign3A_13 = arith.extui %sign3A_12 : i1 to i32
    %sign3A_14 = arith.subi %sign3A_10, %sign3A_13 : i32
    %sign3A_15 = arith.constant 0 : i32
    %sign3A_16 = arith.cmpi sgt, %jit3A, %sign3A_15 : i32
    %sign3A_17 = arith.extui %sign3A_16 : i1 to i32
    %sign3A_18 = arith.constant 0 : i32
    %sign3A_19 = arith.cmpi slt, %jit3A, %sign3A_18 : i32
    %sign3A_20 = arith.extui %sign3A_19 : i1 to i32
    %sign3A_21 = arith.subi %sign3A_17, %sign3A_20 : i32
    %ne3A = arith.cmpi ne, %sign3A_14, %sign3A_21 : i32
    %rem3A = arith.remsi %add3A, %jit3A : i32
    %ne3A_22 = arith.constant 0 : i32
    %ne3A_23 = arith.cmpi ne, %rem3A, %ne3A_22 : i32
    %and3A = arith.andi %ne3A, %ne3A_23 : i1
    %sub3A = arith.constant 1 : i32
    %sub3A_24 = arith.subi %div3A, %sub3A : i32
    %select_n3A = arith.select %and3A, %sub3A_24, %div3A : i32
    %get3A = arith.constant 0 : index
    %get3A_25 = tpu.vector_load %arg6[%get3A] {strides = array<i32>} : memref<16xi32, #tpu.memory_space<vmem>>, vector<16xi32>,
    %get3A_26 = vector.shape_cast %get3A_25 : vector<16xi32> to vector<16xi32>
    %mul3A_27 = arith.constant 4096 : i32
    %mul3A_28 = arith.muli %select_n3A, %mul3A_27 : i32
    %add3A_29 = vector.broadcast %mul3A_28 : i32 to vector<16xi32>
    %add3A_30 = arith.addi %get3A_26, %add3A_29 : vector<16xi32>
    %swap3A = arith.constant 0 : index
    %swap3A_31 = tpu.vector_load %arg6[%swap3A] {strides = array<i32>} : memref<16xi32, #tpu.memory_space<vmem>>, vector<16xi32>,
    %swap3A_32 = vector.shape_cast %swap3A_31 : vector<16xi32> to vector<16xi32>
    %swap3A_33 = vector.shape_cast %add3A_30 : vector<16xi32> to vector<16xi32>
    tpu.vector_store %arg6[%swap3A], %swap3A_33 {strides = array<i32>} : memref<16xi32, #tpu.memory_space<vmem>>, vector<16xi32>,
    %dma_start3A_34 = arith.constant 0 : i32
    %dma_start3A_35 = arith.constant 0 : i32
    %dma_start3A_36 = tpu.memref_slice %arg8[%dma_start3A_34, %dma_start3A_35] : memref<16x2048xf32, #tpu.memory_space<vmem>> -> memref<8x2048xf32, #tpu.memory_space<vmem>>
    %dma_start3A_37 = arith.constant 0 : i32
    %dma_start3A_38 = tpu.memref_slice %arg6[%dma_start3A_37] : memref<16xi32, #tpu.memory_space<vmem>> -> memref<8xi32, #tpu.memory_space<vmem>>
    %dma_start3A_39 = arith.constant 0 : i32
    %dma_start3A_40 = arith.constant 0 : i32
    %dma_start3A_41 = tpu.memref_slice %arg2[%dma_start3A_39, %dma_start3A_40] : memref<16384x2048xf32, #tpu.memory_space<hbm>> -> memref<16384x2048xf32, #tpu.memory_space<hbm>>
    tpu.enqueue_indirect_dma source(%dma_start3A_41 : memref<16384x2048xf32, #tpu.memory_space<hbm>>) target(%dma_start3A_36 : memref<8x2048xf32, #tpu.memory_space<vmem>>) offsets(%dma_start3A_38 : memref<8xi32, #tpu.memory_space<vmem>>) semaphore(%arg11 : memref<!tpu.dma_semaphore, #tpu.memory_space<semaphore_mem>>)
    %dma_start3A_42 = arith.constant 8 : i32
    %dma_start3A_43 = arith.constant 0 : i32
    %dma_start3A_44 = tpu.memref_slice %arg8[%dma_start3A_42, %dma_start3A_43] : memref<16x2048xf32, #tpu.memory_space<vmem>> -> memref<8x2048xf32, #tpu.memory_space<vmem>>
    %dma_start3A_45 = arith.constant 8 : i32
    %dma_start3A_46 = tpu.memref_slice %arg6[%dma_start3A_45] : memref<16xi32, #tpu.memory_space<vmem>> -> memref<8xi32, #tpu.memory_space<vmem>>
    %dma_start3A_47 = arith.constant 0 : i32
    %dma_start3A_48 = arith.constant 0 : i32
    %dma_start3A_49 = tpu.memref_slice %arg2[%dma_start3A_47, %dma_start3A_48] : memref<16384x2048xf32, #tpu.memory_space<hbm>> -> memref<16384x2048xf32, #tpu.memory_space<hbm>>
    tpu.enqueue_indirect_dma source(%dma_start3A_49 : memref<16384x2048xf32, #tpu.memory_space<hbm>>) target(%dma_start3A_44 : memref<8x2048xf32, #tpu.memory_space<vmem>>) offsets(%dma_start3A_46 : memref<8xi32, #tpu.memory_space<vmem>>) semaphore(%arg12 : memref<!tpu.dma_semaphore, #tpu.memory_space<semaphore_mem>>)
    %dma_wait3A_50 = arith.constant 0 : i32
    %dma_wait3A_51 = tpu.memref_slice %arg4[%mul3A_2, %dma_wait3A_50] : memref<512x16xf32, #tpu.memory_space<hbm>> -> memref<16x16xf32, #tpu.memory_space<hbm>>
    %dma_wait3A_52 = arith.constant 0 : i32
    %dma_wait3A_53 = tpu.memref_slice %arg4[%mul3A_2, %dma_wait3A_52] : memref<512x16xf32, #tpu.memory_space<hbm>> -> memref<16x16xf32, #tpu.memory_space<hbm>>
    tpu.wait_dma2 semaphore(%arg10 : memref<!tpu.dma_semaphore, #tpu.memory_space<semaphore_mem>>) src(%dma_wait3A_53 : memref<16x16xf32, #tpu.memory_space<hbm>>) dst(%arg7 : memref<16x16xf32, #tpu.memory_space<vmem>>)
    %dma_wait3A_54 = arith.constant 0 : i32
    %dma_wait3A_55 = arith.constant 0 : i32
    %dma_wait3A_56 = tpu.memref_slice %arg8[%dma_wait3A_54, %dma_wait3A_55] : memref<16x2048xf32, #tpu.memory_space<vmem>> -> memref<8x2048xf32, #tpu.memory_space<vmem>>
    %dma_wait3A_57 = arith.constant 0 : i32
    %dma_wait3A_58 = tpu.memref_slice %arg6[%dma_wait3A_57] : memref<16xi32, #tpu.memory_space<vmem>> -> memref<8xi32, #tpu.memory_space<vmem>>
    %dma_wait3A_59 = arith.constant 0 : i32
    %dma_wait3A_60 = arith.constant 0 : i32
    %dma_wait3A_61 = tpu.memref_slice %arg2[%dma_wait3A_59, %dma_wait3A_60] : memref<16384x2048xf32, #tpu.memory_space<hbm>> -> memref<16384x2048xf32, #tpu.memory_space<hbm>>
    tpu.wait_indirect_dma semaphore(%arg11 : memref<!tpu.dma_semaphore, #tpu.memory_space<semaphore_mem>>) src(%dma_wait3A_61 : memref<16384x2048xf32, #tpu.memory_space<hbm>>) dst(%dma_wait3A_56 : memref<8x2048xf32, #tpu.memory_space<vmem>>)
    %get3A_62 = arith.constant 0 : i32
    %get3A_63 = arith.index_cast %get3A_62 : i32 to index
    %get3A_64 = arith.constant 0 : index
    %get3A_65 = tpu.vector_load %arg7[%get3A_63, %get3A_64] {strides = array<i32>} : memref<16x16xf32, #tpu.memory_space<vmem>>, vector<1x16xf32>,
    %get3A_66 = vector.shape_cast %get3A_65 : vector<1x16xf32> to vector<16xf32>
    %scan3A = arith.constant 0 : i32
    %scan3A_67 = arith.constant 0 : i32
    %scan3A_68 = arith.constant 16 : i32
    %scan3A_69 = arith.addi %scan3A_67, %scan3A_68 : i32
    %scan3A_70 = arith.constant 1 : i32
    %scan3A_71 = scf.for %scan3A_303 = %scan3A_67 to %scan3A_69 step %scan3A_70 iter_args(%scan3A_304 = %scan3A) -> (i32)  : i32 {
      %mul3A_305 = arith.constant 128 : i32
      %mul3A_306 = arith.muli %scan3A_303, %mul3A_305 : i32
      %add3A_307 = arith.constant 0 : i32
      %add3A_308 = arith.addi %mul3A_306, %add3A_307 : i32
      %get3A_309 = arith.constant 0 : i32
      %get3A_310 = arith.index_cast %get3A_309 : i32 to index
      %get3A_311 = arith.index_cast %add3A_308 : i32 to index
      %get3A_312 = tpu.vector_load %arg8[%get3A_310, %get3A_311] {strides = array<i32>} : memref<16x2048xf32, #tpu.memory_space<vmem>>, vector<1x16xf32>,
      %get3A_313 = vector.shape_cast %get3A_312 : vector<1x16xf32> to vector<16xf32>
      %mul3A_314 = arith.mulf %get3A_313, %get3A_66 : vector<16xf32>
      %swap3A_315 = arith.constant 0 : i32
      %swap3A_316 = arith.index_cast %swap3A_315 : i32 to index
      %swap3A_317 = arith.index_cast %add3A_308 : i32 to index
      %swap3A_318 = tpu.vector_load %arg8[%swap3A_316, %swap3A_317] {strides = array<i32>} : memref<16x2048xf32, #tpu.memory_space<vmem>>, vector<1x16xf32>,
      %swap3A_319 = vector.shape_cast %swap3A_318 : vector<1x16xf32> to vector<16xf32>
      %swap3A_320 = vector.shape_cast %mul3A_314 : vector<16xf32> to vector<1x16xf32>
      tpu.vector_store %arg8[%swap3A_316, %swap3A_317], %swap3A_320 {strides = array<i32>} : memref<16x2048xf32, #tpu.memory_space<vmem>>, vector<1x16xf32>,
      %add3A_321 = arith.constant 16 : i32
      %add3A_322 = arith.addi %mul3A_306, %add3A_321 : i32
      %get3A_323 = arith.constant 0 : i32
      %get3A_324 = arith.index_cast %get3A_323 : i32 to index
      %get3A_325 = arith.index_cast %add3A_322 : i32 to index
      %get3A_326 = tpu.vector_load %arg8[%get3A_324, %get3A_325] {strides = array<i32>} : memref<16x2048xf32, #tpu.memory_space<vmem>>, vector<1x16xf32>,
      %get3A_327 = vector.shape_cast %get3A_326 : vector<1x16xf32> to vector<16xf32>
      %mul3A_328 = arith.mulf %get3A_327, %get3A_66 : vector<16xf32>
      %swap3A_329 = arith.constant 0 : i32
      %swap3A_330 = arith.index_cast %swap3A_329 : i32 to index
      %swap3A_331 = arith.index_cast %add3A_322 : i32 to index
      %swap3A_332 = tpu.vector_load %arg8[%swap3A_330, %swap3A_331] {strides = array<i32>} : memref<16x2048xf32, #tpu.memory_space<vmem>>, vector<1x16xf32>,
      %swap3A_333 = vector.shape_cast %swap3A_332 : vector<1x16xf32> to vector<16xf32>
      %swap3A_334 = vector.shape_cast %mul3A_328 : vector<16xf32> to vector<1x16xf32>
      tpu.vector_store %arg8[%swap3A_330, %swap3A_331], %swap3A_334 {strides = array<i32>} : memref<16x2048xf32, #tpu.memory_space<vmem>>, vector<1x16xf32>,
      %add3A_335 = arith.constant 32 : i32
      %add3A_336 = arith.addi %mul3A_306, %add3A_335 : i32
      %get3A_337 = arith.constant 0 : i32
      %get3A_338 = arith.index_cast %get3A_337 : i32 to index
      %get3A_339 = arith.index_cast %add3A_336 : i32 to index
      %get3A_340 = tpu.vector_load %arg8[%get3A_338, %get3A_339] {strides = array<i32>} : memref<16x2048xf32, #tpu.memory_space<vmem>>, vector<1x16xf32>,
      %get3A_341 = vector.shape_cast %get3A_340 : vector<1x16xf32> to vector<16xf32>
      %mul3A_342 = arith.mulf %get3A_341, %get3A_66 : vector<16xf32>
      %swap3A_343 = arith.constant 0 : i32
      %swap3A_344 = arith.index_cast %swap3A_343 : i32 to index
      %swap3A_345 = arith.index_cast %add3A_336 : i32 to index
      %swap3A_346 = tpu.vector_load %arg8[%swap3A_344, %swap3A_345] {strides = array<i32>} : memref<16x2048xf32, #tpu.memory_space<vmem>>, vector<1x16xf32>,
      %swap3A_347 = vector.shape_cast %swap3A_346 : vector<1x16xf32> to vector<16xf32>
      %swap3A_348 = vector.shape_cast %mul3A_342 : vector<16xf32> to vector<1x16xf32>
      tpu.vector_store %arg8[%swap3A_344, %swap3A_345], %swap3A_348 {strides = array<i32>} : memref<16x2048xf32, #tpu.memory_space<vmem>>, vector<1x16xf32>,
      %add3A_349 = arith.constant 48 : i32
      %add3A_350 = arith.addi %mul3A_306, %add3A_349 : i32
      %get3A_351 = arith.constant 0 : i32
      %get3A_352 = arith.index_cast %get3A_351 : i32 to index
      %get3A_353 = arith.index_cast %add3A_350 : i32 to index
      %get3A_354 = tpu.vector_load %arg8[%get3A_352, %get3A_353] {strides = array<i32>} : memref<16x2048xf32, #tpu.memory_space<vmem>>, vector<1x16xf32>,
      %get3A_355 = vector.shape_cast %get3A_354 : vector<1x16xf32> to vector<16xf32>
      %mul3A_356 = arith.mulf %get3A_355, %get3A_66 : vector<16xf32>
      %swap3A_357 = arith.constant 0 : i32
      %swap3A_358 = arith.index_cast %swap3A_357 : i32 to index
      %swap3A_359 = arith.index_cast %add3A_350 : i32 to index
      %swap3A_360 = tpu.vector_load %arg8[%swap3A_358, %swap3A_359] {strides = array<i32>} : memref<16x2048xf32, #tpu.memory_space<vmem>>, vector<1x16xf32>,
      %swap3A_361 = vector.shape_cast %swap3A_360 : vector<1x16xf32> to vector<16xf32>
      %swap3A_362 = vector.shape_cast %mul3A_356 : vector<16xf32> to vector<1x16xf32>
      tpu.vector_store %arg8[%swap3A_358, %swap3A_359], %swap3A_362 {strides = array<i32>} : memref<16x2048xf32, #tpu.memory_space<vmem>>, vector<1x16xf32>,
      %add3A_363 = arith.constant 64 : i32
      %add3A_364 = arith.addi %mul3A_306, %add3A_363 : i32
      %get3A_365 = arith.constant 0 : i32
      %get3A_366 = arith.index_cast %get3A_365 : i32 to index
      %get3A_367 = arith.index_cast %add3A_364 : i32 to index
      %get3A_368 = tpu.vector_load %arg8[%get3A_366, %get3A_367] {strides = array<i32>} : memref<16x2048xf32, #tpu.memory_space<vmem>>, vector<1x16xf32>,
      %get3A_369 = vector.shape_cast %get3A_368 : vector<1x16xf32> to vector<16xf32>
      %mul3A_370 = arith.mulf %get3A_369, %get3A_66 : vector<16xf32>
      %swap3A_371 = arith.constant 0 : i32
      %swap3A_372 = arith.index_cast %swap3A_371 : i32 to index
      %swap3A_373 = arith.index_cast %add3A_364 : i32 to index
      %swap3A_374 = tpu.vector_load %arg8[%swap3A_372, %swap3A_373] {strides = array<i32>} : memref<16x2048xf32, #tpu.memory_space<vmem>>, vector<1x16xf32>,
      %swap3A_375 = vector.shape_cast %swap3A_374 : vector<1x16xf32> to vector<16xf32>
      %swap3A_376 = vector.shape_cast %mul3A_370 : vector<16xf32> to vector<1x16xf32>
      tpu.vector_store %arg8[%swap3A_372, %swap3A_373], %swap3A_376 {strides = array<i32>} : memref<16x2048xf32, #tpu.memory_space<vmem>>, vector<1x16xf32>,
      %add3A_377 = arith.constant 80 : i32
      %add3A_378 = arith.addi %mul3A_306, %add3A_377 : i32
      %get3A_379 = arith.constant 0 : i32
      %get3A_380 = arith.index_cast %get3A_379 : i32 to index
      %get3A_381 = arith.index_cast %add3A_378 : i32 to index
      %get3A_382 = tpu.vector_load %arg8[%get3A_380, %get3A_381] {strides = array<i32>} : memref<16x2048xf32, #tpu.memory_space<vmem>>, vector<1x16xf32>,
      %get3A_383 = vector.shape_cast %get3A_382 : vector<1x16xf32> to vector<16xf32>
      %mul3A_384 = arith.mulf %get3A_383, %get3A_66 : vector<16xf32>
      %swap3A_385 = arith.constant 0 : i32
      %swap3A_386 = arith.index_cast %swap3A_385 : i32 to index
      %swap3A_387 = arith.index_cast %add3A_378 : i32 to index
      %swap3A_388 = tpu.vector_load %arg8[%swap3A_386, %swap3A_387] {strides = array<i32>} : memref<16x2048xf32, #tpu.memory_space<vmem>>, vector<1x16xf32>,
      %swap3A_389 = vector.shape_cast %swap3A_388 : vector<1x16xf32> to vector<16xf32>
      %swap3A_390 = vector.shape_cast %mul3A_384 : vector<16xf32> to vector<1x16xf32>
      tpu.vector_store %arg8[%swap3A_386, %swap3A_387], %swap3A_390 {strides = array<i32>} : memref<16x2048xf32, #tpu.memory_space<vmem>>, vector<1x16xf32>,
      %add3A_391 = arith.constant 96 : i32
      %add3A_392 = arith.addi %mul3A_306, %add3A_391 : i32
      %get3A_393 = arith.constant 0 : i32
      %get3A_394 = arith.index_cast %get3A_393 : i32 to index
      %get3A_395 = arith.index_cast %add3A_392 : i32 to index
      %get3A_396 = tpu.vector_load %arg8[%get3A_394, %get3A_395] {strides = array<i32>} : memref<16x2048xf32, #tpu.memory_space<vmem>>, vector<1x16xf32>,
      %get3A_397 = vector.shape_cast %get3A_396 : vector<1x16xf32> to vector<16xf32>
      %mul3A_398 = arith.mulf %get3A_397, %get3A_66 : vector<16xf32>
      %swap3A_399 = arith.constant 0 : i32
      %swap3A_400 = arith.index_cast %swap3A_399 : i32 to index
      %swap3A_401 = arith.index_cast %add3A_392 : i32 to index
      %swap3A_402 = tpu.vector_load %arg8[%swap3A_400, %swap3A_401] {strides = array<i32>} : memref<16x2048xf32, #tpu.memory_space<vmem>>, vector<1x16xf32>,
      %swap3A_403 = vector.shape_cast %swap3A_402 : vector<1x16xf32> to vector<16xf32>
      %swap3A_404 = vector.shape_cast %mul3A_398 : vector<16xf32> to vector<1x16xf32>
      tpu.vector_store %arg8[%swap3A_400, %swap3A_401], %swap3A_404 {strides = array<i32>} : memref<16x2048xf32, #tpu.memory_space<vmem>>, vector<1x16xf32>,
      %add3A_405 = arith.constant 112 : i32
      %add3A_406 = arith.addi %mul3A_306, %add3A_405 : i32
      %get3A_407 = arith.constant 0 : i32
      %get3A_408 = arith.index_cast %get3A_407 : i32 to index
      %get3A_409 = arith.index_cast %add3A_406 : i32 to index
      %get3A_410 = tpu.vector_load %arg8[%get3A_408, %get3A_409] {strides = array<i32>} : memref<16x2048xf32, #tpu.memory_space<vmem>>, vector<1x16xf32>,
      %get3A_411 = vector.shape_cast %get3A_410 : vector<1x16xf32> to vector<16xf32>
      %mul3A_412 = arith.mulf %get3A_411, %get3A_66 : vector<16xf32>
      %swap3A_413 = arith.constant 0 : i32
      %swap3A_414 = arith.index_cast %swap3A_413 : i32 to index
      %swap3A_415 = arith.index_cast %add3A_406 : i32 to index
      %swap3A_416 = tpu.vector_load %arg8[%swap3A_414, %swap3A_415] {strides = array<i32>} : memref<16x2048xf32, #tpu.memory_space<vmem>>, vector<1x16xf32>,
      %swap3A_417 = vector.shape_cast %swap3A_416 : vector<1x16xf32> to vector<16xf32>
      %swap3A_418 = vector.shape_cast %mul3A_412 : vector<16xf32> to vector<1x16xf32>
      tpu.vector_store %arg8[%swap3A_414, %swap3A_415], %swap3A_418 {strides = array<i32>} : memref<16x2048xf32, #tpu.memory_space<vmem>>, vector<1x16xf32>,
      %scan3A_419 = arith.constant 0 : i32
      scf.yield %scan3A_419 : i32
    }
    %scan3A_72 = arith.constant 16 : i32
    %get3A_73 = arith.constant 1 : i32
    %get3A_74 = arith.index_cast %get3A_73 : i32 to index
    %get3A_75 = arith.constant 0 : index
    %get3A_76 = tpu.vector_load %arg7[%get3A_74, %get3A_75] {strides = array<i32>} : memref<16x16xf32, #tpu.memory_space<vmem>>, vector<1x16xf32>,
    %get3A_77 = vector.shape_cast %get3A_76 : vector<1x16xf32> to vector<16xf32>
    %scan3A_78 = arith.constant 0 : i32
    %scan3A_79 = arith.constant 0 : i32
    %scan3A_80 = arith.constant 16 : i32
    %scan3A_81 = arith.addi %scan3A_79, %scan3A_80 : i32
    %scan3A_82 = arith.constant 1 : i32
    %scan3A_83 = scf.for %scan3A_303 = %scan3A_79 to %scan3A_81 step %scan3A_82 iter_args(%scan3A_304 = %scan3A_78) -> (i32)  : i32 {
      %mul3A_305 = arith.constant 128 : i32
      %mul3A_306 = arith.muli %scan3A_303, %mul3A_305 : i32
      %add3A_307 = arith.constant 0 : i32
      %add3A_308 = arith.addi %mul3A_306, %add3A_307 : i32
      %get3A_309 = arith.constant 1 : i32
      %get3A_310 = arith.index_cast %get3A_309 : i32 to index
      %get3A_311 = arith.index_cast %add3A_308 : i32 to index
      %get3A_312 = tpu.vector_load %arg8[%get3A_310, %get3A_311] {strides = array<i32>} : memref<16x2048xf32, #tpu.memory_space<vmem>>, vector<1x16xf32>,
      %get3A_313 = vector.shape_cast %get3A_312 : vector<1x16xf32> to vector<16xf32>
      %mul3A_314 = arith.mulf %get3A_313, %get3A_77 : vector<16xf32>
      %swap3A_315 = arith.constant 1 : i32
      %swap3A_316 = arith.index_cast %swap3A_315 : i32 to index
      %swap3A_317 = arith.index_cast %add3A_308 : i32 to index
      %swap3A_318 = tpu.vector_load %arg8[%swap3A_316, %swap3A_317] {strides = array<i32>} : memref<16x2048xf32, #tpu.memory_space<vmem>>, vector<1x16xf32>,
      %swap3A_319 = vector.shape_cast %swap3A_318 : vector<1x16xf32> to vector<16xf32>
      %swap3A_320 = vector.shape_cast %mul3A_314 : vector<16xf32> to vector<1x16xf32>
      tpu.vector_store %arg8[%swap3A_316, %swap3A_317], %swap3A_320 {strides = array<i32>} : memref<16x2048xf32, #tpu.memory_space<vmem>>, vector<1x16xf32>,
      %add3A_321 = arith.constant 16 : i32
      %add3A_322 = arith.addi %mul3A_306, %add3A_321 : i32
      %get3A_323 = arith.constant 1 : i32
      %get3A_324 = arith.index_cast %get3A_323 : i32 to index
      %get3A_325 = arith.index_cast %add3A_322 : i32 to index
      %get3A_326 = tpu.vector_load %arg8[%get3A_324, %get3A_325] {strides = array<i32>} : memref<16x2048xf32, #tpu.memory_space<vmem>>, vector<1x16xf32>,
      %get3A_327 = vector.shape_cast %get3A_326 : vector<1x16xf32> to vector<16xf32>
      %mul3A_328 = arith.mulf %get3A_327, %get3A_77 : vector<16xf32>
      %swap3A_329 = arith.constant 1 : i32
      %swap3A_330 = arith.index_cast %swap3A_329 : i32 to index
      %swap3A_331 = arith.index_cast %add3A_322 : i32 to index
      %swap3A_332 = tpu.vector_load %arg8[%swap3A_330, %swap3A_331] {strides = array<i32>} : memref<16x2048xf32, #tpu.memory_space<vmem>>, vector<1x16xf32>,
      %swap3A_333 = vector.shape_cast %swap3A_332 : vector<1x16xf32> to vector<16xf32>
      %swap3A_334 = vector.shape_cast %mul3A_328 : vector<16xf32> to vector<1x16xf32>
      tpu.vector_store %arg8[%swap3A_330, %swap3A_331], %swap3A_334 {strides = array<i32>} : memref<16x2048xf32, #tpu.memory_space<vmem>>, vector<1x16xf32>,
      %add3A_335 = arith.constant 32 : i32
      %add3A_336 = arith.addi %mul3A_306, %add3A_335 : i32
      %get3A_337 = arith.constant 1 : i32
      %get3A_338 = arith.index_cast %get3A_337 : i32 to index
      %get3A_339 = arith.index_cast %add3A_336 : i32 to index
      %get3A_340 = tpu.vector_load %arg8[%get3A_338, %get3A_339] {strides = array<i32>} : memref<16x2048xf32, #tpu.memory_space<vmem>>, vector<1x16xf32>,
      %get3A_341 = vector.shape_cast %get3A_340 : vector<1x16xf32> to vector<16xf32>
      %mul3A_342 = arith.mulf %get3A_341, %get3A_77 : vector<16xf32>
      %swap3A_343 = arith.constant 1 : i32
      %swap3A_344 = arith.index_cast %swap3A_343 : i32 to index
      %swap3A_345 = arith.index_cast %add3A_336 : i32 to index
      %swap3A_346 = tpu.vector_load %arg8[%swap3A_344, %swap3A_345] {strides = array<i32>} : memref<16x2048xf32, #tpu.memory_space<vmem>>, vector<1x16xf32>,
      %swap3A_347 = vector.shape_cast %swap3A_346 : vector<1x16xf32> to vector<16xf32>
      %swap3A_348 = vector.shape_cast %mul3A_342 : vector<16xf32> to vector<1x16xf32>
      tpu.vector_store %arg8[%swap3A_344, %swap3A_345], %swap3A_348 {strides = array<i32>} : memref<16x2048xf32, #tpu.memory_space<vmem>>, vector<1x16xf32>,
      %add3A_349 = arith.constant 48 : i32
      %add3A_350 = arith.addi %mul3A_306, %add3A_349 : i32
      %get3A_351 = arith.constant 1 : i32
      %get3A_352 = arith.index_cast %get3A_351 : i32 to index
      %get3A_353 = arith.index_cast %add3A_350 : i32 to index
      %get3A_354 = tpu.vector_load %arg8[%get3A_352, %get3A_353] {strides = array<i32>} : memref<16x2048xf32, #tpu.memory_space<vmem>>, vector<1x16xf32>,
      %get3A_355 = vector.shape_cast %get3A_354 : vector<1x16xf32> to vector<16xf32>
      %mul3A_356 = arith.mulf %get3A_355, %get3A_77 : vector<16xf32>
      %swap3A_357 = arith.constant 1 : i32
      %swap3A_358 = arith.index_cast %swap3A_357 : i32 to index
      %swap3A_359 = arith.index_cast %add3A_350 : i32 to index
      %swap3A_360 = tpu.vector_load %arg8[%swap3A_358, %swap3A_359] {strides = array<i32>} : memref<16x2048xf32, #tpu.memory_space<vmem>>, vector<1x16xf32>,
      %swap3A_361 = vector.shape_cast %swap3A_360 : vector<1x16xf32> to vector<16xf32>
      %swap3A_362 = vector.shape_cast %mul3A_356 : vector<16xf32> to vector<1x16xf32>
      tpu.vector_store %arg8[%swap3A_358, %swap3A_359], %swap3A_362 {strides = array<i32>} : memref<16x2048xf32, #tpu.memory_space<vmem>>, vector<1x16xf32>,
      %add3A_363 = arith.constant 64 : i32
      %add3A_364 = arith.addi %mul3A_306, %add3A_363 : i32
      %get3A_365 = arith.constant 1 : i32
      %get3A_366 = arith.index_cast %get3A_365 : i32 to index
      %get3A_367 = arith.index_cast %add3A_364 : i32 to index
      %get3A_368 = tpu.vector_load %arg8[%get3A_366, %get3A_367] {strides = array<i32>} : memref<16x2048xf32, #tpu.memory_space<vmem>>, vector<1x16xf32>,
      %get3A_369 = vector.shape_cast %get3A_368 : vector<1x16xf32> to vector<16xf32>
      %mul3A_370 = arith.mulf %get3A_369, %get3A_77 : vector<16xf32>
      %swap3A_371 = arith.constant 1 : i32
      %swap3A_372 = arith.index_cast %swap3A_371 : i32 to index
      %swap3A_373 = arith.index_cast %add3A_364 : i32 to index
      %swap3A_374 = tpu.vector_load %arg8[%swap3A_372, %swap3A_373] {strides = array<i32>} : memref<16x2048xf32, #tpu.memory_space<vmem>>, vector<1x16xf32>,
      %swap3A_375 = vector.shape_cast %swap3A_374 : vector<1x16xf32> to vector<16xf32>
      %swap3A_376 = vector.shape_cast %mul3A_370 : vector<16xf32> to vector<1x16xf32>
      tpu.vector_store %arg8[%swap3A_372, %swap3A_373], %swap3A_376 {strides = array<i32>} : memref<16x2048xf32, #tpu.memory_space<vmem>>, vector<1x16xf32>,
      %add3A_377 = arith.constant 80 : i32
      %add3A_378 = arith.addi %mul3A_306, %add3A_377 : i32
      %get3A_379 = arith.constant 1 : i32
      %get3A_380 = arith.index_cast %get3A_379 : i32 to index
      %get3A_381 = arith.index_cast %add3A_378 : i32 to index
      %get3A_382 = tpu.vector_load %arg8[%get3A_380, %get3A_381] {strides = array<i32>} : memref<16x2048xf32, #tpu.memory_space<vmem>>, vector<1x16xf32>,
      %get3A_383 = vector.shape_cast %get3A_382 : vector<1x16xf32> to vector<16xf32>
      %mul3A_384 = arith.mulf %get3A_383, %get3A_77 : vector<16xf32>
      %swap3A_385 = arith.constant 1 : i32
      %swap3A_386 = arith.index_cast %swap3A_385 : i32 to index
      %swap3A_387 = arith.index_cast %add3A_378 : i32 to index
      %swap3A_388 = tpu.vector_load %arg8[%swap3A_386, %swap3A_387] {strides = array<i32>} : memref<16x2048xf32, #tpu.memory_space<vmem>>, vector<1x16xf32>,
      %swap3A_389 = vector.shape_cast %swap3A_388 : vector<1x16xf32> to vector<16xf32>
      %swap3A_390 = vector.shape_cast %mul3A_384 : vector<16xf32> to vector<1x16xf32>
      tpu.vector_store %arg8[%swap3A_386, %swap3A_387], %swap3A_390 {strides = array<i32>} : memref<16x2048xf32, #tpu.memory_space<vmem>>, vector<1x16xf32>,
      %add3A_391 = arith.constant 96 : i32
      %add3A_392 = arith.addi %mul3A_306, %add3A_391 : i32
      %get3A_393 = arith.constant 1 : i32
      %get3A_394 = arith.index_cast %get3A_393 : i32 to index
      %get3A_395 = arith.index_cast %add3A_392 : i32 to index
      %get3A_396 = tpu.vector_load %arg8[%get3A_394, %get3A_395] {strides = array<i32>} : memref<16x2048xf32, #tpu.memory_space<vmem>>, vector<1x16xf32>,
      %get3A_397 = vector.shape_cast %get3A_396 : vector<1x16xf32> to vector<16xf32>
      %mul3A_398 = arith.mulf %get3A_397, %get3A_77 : vector<16xf32>
      %swap3A_399 = arith.constant 1 : i32
      %swap3A_400 = arith.index_cast %swap3A_399 : i32 to index
      %swap3A_401 = arith.index_cast %add3A_392 : i32 to index
      %swap3A_402 = tpu.vector_load %arg8[%swap3A_400, %swap3A_401] {strides = array<i32>} : memref<16x2048xf32, #tpu.memory_space<vmem>>, vector<1x16xf32>,
      %swap3A_403 = vector.shape_cast %swap3A_402 : vector<1x16xf32> to vector<16xf32>
      %swap3A_404 = vector.shape_cast %mul3A_398 : vector<16xf32> to vector<1x16xf32>
      tpu.vector_store %arg8[%swap3A_400, %swap3A_401], %swap3A_404 {strides = array<i32>} : memref<16x2048xf32, #tpu.memory_space<vmem>>, vector<1x16xf32>,
      %add3A_405 = arith.constant 112 : i32
      %add3A_406 = arith.addi %mul3A_306, %add3A_405 : i32
      %get3A_407 = arith.constant 1 : i32
      %get3A_408 = arith.index_cast %get3A_407 : i32 to index
      %get3A_409 = arith.index_cast %add3A_406 : i32 to index
      %get3A_410 = tpu.vector_load %arg8[%get3A_408, %get3A_409] {strides = array<i32>} : memref<16x2048xf32, #tpu.memory_space<vmem>>, vector<1x16xf32>,
      %get3A_411 = vector.shape_cast %get3A_410 : vector<1x16xf32> to vector<16xf32>
      %mul3A_412 = arith.mulf %get3A_411, %get3A_77 : vector<16xf32>
      %swap3A_413 = arith.constant 1 : i32
      %swap3A_414 = arith.index_cast %swap3A_413 : i32 to index
      %swap3A_415 = arith.index_cast %add3A_406 : i32 to index
      %swap3A_416 = tpu.vector_load %arg8[%swap3A_414, %swap3A_415] {strides = array<i32>} : memref<16x2048xf32, #tpu.memory_space<vmem>>, vector<1x16xf32>,
      %swap3A_417 = vector.shape_cast %swap3A_416 : vector<1x16xf32> to vector<16xf32>
      %swap3A_418 = vector.shape_cast %mul3A_412 : vector<16xf32> to vector<1x16xf32>
      tpu.vector_store %arg8[%swap3A_414, %swap3A_415], %swap3A_418 {strides = array<i32>} : memref<16x2048xf32, #tpu.memory_space<vmem>>, vector<1x16xf32>,
      %scan3A_419 = arith.constant 0 : i32
      scf.yield %scan3A_419 : i32
    }
    %scan3A_84 = arith.constant 16 : i32
    %get3A_85 = arith.constant 2 : i32
    %get3A_86 = arith.index_cast %get3A_85 : i32 to index
    %get3A_87 = arith.constant 0 : index
    %get3A_88 = tpu.vector_load %arg7[%get3A_86, %get3A_87] {strides = array<i32>} : memref<16x16xf32, #tpu.memory_space<vmem>>, vector<1x16xf32>,
    %get3A_89 = vector.shape_cast %get3A_88 : vector<1x16xf32> to vector<16xf32>
    %scan3A_90 = arith.constant 0 : i32
    %scan3A_91 = arith.constant 0 : i32
    %scan3A_92 = arith.constant 16 : i32
    %scan3A_93 = arith.addi %scan3A_91, %scan3A_92 : i32
    %scan3A_94 = arith.constant 1 : i32
    %scan3A_95 = scf.for %scan3A_303 = %scan3A_91 to %scan3A_93 step %scan3A_94 iter_args(%scan3A_304 = %scan3A_90) -> (i32)  : i32 {
      %mul3A_305 = arith.constant 128 : i32
      %mul3A_306 = arith.muli %scan3A_303, %mul3A_305 : i32
      %add3A_307 = arith.constant 0 : i32
      %add3A_308 = arith.addi %mul3A_306, %add3A_307 : i32
      %get3A_309 = arith.constant 2 : i32
      %get3A_310 = arith.index_cast %get3A_309 : i32 to index
      %get3A_311 = arith.index_cast %add3A_308 : i32 to index
      %get3A_312 = tpu.vector_load %arg8[%get3A_310, %get3A_311] {strides = array<i32>} : memref<16x2048xf32, #tpu.memory_space<vmem>>, vector<1x16xf32>,
      %get3A_313 = vector.shape_cast %get3A_312 : vector<1x16xf32> to vector<16xf32>
      %mul3A_314 = arith.mulf %get3A_313, %get3A_89 : vector<16xf32>
      %swap3A_315 = arith.constant 2 : i32
      %swap3A_316 = arith.index_cast %swap3A_315 : i32 to index
      %swap3A_317 = arith.index_cast %add3A_308 : i32 to index
      %swap3A_318 = tpu.vector_load %arg8[%swap3A_316, %swap3A_317] {strides = array<i32>} : memref<16x2048xf32, #tpu.memory_space<vmem>>, vector<1x16xf32>,
      %swap3A_319 = vector.shape_cast %swap3A_318 : vector<1x16xf32> to vector<16xf32>
      %swap3A_320 = vector.shape_cast %mul3A_314 : vector<16xf32> to vector<1x16xf32>
      tpu.vector_store %arg8[%swap3A_316, %swap3A_317], %swap3A_320 {strides = array<i32>} : memref<16x2048xf32, #tpu.memory_space<vmem>>, vector<1x16xf32>,
      %add3A_321 = arith.constant 16 : i32
      %add3A_322 = arith.addi %mul3A_306, %add3A_321 : i32
      %get3A_323 = arith.constant 2 : i32
      %get3A_324 = arith.index_cast %get3A_323 : i32 to index
      %get3A_325 = arith.index_cast %add3A_322 : i32 to index
      %get3A_326 = tpu.vector_load %arg8[%get3A_324, %get3A_325] {strides = array<i32>} : memref<16x2048xf32, #tpu.memory_space<vmem>>, vector<1x16xf32>,
      %get3A_327 = vector.shape_cast %get3A_326 : vector<1x16xf32> to vector<16xf32>
      %mul3A_328 = arith.mulf %get3A_327, %get3A_89 : vector<16xf32>
      %swap3A_329 = arith.constant 2 : i32
      %swap3A_330 = arith.index_cast %swap3A_329 : i32 to index
      %swap3A_331 = arith.index_cast %add3A_322 : i32 to index
      %swap3A_332 = tpu.vector_load %arg8[%swap3A_330, %swap3A_331] {strides = array<i32>} : memref<16x2048xf32, #tpu.memory_space<vmem>>, vector<1x16xf32>,
      %swap3A_333 = vector.shape_cast %swap3A_332 : vector<1x16xf32> to vector<16xf32>
      %swap3A_334 = vector.shape_cast %mul3A_328 : vector<16xf32> to vector<1x16xf32>
      tpu.vector_store %arg8[%swap3A_330, %swap3A_331], %swap3A_334 {strides = array<i32>} : memref<16x2048xf32, #tpu.memory_space<vmem>>, vector<1x16xf32>,
      %add3A_335 = arith.constant 32 : i32
      %add3A_336 = arith.addi %mul3A_306, %add3A_335 : i32
      %get3A_337 = arith.constant 2 : i32
      %get3A_338 = arith.index_cast %get3A_337 : i32 to index
      %get3A_339 = arith.index_cast %add3A_336 : i32 to index
      %get3A_340 = tpu.vector_load %arg8[%get3A_338, %get3A_339] {strides = array<i32>} : memref<16x2048xf32, #tpu.memory_space<vmem>>, vector<1x16xf32>,
      %get3A_341 = vector.shape_cast %get3A_340 : vector<1x16xf32> to vector<16xf32>
      %mul3A_342 = arith.mulf %get3A_341, %get3A_89 : vector<16xf32>
      %swap3A_343 = arith.constant 2 : i32
      %swap3A_344 = arith.index_cast %swap3A_343 : i32 to index
      %swap3A_345 = arith.index_cast %add3A_336 : i32 to index
      %swap3A_346 = tpu.vector_load %arg8[%swap3A_344, %swap3A_345] {strides = array<i32>} : memref<16x2048xf32, #tpu.memory_space<vmem>>, vector<1x16xf32>,
      %swap3A_347 = vector.shape_cast %swap3A_346 : vector<1x16xf32> to vector<16xf32>
      %swap3A_348 = vector.shape_cast %mul3A_342 : vector<16xf32> to vector<1x16xf32>
      tpu.vector_store %arg8[%swap3A_344, %swap3A_345], %swap3A_348 {strides = array<i32>} : memref<16x2048xf32, #tpu.memory_space<vmem>>, vector<1x16xf32>,
      %add3A_349 = arith.constant 48 : i32
      %add3A_350 = arith.addi %mul3A_306, %add3A_349 : i32
      %get3A_351 = arith.constant 2 : i32
      %get3A_352 = arith.index_cast %get3A_351 : i32 to index
      %get3A_353 = arith.index_cast %add3A_350 : i32 to index
      %get3A_354 = tpu.vector_load %arg8[%get3A_352, %get3A_353] {strides = array<i32>} : memref<16x2048xf32, #tpu.memory_space<vmem>>, vector<1x16xf32>,
      %get3A_355 = vector.shape_cast %get3A_354 : vector<1x16xf32> to vector<16xf32>
      %mul3A_356 = arith.mulf %get3A_355, %get3A_89 : vector<16xf32>
      %swap3A_357 = arith.constant 2 : i32
      %swap3A_358 = arith.index_cast %swap3A_357 : i32 to index
      %swap3A_359 = arith.index_cast %add3A_350 : i32 to index
      %swap3A_360 = tpu.vector_load %arg8[%swap3A_358, %swap3A_359] {strides = array<i32>} : memref<16x2048xf32, #tpu.memory_space<vmem>>, vector<1x16xf32>,
      %swap3A_361 = vector.shape_cast %swap3A_360 : vector<1x16xf32> to vector<16xf32>
      %swap3A_362 = vector.shape_cast %mul3A_356 : vector<16xf32> to vector<1x16xf32>
      tpu.vector_store %arg8[%swap3A_358, %swap3A_359], %swap3A_362 {strides = array<i32>} : memref<16x2048xf32, #tpu.memory_space<vmem>>, vector<1x16xf32>,
      %add3A_363 = arith.constant 64 : i32
      %add3A_364 = arith.addi %mul3A_306, %add3A_363 : i32
      %get3A_365 = arith.constant 2 : i32
      %get3A_366 = arith.index_cast %get3A_365 : i32 to index
      %get3A_367 = arith.index_cast %add3A_364 : i32 to index
      %get3A_368 = tpu.vector_load %arg8[%get3A_366, %get3A_367] {strides = array<i32>} : memref<16x2048xf32, #tpu.memory_space<vmem>>, vector<1x16xf32>,
      %get3A_369 = vector.shape_cast %get3A_368 : vector<1x16xf32> to vector<16xf32>
      %mul3A_370 = arith.mulf %get3A_369, %get3A_89 : vector<16xf32>
      %swap3A_371 = arith.constant 2 : i32
      %swap3A_372 = arith.index_cast %swap3A_371 : i32 to index
      %swap3A_373 = arith.index_cast %add3A_364 : i32 to index
      %swap3A_374 = tpu.vector_load %arg8[%swap3A_372, %swap3A_373] {strides = array<i32>} : memref<16x2048xf32, #tpu.memory_space<vmem>>, vector<1x16xf32>,
      %swap3A_375 = vector.shape_cast %swap3A_374 : vector<1x16xf32> to vector<16xf32>
      %swap3A_376 = vector.shape_cast %mul3A_370 : vector<16xf32> to vector<1x16xf32>
      tpu.vector_store %arg8[%swap3A_372, %swap3A_373], %swap3A_376 {strides = array<i32>} : memref<16x2048xf32, #tpu.memory_space<vmem>>, vector<1x16xf32>,
      %add3A_377 = arith.constant 80 : i32
      %add3A_378 = arith.addi %mul3A_306, %add3A_377 : i32
      %get3A_379 = arith.constant 2 : i32
      %get3A_380 = arith.index_cast %get3A_379 : i32 to index
      %get3A_381 = arith.index_cast %add3A_378 : i32 to index
      %get3A_382 = tpu.vector_load %arg8[%get3A_380, %get3A_381] {strides = array<i32>} : memref<16x2048xf32, #tpu.memory_space<vmem>>, vector<1x16xf32>,
      %get3A_383 = vector.shape_cast %get3A_382 : vector<1x16xf32> to vector<16xf32>
      %mul3A_384 = arith.mulf %get3A_383, %get3A_89 : vector<16xf32>
      %swap3A_385 = arith.constant 2 : i32
      %swap3A_386 = arith.index_cast %swap3A_385 : i32 to index
      %swap3A_387 = arith.index_cast %add3A_378 : i32 to index
      %swap3A_388 = tpu.vector_load %arg8[%swap3A_386, %swap3A_387] {strides = array<i32>} : memref<16x2048xf32, #tpu.memory_space<vmem>>, vector<1x16xf32>,
      %swap3A_389 = vector.shape_cast %swap3A_388 : vector<1x16xf32> to vector<16xf32>
      %swap3A_390 = vector.shape_cast %mul3A_384 : vector<16xf32> to vector<1x16xf32>
      tpu.vector_store %arg8[%swap3A_386, %swap3A_387], %swap3A_390 {strides = array<i32>} : memref<16x2048xf32, #tpu.memory_space<vmem>>, vector<1x16xf32>,
      %add3A_391 = arith.constant 96 : i32
      %add3A_392 = arith.addi %mul3A_306, %add3A_391 : i32
      %get3A_393 = arith.constant 2 : i32
      %get3A_394 = arith.index_cast %get3A_393 : i32 to index
      %get3A_395 = arith.index_cast %add3A_392 : i32 to index
      %get3A_396 = tpu.vector_load %arg8[%get3A_394, %get3A_395] {strides = array<i32>} : memref<16x2048xf32, #tpu.memory_space<vmem>>, vector<1x16xf32>,
      %get3A_397 = vector.shape_cast %get3A_396 : vector<1x16xf32> to vector<16xf32>
      %mul3A_398 = arith.mulf %get3A_397, %get3A_89 : vector<16xf32>
      %swap3A_399 = arith.constant 2 : i32
      %swap3A_400 = arith.index_cast %swap3A_399 : i32 to index
      %swap3A_401 = arith.index_cast %add3A_392 : i32 to index
      %swap3A_402 = tpu.vector_load %arg8[%swap3A_400, %swap3A_401] {strides = array<i32>} : memref<16x2048xf32, #tpu.memory_space<vmem>>, vector<1x16xf32>,
      %swap3A_403 = vector.shape_cast %swap3A_402 : vector<1x16xf32> to vector<16xf32>
      %swap3A_404 = vector.shape_cast %mul3A_398 : vector<16xf32> to vector<1x16xf32>
      tpu.vector_store %arg8[%swap3A_400, %swap3A_401], %swap3A_404 {strides = array<i32>} : memref<16x2048xf32, #tpu.memory_space<vmem>>, vector<1x16xf32>,
      %add3A_405 = arith.constant 112 : i32
      %add3A_406 = arith.addi %mul3A_306, %add3A_405 : i32
      %get3A_407 = arith.constant 2 : i32
      %get3A_408 = arith.index_cast %get3A_407 : i32 to index
      %get3A_409 = arith.index_cast %add3A_406 : i32 to index
      %get3A_410 = tpu.vector_load %arg8[%get3A_408, %get3A_409] {strides = array<i32>} : memref<16x2048xf32, #tpu.memory_space<vmem>>, vector<1x16xf32>,
      %get3A_411 = vector.shape_cast %get3A_410 : vector<1x16xf32> to vector<16xf32>
      %mul3A_412 = arith.mulf %get3A_411, %get3A_89 : vector<16xf32>
      %swap3A_413 = arith.constant 2 : i32
      %swap3A_414 = arith.index_cast %swap3A_413 : i32 to index
      %swap3A_415 = arith.index_cast %add3A_406 : i32 to index
      %swap3A_416 = tpu.vector_load %arg8[%swap3A_414, %swap3A_415] {strides = array<i32>} : memref<16x2048xf32, #tpu.memory_space<vmem>>, vector<1x16xf32>,
      %swap3A_417 = vector.shape_cast %swap3A_416 : vector<1x16xf32> to vector<16xf32>
      %swap3A_418 = vector.shape_cast %mul3A_412 : vector<16xf32> to vector<1x16xf32>
      tpu.vector_store %arg8[%swap3A_414, %swap3A_415], %swap3A_418 {strides = array<i32>} : memref<16x2048xf32, #tpu.memory_space<vmem>>, vector<1x16xf32>,
      %scan3A_419 = arith.constant 0 : i32
      scf.yield %scan3A_419 : i32
    }
    %scan3A_96 = arith.constant 16 : i32
    %get3A_97 = arith.constant 3 : i32
    %get3A_98 = arith.index_cast %get3A_97 : i32 to index
    %get3A_99 = arith.constant 0 : index
    %get3A_100 = tpu.vector_load %arg7[%get3A_98, %get3A_99] {strides = array<i32>} : memref<16x16xf32, #tpu.memory_space<vmem>>, vector<1x16xf32>,
    %get3A_101 = vector.shape_cast %get3A_100 : vector<1x16xf32> to vector<16xf32>
    %scan3A_102 = arith.constant 0 : i32
    %scan3A_103 = arith.constant 0 : i32
    %scan3A_104 = arith.constant 16 : i32
    %scan3A_105 = arith.addi %scan3A_103, %scan3A_104 : i32
    %scan3A_106 = arith.constant 1 : i32
    %scan3A_107 = scf.for %scan3A_303 = %scan3A_103 to %scan3A_105 step %scan3A_106 iter_args(%scan3A_304 = %scan3A_102) -> (i32)  : i32 {
      %mul3A_305 = arith.constant 128 : i32
      %mul3A_306 = arith.muli %scan3A_303, %mul3A_305 : i32
      %add3A_307 = arith.constant 0 : i32
      %add3A_308 = arith.addi %mul3A_306, %add3A_307 : i32
      %get3A_309 = arith.constant 3 : i32
      %get3A_310 = arith.index_cast %get3A_309 : i32 to index
      %get3A_311 = arith.index_cast %add3A_308 : i32 to index
      %get3A_312 = tpu.vector_load %arg8[%get3A_310, %get3A_311] {strides = array<i32>} : memref<16x2048xf32, #tpu.memory_space<vmem>>, vector<1x16xf32>,
      %get3A_313 = vector.shape_cast %get3A_312 : vector<1x16xf32> to vector<16xf32>
      %mul3A_314 = arith.mulf %get3A_313, %get3A_101 : vector<16xf32>
      %swap3A_315 = arith.constant 3 : i32
      %swap3A_316 = arith.index_cast %swap3A_315 : i32 to index
      %swap3A_317 = arith.index_cast %add3A_308 : i32 to index
      %swap3A_318 = tpu.vector_load %arg8[%swap3A_316, %swap3A_317] {strides = array<i32>} : memref<16x2048xf32, #tpu.memory_space<vmem>>, vector<1x16xf32>,
      %swap3A_319 = vector.shape_cast %swap3A_318 : vector<1x16xf32> to vector<16xf32>
      %swap3A_320 = vector.shape_cast %mul3A_314 : vector<16xf32> to vector<1x16xf32>
      tpu.vector_store %arg8[%swap3A_316, %swap3A_317], %swap3A_320 {strides = array<i32>} : memref<16x2048xf32, #tpu.memory_space<vmem>>, vector<1x16xf32>,
      %add3A_321 = arith.constant 16 : i32
      %add3A_322 = arith.addi %mul3A_306, %add3A_321 : i32
      %get3A_323 = arith.constant 3 : i32
      %get3A_324 = arith.index_cast %get3A_323 : i32 to index
      %get3A_325 = arith.index_cast %add3A_322 : i32 to index
      %get3A_326 = tpu.vector_load %arg8[%get3A_324, %get3A_325] {strides = array<i32>} : memref<16x2048xf32, #tpu.memory_space<vmem>>, vector<1x16xf32>,
      %get3A_327 = vector.shape_cast %get3A_326 : vector<1x16xf32> to vector<16xf32>
      %mul3A_328 = arith.mulf %get3A_327, %get3A_101 : vector<16xf32>
      %swap3A_329 = arith.constant 3 : i32
      %swap3A_330 = arith.index_cast %swap3A_329 : i32 to index
      %swap3A_331 = arith.index_cast %add3A_322 : i32 to index
      %swap3A_332 = tpu.vector_load %arg8[%swap3A_330, %swap3A_331] {strides = array<i32>} : memref<16x2048xf32, #tpu.memory_space<vmem>>, vector<1x16xf32>,
      %swap3A_333 = vector.shape_cast %swap3A_332 : vector<1x16xf32> to vector<16xf32>
      %swap3A_334 = vector.shape_cast %mul3A_328 : vector<16xf32> to vector<1x16xf32>
      tpu.vector_store %arg8[%swap3A_330, %swap3A_331], %swap3A_334 {strides = array<i32>} : memref<16x2048xf32, #tpu.memory_space<vmem>>, vector<1x16xf32>,
      %add3A_335 = arith.constant 32 : i32
      %add3A_336 = arith.addi %mul3A_306, %add3A_335 : i32
      %get3A_337 = arith.constant 3 : i32
      %get3A_338 = arith.index_cast %get3A_337 : i32 to index
      %get3A_339 = arith.index_cast %add3A_336 : i32 to index
      %get3A_340 = tpu.vector_load %arg8[%get3A_338, %get3A_339] {strides = array<i32>} : memref<16x2048xf32, #tpu.memory_space<vmem>>, vector<1x16xf32>,
      %get3A_341 = vector.shape_cast %get3A_340 : vector<1x16xf32> to vector<16xf32>
      %mul3A_342 = arith.mulf %get3A_341, %get3A_101 : vector<16xf32>
      %swap3A_343 = arith.constant 3 : i32
      %swap3A_344 = arith.index_cast %swap3A_343 : i32 to index
      %swap3A_345 = arith.index_cast %add3A_336 : i32 to index
      %swap3A_346 = tpu.vector_load %arg8[%swap3A_344, %swap3A_345] {strides = array<i32>} : memref<16x2048xf32, #tpu.memory_space<vmem>>, vector<1x16xf32>,
      %swap3A_347 = vector.shape_cast %swap3A_346 : vector<1x16xf32> to vector<16xf32>
      %swap3A_348 = vector.shape_cast %mul3A_342 : vector<16xf32> to vector<1x16xf32>
      tpu.vector_store %arg8[%swap3A_344, %swap3A_345], %swap3A_348 {strides = array<i32>} : memref<16x2048xf32, #tpu.memory_space<vmem>>, vector<1x16xf32>,
      %add3A_349 = arith.constant 48 : i32
      %add3A_350 = arith.addi %mul3A_306, %add3A_349 : i32
      %get3A_351 = arith.constant 3 : i32
      %get3A_352 = arith.index_cast %get3A_351 : i32 to index
      %get3A_353 = arith.index_cast %add3A_350 : i32 to index
      %get3A_354 = tpu.vector_load %arg8[%get3A_352, %get3A_353] {strides = array<i32>} : memref<16x2048xf32, #tpu.memory_space<vmem>>, vector<1x16xf32>,
      %get3A_355 = vector.shape_cast %get3A_354 : vector<1x16xf32> to vector<16xf32>
      %mul3A_356 = arith.mulf %get3A_355, %get3A_101 : vector<16xf32>
      %swap3A_357 = arith.constant 3 : i32
      %swap3A_358 = arith.index_cast %swap3A_357 : i32 to index
      %swap3A_359 = arith.index_cast %add3A_350 : i32 to index
      %swap3A_360 = tpu.vector_load %arg8[%swap3A_358, %swap3A_359] {strides = array<i32>} : memref<16x2048xf32, #tpu.memory_space<vmem>>, vector<1x16xf32>,
      %swap3A_361 = vector.shape_cast %swap3A_360 : vector<1x16xf32> to vector<16xf32>
      %swap3A_362 = vector.shape_cast %mul3A_356 : vector<16xf32> to vector<1x16xf32>
      tpu.vector_store %arg8[%swap3A_358, %swap3A_359], %swap3A_362 {strides = array<i32>} : memref<16x2048xf32, #tpu.memory_space<vmem>>, vector<1x16xf32>,
      %add3A_363 = arith.constant 64 : i32
      %add3A_364 = arith.addi %mul3A_306, %add3A_363 : i32
      %get3A_365 = arith.constant 3 : i32
      %get3A_366 = arith.index_cast %get3A_365 : i32 to index
      %get3A_367 = arith.index_cast %add3A_364 : i32 to index
      %get3A_368 = tpu.vector_load %arg8[%get3A_366, %get3A_367] {strides = array<i32>} : memref<16x2048xf32, #tpu.memory_space<vmem>>, vector<1x16xf32>,
      %get3A_369 = vector.shape_cast %get3A_368 : vector<1x16xf32> to vector<16xf32>
      %mul3A_370 = arith.mulf %get3A_369, %get3A_101 : vector<16xf32>
      %swap3A_371 = arith.constant 3 : i32
      %swap3A_372 = arith.index_cast %swap3A_371 : i32 to index
      %swap3A_373 = arith.index_cast %add3A_364 : i32 to index
      %swap3A_374 = tpu.vector_load %arg8[%swap3A_372, %swap3A_373] {strides = array<i32>} : memref<16x2048xf32, #tpu.memory_space<vmem>>, vector<1x16xf32>,
      %swap3A_375 = vector.shape_cast %swap3A_374 : vector<1x16xf32> to vector<16xf32>
      %swap3A_376 = vector.shape_cast %mul3A_370 : vector<16xf32> to vector<1x16xf32>
      tpu.vector_store %arg8[%swap3A_372, %swap3A_373], %swap3A_376 {strides = array<i32>} : memref<16x2048xf32, #tpu.memory_space<vmem>>, vector<1x16xf32>,
      %add3A_377 = arith.constant 80 : i32
      %add3A_378 = arith.addi %mul3A_306, %add3A_377 : i32
      %get3A_379 = arith.constant 3 : i32
      %get3A_380 = arith.index_cast %get3A_379 : i32 to index
      %get3A_381 = arith.index_cast %add3A_378 : i32 to index
      %get3A_382 = tpu.vector_load %arg8[%get3A_380, %get3A_381] {strides = array<i32>} : memref<16x2048xf32, #tpu.memory_space<vmem>>, vector<1x16xf32>,
      %get3A_383 = vector.shape_cast %get3A_382 : vector<1x16xf32> to vector<16xf32>
      %mul3A_384 = arith.mulf %get3A_383, %get3A_101 : vector<16xf32>
      %swap3A_385 = arith.constant 3 : i32
      %swap3A_386 = arith.index_cast %swap3A_385 : i32 to index
      %swap3A_387 = arith.index_cast %add3A_378 : i32 to index
      %swap3A_388 = tpu.vector_load %arg8[%swap3A_386, %swap3A_387] {strides = array<i32>} : memref<16x2048xf32, #tpu.memory_space<vmem>>, vector<1x16xf32>,
      %swap3A_389 = vector.shape_cast %swap3A_388 : vector<1x16xf32> to vector<16xf32>
      %swap3A_390 = vector.shape_cast %mul3A_384 : vector<16xf32> to vector<1x16xf32>
      tpu.vector_store %arg8[%swap3A_386, %swap3A_387], %swap3A_390 {strides = array<i32>} : memref<16x2048xf32, #tpu.memory_space<vmem>>, vector<1x16xf32>,
      %add3A_391 = arith.constant 96 : i32
      %add3A_392 = arith.addi %mul3A_306, %add3A_391 : i32
      %get3A_393 = arith.constant 3 : i32
      %get3A_394 = arith.index_cast %get3A_393 : i32 to index
      %get3A_395 = arith.index_cast %add3A_392 : i32 to index
      %get3A_396 = tpu.vector_load %arg8[%get3A_394, %get3A_395] {strides = array<i32>} : memref<16x2048xf32, #tpu.memory_space<vmem>>, vector<1x16xf32>,
      %get3A_397 = vector.shape_cast %get3A_396 : vector<1x16xf32> to vector<16xf32>
      %mul3A_398 = arith.mulf %get3A_397, %get3A_101 : vector<16xf32>
      %swap3A_399 = arith.constant 3 : i32
      %swap3A_400 = arith.index_cast %swap3A_399 : i32 to index
      %swap3A_401 = arith.index_cast %add3A_392 : i32 to index
      %swap3A_402 = tpu.vector_load %arg8[%swap3A_400, %swap3A_401] {strides = array<i32>} : memref<16x2048xf32, #tpu.memory_space<vmem>>, vector<1x16xf32>,
      %swap3A_403 = vector.shape_cast %swap3A_402 : vector<1x16xf32> to vector<16xf32>
      %swap3A_404 = vector.shape_cast %mul3A_398 : vector<16xf32> to vector<1x16xf32>
      tpu.vector_store %arg8[%swap3A_400, %swap3A_401], %swap3A_404 {strides = array<i32>} : memref<16x2048xf32, #tpu.memory_space<vmem>>, vector<1x16xf32>,
      %add3A_405 = arith.constant 112 : i32
      %add3A_406 = arith.addi %mul3A_306, %add3A_405 : i32
      %get3A_407 = arith.constant 3 : i32
      %get3A_408 = arith.index_cast %get3A_407 : i32 to index
      %get3A_409 = arith.index_cast %add3A_406 : i32 to index
      %get3A_410 = tpu.vector_load %arg8[%get3A_408, %get3A_409] {strides = array<i32>} : memref<16x2048xf32, #tpu.memory_space<vmem>>, vector<1x16xf32>,
      %get3A_411 = vector.shape_cast %get3A_410 : vector<1x16xf32> to vector<16xf32>
      %mul3A_412 = arith.mulf %get3A_411, %get3A_101 : vector<16xf32>
      %swap3A_413 = arith.constant 3 : i32
      %swap3A_414 = arith.index_cast %swap3A_413 : i32 to index
      %swap3A_415 = arith.index_cast %add3A_406 : i32 to index
      %swap3A_416 = tpu.vector_load %arg8[%swap3A_414, %swap3A_415] {strides = array<i32>} : memref<16x2048xf32, #tpu.memory_space<vmem>>, vector<1x16xf32>,
      %swap3A_417 = vector.shape_cast %swap3A_416 : vector<1x16xf32> to vector<16xf32>
      %swap3A_418 = vector.shape_cast %mul3A_412 : vector<16xf32> to vector<1x16xf32>
      tpu.vector_store %arg8[%swap3A_414, %swap3A_415], %swap3A_418 {strides = array<i32>} : memref<16x2048xf32, #tpu.memory_space<vmem>>, vector<1x16xf32>,
      %scan3A_419 = arith.constant 0 : i32
      scf.yield %scan3A_419 : i32
    }
    %scan3A_108 = arith.constant 16 : i32
    %get3A_109 = arith.constant 4 : i32
    %get3A_110 = arith.index_cast %get3A_109 : i32 to index
    %get3A_111 = arith.constant 0 : index
    %get3A_112 = tpu.vector_load %arg7[%get3A_110, %get3A_111] {strides = array<i32>} : memref<16x16xf32, #tpu.memory_space<vmem>>, vector<1x16xf32>,
    %get3A_113 = vector.shape_cast %get3A_112 : vector<1x16xf32> to vector<16xf32>
    %scan3A_114 = arith.constant 0 : i32
    %scan3A_115 = arith.constant 0 : i32
    %scan3A_116 = arith.constant 16 : i32
    %scan3A_117 = arith.addi %scan3A_115, %scan3A_116 : i32
    %scan3A_118 = arith.constant 1 : i32
    %scan3A_119 = scf.for %scan3A_303 = %scan3A_115 to %scan3A_117 step %scan3A_118 iter_args(%scan3A_304 = %scan3A_114) -> (i32)  : i32 {
      %mul3A_305 = arith.constant 128 : i32
      %mul3A_306 = arith.muli %scan3A_303, %mul3A_305 : i32
      %add3A_307 = arith.constant 0 : i32
      %add3A_308 = arith.addi %mul3A_306, %add3A_307 : i32
      %get3A_309 = arith.constant 4 : i32
      %get3A_310 = arith.index_cast %get3A_309 : i32 to index
      %get3A_311 = arith.index_cast %add3A_308 : i32 to index
      %get3A_312 = tpu.vector_load %arg8[%get3A_310, %get3A_311] {strides = array<i32>} : memref<16x2048xf32, #tpu.memory_space<vmem>>, vector<1x16xf32>,
      %get3A_313 = vector.shape_cast %get3A_312 : vector<1x16xf32> to vector<16xf32>
      %mul3A_314 = arith.mulf %get3A_313, %get3A_113 : vector<16xf32>
      %swap3A_315 = arith.constant 4 : i32
      %swap3A_316 = arith.index_cast %swap3A_315 : i32 to index
      %swap3A_317 = arith.index_cast %add3A_308 : i32 to index
      %swap3A_318 = tpu.vector_load %arg8[%swap3A_316, %swap3A_317] {strides = array<i32>} : memref<16x2048xf32, #tpu.memory_space<vmem>>, vector<1x16xf32>,
      %swap3A_319 = vector.shape_cast %swap3A_318 : vector<1x16xf32> to vector<16xf32>
      %swap3A_320 = vector.shape_cast %mul3A_314 : vector<16xf32> to vector<1x16xf32>
      tpu.vector_store %arg8[%swap3A_316, %swap3A_317], %swap3A_320 {strides = array<i32>} : memref<16x2048xf32, #tpu.memory_space<vmem>>, vector<1x16xf32>,
      %add3A_321 = arith.constant 16 : i32
      %add3A_322 = arith.addi %mul3A_306, %add3A_321 : i32
      %get3A_323 = arith.constant 4 : i32
      %get3A_324 = arith.index_cast %get3A_323 : i32 to index
      %get3A_325 = arith.index_cast %add3A_322 : i32 to index
      %get3A_326 = tpu.vector_load %arg8[%get3A_324, %get3A_325] {strides = array<i32>} : memref<16x2048xf32, #tpu.memory_space<vmem>>, vector<1x16xf32>,
      %get3A_327 = vector.shape_cast %get3A_326 : vector<1x16xf32> to vector<16xf32>
      %mul3A_328 = arith.mulf %get3A_327, %get3A_113 : vector<16xf32>
      %swap3A_329 = arith.constant 4 : i32
      %swap3A_330 = arith.index_cast %swap3A_329 : i32 to index
      %swap3A_331 = arith.index_cast %add3A_322 : i32 to index
      %swap3A_332 = tpu.vector_load %arg8[%swap3A_330, %swap3A_331] {strides = array<i32>} : memref<16x2048xf32, #tpu.memory_space<vmem>>, vector<1x16xf32>,
      %swap3A_333 = vector.shape_cast %swap3A_332 : vector<1x16xf32> to vector<16xf32>
      %swap3A_334 = vector.shape_cast %mul3A_328 : vector<16xf32> to vector<1x16xf32>
      tpu.vector_store %arg8[%swap3A_330, %swap3A_331], %swap3A_334 {strides = array<i32>} : memref<16x2048xf32, #tpu.memory_space<vmem>>, vector<1x16xf32>,
      %add3A_335 = arith.constant 32 : i32
      %add3A_336 = arith.addi %mul3A_306, %add3A_335 : i32
      %get3A_337 = arith.constant 4 : i32
      %get3A_338 = arith.index_cast %get3A_337 : i32 to index
      %get3A_339 = arith.index_cast %add3A_336 : i32 to index
      %get3A_340 = tpu.vector_load %arg8[%get3A_338, %get3A_339] {strides = array<i32>} : memref<16x2048xf32, #tpu.memory_space<vmem>>, vector<1x16xf32>,
      %get3A_341 = vector.shape_cast %get3A_340 : vector<1x16xf32> to vector<16xf32>
      %mul3A_342 = arith.mulf %get3A_341, %get3A_113 : vector<16xf32>
      %swap3A_343 = arith.constant 4 : i32
      %swap3A_344 = arith.index_cast %swap3A_343 : i32 to index
      %swap3A_345 = arith.index_cast %add3A_336 : i32 to index
      %swap3A_346 = tpu.vector_load %arg8[%swap3A_344, %swap3A_345] {strides = array<i32>} : memref<16x2048xf32, #tpu.memory_space<vmem>>, vector<1x16xf32>,
      %swap3A_347 = vector.shape_cast %swap3A_346 : vector<1x16xf32> to vector<16xf32>
      %swap3A_348 = vector.shape_cast %mul3A_342 : vector<16xf32> to vector<1x16xf32>
      tpu.vector_store %arg8[%swap3A_344, %swap3A_345], %swap3A_348 {strides = array<i32>} : memref<16x2048xf32, #tpu.memory_space<vmem>>, vector<1x16xf32>,
      %add3A_349 = arith.constant 48 : i32
      %add3A_350 = arith.addi %mul3A_306, %add3A_349 : i32
      %get3A_351 = arith.constant 4 : i32
      %get3A_352 = arith.index_cast %get3A_351 : i32 to index
      %get3A_353 = arith.index_cast %add3A_350 : i32 to index
      %get3A_354 = tpu.vector_load %arg8[%get3A_352, %get3A_353] {strides = array<i32>} : memref<16x2048xf32, #tpu.memory_space<vmem>>, vector<1x16xf32>,
      %get3A_355 = vector.shape_cast %get3A_354 : vector<1x16xf32> to vector<16xf32>
      %mul3A_356 = arith.mulf %get3A_355, %get3A_113 : vector<16xf32>
      %swap3A_357 = arith.constant 4 : i32
      %swap3A_358 = arith.index_cast %swap3A_357 : i32 to index
      %swap3A_359 = arith.index_cast %add3A_350 : i32 to index
      %swap3A_360 = tpu.vector_load %arg8[%swap3A_358, %swap3A_359] {strides = array<i32>} : memref<16x2048xf32, #tpu.memory_space<vmem>>, vector<1x16xf32>,
      %swap3A_361 = vector.shape_cast %swap3A_360 : vector<1x16xf32> to vector<16xf32>
      %swap3A_362 = vector.shape_cast %mul3A_356 : vector<16xf32> to vector<1x16xf32>
      tpu.vector_store %arg8[%swap3A_358, %swap3A_359], %swap3A_362 {strides = array<i32>} : memref<16x2048xf32, #tpu.memory_space<vmem>>, vector<1x16xf32>,
      %add3A_363 = arith.constant 64 : i32
      %add3A_364 = arith.addi %mul3A_306, %add3A_363 : i32
      %get3A_365 = arith.constant 4 : i32
      %get3A_366 = arith.index_cast %get3A_365 : i32 to index
      %get3A_367 = arith.index_cast %add3A_364 : i32 to index
      %get3A_368 = tpu.vector_load %arg8[%get3A_366, %get3A_367] {strides = array<i32>} : memref<16x2048xf32, #tpu.memory_space<vmem>>, vector<1x16xf32>,
      %get3A_369 = vector.shape_cast %get3A_368 : vector<1x16xf32> to vector<16xf32>
      %mul3A_370 = arith.mulf %get3A_369, %get3A_113 : vector<16xf32>
      %swap3A_371 = arith.constant 4 : i32
      %swap3A_372 = arith.index_cast %swap3A_371 : i32 to index
      %swap3A_373 = arith.index_cast %add3A_364 : i32 to index
      %swap3A_374 = tpu.vector_load %arg8[%swap3A_372, %swap3A_373] {strides = array<i32>} : memref<16x2048xf32, #tpu.memory_space<vmem>>, vector<1x16xf32>,
      %swap3A_375 = vector.shape_cast %swap3A_374 : vector<1x16xf32> to vector<16xf32>
      %swap3A_376 = vector.shape_cast %mul3A_370 : vector<16xf32> to vector<1x16xf32>
      tpu.vector_store %arg8[%swap3A_372, %swap3A_373], %swap3A_376 {strides = array<i32>} : memref<16x2048xf32, #tpu.memory_space<vmem>>, vector<1x16xf32>,
      %add3A_377 = arith.constant 80 : i32
      %add3A_378 = arith.addi %mul3A_306, %add3A_377 : i32
      %get3A_379 = arith.constant 4 : i32
      %get3A_380 = arith.index_cast %get3A_379 : i32 to index
      %get3A_381 = arith.index_cast %add3A_378 : i32 to index
      %get3A_382 = tpu.vector_load %arg8[%get3A_380, %get3A_381] {strides = array<i32>} : memref<16x2048xf32, #tpu.memory_space<vmem>>, vector<1x16xf32>,
      %get3A_383 = vector.shape_cast %get3A_382 : vector<1x16xf32> to vector<16xf32>
      %mul3A_384 = arith.mulf %get3A_383, %get3A_113 : vector<16xf32>
      %swap3A_385 = arith.constant 4 : i32
      %swap3A_386 = arith.index_cast %swap3A_385 : i32 to index
      %swap3A_387 = arith.index_cast %add3A_378 : i32 to index
      %swap3A_388 = tpu.vector_load %arg8[%swap3A_386, %swap3A_387] {strides = array<i32>} : memref<16x2048xf32, #tpu.memory_space<vmem>>, vector<1x16xf32>,
      %swap3A_389 = vector.shape_cast %swap3A_388 : vector<1x16xf32> to vector<16xf32>
      %swap3A_390 = vector.shape_cast %mul3A_384 : vector<16xf32> to vector<1x16xf32>
      tpu.vector_store %arg8[%swap3A_386, %swap3A_387], %swap3A_390 {strides = array<i32>} : memref<16x2048xf32, #tpu.memory_space<vmem>>, vector<1x16xf32>,
      %add3A_391 = arith.constant 96 : i32
      %add3A_392 = arith.addi %mul3A_306, %add3A_391 : i32
      %get3A_393 = arith.constant 4 : i32
      %get3A_394 = arith.index_cast %get3A_393 : i32 to index
      %get3A_395 = arith.index_cast %add3A_392 : i32 to index
      %get3A_396 = tpu.vector_load %arg8[%get3A_394, %get3A_395] {strides = array<i32>} : memref<16x2048xf32, #tpu.memory_space<vmem>>, vector<1x16xf32>,
      %get3A_397 = vector.shape_cast %get3A_396 : vector<1x16xf32> to vector<16xf32>
      %mul3A_398 = arith.mulf %get3A_397, %get3A_113 : vector<16xf32>
      %swap3A_399 = arith.constant 4 : i32
      %swap3A_400 = arith.index_cast %swap3A_399 : i32 to index
      %swap3A_401 = arith.index_cast %add3A_392 : i32 to index
      %swap3A_402 = tpu.vector_load %arg8[%swap3A_400, %swap3A_401] {strides = array<i32>} : memref<16x2048xf32, #tpu.memory_space<vmem>>, vector<1x16xf32>,
      %swap3A_403 = vector.shape_cast %swap3A_402 : vector<1x16xf32> to vector<16xf32>
      %swap3A_404 = vector.shape_cast %mul3A_398 : vector<16xf32> to vector<1x16xf32>
      tpu.vector_store %arg8[%swap3A_400, %swap3A_401], %swap3A_404 {strides = array<i32>} : memref<16x2048xf32, #tpu.memory_space<vmem>>, vector<1x16xf32>,
      %add3A_405 = arith.constant 112 : i32
      %add3A_406 = arith.addi %mul3A_306, %add3A_405 : i32
      %get3A_407 = arith.constant 4 : i32
      %get3A_408 = arith.index_cast %get3A_407 : i32 to index
      %get3A_409 = arith.index_cast %add3A_406 : i32 to index
      %get3A_410 = tpu.vector_load %arg8[%get3A_408, %get3A_409] {strides = array<i32>} : memref<16x2048xf32, #tpu.memory_space<vmem>>, vector<1x16xf32>,
      %get3A_411 = vector.shape_cast %get3A_410 : vector<1x16xf32> to vector<16xf32>
      %mul3A_412 = arith.mulf %get3A_411, %get3A_113 : vector<16xf32>
      %swap3A_413 = arith.constant 4 : i32
      %swap3A_414 = arith.index_cast %swap3A_413 : i32 to index
      %swap3A_415 = arith.index_cast %add3A_406 : i32 to index
      %swap3A_416 = tpu.vector_load %arg8[%swap3A_414, %swap3A_415] {strides = array<i32>} : memref<16x2048xf32, #tpu.memory_space<vmem>>, vector<1x16xf32>,
      %swap3A_417 = vector.shape_cast %swap3A_416 : vector<1x16xf32> to vector<16xf32>
      %swap3A_418 = vector.shape_cast %mul3A_412 : vector<16xf32> to vector<1x16xf32>
      tpu.vector_store %arg8[%swap3A_414, %swap3A_415], %swap3A_418 {strides = array<i32>} : memref<16x2048xf32, #tpu.memory_space<vmem>>, vector<1x16xf32>,
      %scan3A_419 = arith.constant 0 : i32
      scf.yield %scan3A_419 : i32
    }
    %scan3A_120 = arith.constant 16 : i32
    %get3A_121 = arith.constant 5 : i32
    %get3A_122 = arith.index_cast %get3A_121 : i32 to index
    %get3A_123 = arith.constant 0 : index
    %get3A_124 = tpu.vector_load %arg7[%get3A_122, %get3A_123] {strides = array<i32>} : memref<16x16xf32, #tpu.memory_space<vmem>>, vector<1x16xf32>,
    %get3A_125 = vector.shape_cast %get3A_124 : vector<1x16xf32> to vector<16xf32>
    %scan3A_126 = arith.constant 0 : i32
    %scan3A_127 = arith.constant 0 : i32
    %scan3A_128 = arith.constant 16 : i32
    %scan3A_129 = arith.addi %scan3A_127, %scan3A_128 : i32
    %scan3A_130 = arith.constant 1 : i32
    %scan3A_131 = scf.for %scan3A_303 = %scan3A_127 to %scan3A_129 step %scan3A_130 iter_args(%scan3A_304 = %scan3A_126) -> (i32)  : i32 {
      %mul3A_305 = arith.constant 128 : i32
      %mul3A_306 = arith.muli %scan3A_303, %mul3A_305 : i32
      %add3A_307 = arith.constant 0 : i32
      %add3A_308 = arith.addi %mul3A_306, %add3A_307 : i32
      %get3A_309 = arith.constant 5 : i32
      %get3A_310 = arith.index_cast %get3A_309 : i32 to index
      %get3A_311 = arith.index_cast %add3A_308 : i32 to index
      %get3A_312 = tpu.vector_load %arg8[%get3A_310, %get3A_311] {strides = array<i32>} : memref<16x2048xf32, #tpu.memory_space<vmem>>, vector<1x16xf32>,
      %get3A_313 = vector.shape_cast %get3A_312 : vector<1x16xf32> to vector<16xf32>
      %mul3A_314 = arith.mulf %get3A_313, %get3A_125 : vector<16xf32>
      %swap3A_315 = arith.constant 5 : i32
      %swap3A_316 = arith.index_cast %swap3A_315 : i32 to index
      %swap3A_317 = arith.index_cast %add3A_308 : i32 to index
      %swap3A_318 = tpu.vector_load %arg8[%swap3A_316, %swap3A_317] {strides = array<i32>} : memref<16x2048xf32, #tpu.memory_space<vmem>>, vector<1x16xf32>,
      %swap3A_319 = vector.shape_cast %swap3A_318 : vector<1x16xf32> to vector<16xf32>
      %swap3A_320 = vector.shape_cast %mul3A_314 : vector<16xf32> to vector<1x16xf32>
      tpu.vector_store %arg8[%swap3A_316, %swap3A_317], %swap3A_320 {strides = array<i32>} : memref<16x2048xf32, #tpu.memory_space<vmem>>, vector<1x16xf32>,
      %add3A_321 = arith.constant 16 : i32
      %add3A_322 = arith.addi %mul3A_306, %add3A_321 : i32
      %get3A_323 = arith.constant 5 : i32
      %get3A_324 = arith.index_cast %get3A_323 : i32 to index
      %get3A_325 = arith.index_cast %add3A_322 : i32 to index
      %get3A_326 = tpu.vector_load %arg8[%get3A_324, %get3A_325] {strides = array<i32>} : memref<16x2048xf32, #tpu.memory_space<vmem>>, vector<1x16xf32>,
      %get3A_327 = vector.shape_cast %get3A_326 : vector<1x16xf32> to vector<16xf32>
      %mul3A_328 = arith.mulf %get3A_327, %get3A_125 : vector<16xf32>
      %swap3A_329 = arith.constant 5 : i32
      %swap3A_330 = arith.index_cast %swap3A_329 : i32 to index
      %swap3A_331 = arith.index_cast %add3A_322 : i32 to index
      %swap3A_332 = tpu.vector_load %arg8[%swap3A_330, %swap3A_331] {strides = array<i32>} : memref<16x2048xf32, #tpu.memory_space<vmem>>, vector<1x16xf32>,
      %swap3A_333 = vector.shape_cast %swap3A_332 : vector<1x16xf32> to vector<16xf32>
      %swap3A_334 = vector.shape_cast %mul3A_328 : vector<16xf32> to vector<1x16xf32>
      tpu.vector_store %arg8[%swap3A_330, %swap3A_331], %swap3A_334 {strides = array<i32>} : memref<16x2048xf32, #tpu.memory_space<vmem>>, vector<1x16xf32>,
      %add3A_335 = arith.constant 32 : i32
      %add3A_336 = arith.addi %mul3A_306, %add3A_335 : i32
      %get3A_337 = arith.constant 5 : i32
      %get3A_338 = arith.index_cast %get3A_337 : i32 to index
      %get3A_339 = arith.index_cast %add3A_336 : i32 to index
      %get3A_340 = tpu.vector_load %arg8[%get3A_338, %get3A_339] {strides = array<i32>} : memref<16x2048xf32, #tpu.memory_space<vmem>>, vector<1x16xf32>,
      %get3A_341 = vector.shape_cast %get3A_340 : vector<1x16xf32> to vector<16xf32>
      %mul3A_342 = arith.mulf %get3A_341, %get3A_125 : vector<16xf32>
      %swap3A_343 = arith.constant 5 : i32
      %swap3A_344 = arith.index_cast %swap3A_343 : i32 to index
      %swap3A_345 = arith.index_cast %add3A_336 : i32 to index
      %swap3A_346 = tpu.vector_load %arg8[%swap3A_344, %swap3A_345] {strides = array<i32>} : memref<16x2048xf32, #tpu.memory_space<vmem>>, vector<1x16xf32>,
      %swap3A_347 = vector.shape_cast %swap3A_346 : vector<1x16xf32> to vector<16xf32>
      %swap3A_348 = vector.shape_cast %mul3A_342 : vector<16xf32> to vector<1x16xf32>
      tpu.vector_store %arg8[%swap3A_344, %swap3A_345], %swap3A_348 {strides = array<i32>} : memref<16x2048xf32, #tpu.memory_space<vmem>>, vector<1x16xf32>,
      %add3A_349 = arith.constant 48 : i32
      %add3A_350 = arith.addi %mul3A_306, %add3A_349 : i32
      %get3A_351 = arith.constant 5 : i32
      %get3A_352 = arith.index_cast %get3A_351 : i32 to index
      %get3A_353 = arith.index_cast %add3A_350 : i32 to index
      %get3A_354 = tpu.vector_load %arg8[%get3A_352, %get3A_353] {strides = array<i32>} : memref<16x2048xf32, #tpu.memory_space<vmem>>, vector<1x16xf32>,
      %get3A_355 = vector.shape_cast %get3A_354 : vector<1x16xf32> to vector<16xf32>
      %mul3A_356 = arith.mulf %get3A_355, %get3A_125 : vector<16xf32>
      %swap3A_357 = arith.constant 5 : i32
      %swap3A_358 = arith.index_cast %swap3A_357 : i32 to index
      %swap3A_359 = arith.index_cast %add3A_350 : i32 to index
      %swap3A_360 = tpu.vector_load %arg8[%swap3A_358, %swap3A_359] {strides = array<i32>} : memref<16x2048xf32, #tpu.memory_space<vmem>>, vector<1x16xf32>,
      %swap3A_361 = vector.shape_cast %swap3A_360 : vector<1x16xf32> to vector<16xf32>
      %swap3A_362 = vector.shape_cast %mul3A_356 : vector<16xf32> to vector<1x16xf32>
      tpu.vector_store %arg8[%swap3A_358, %swap3A_359], %swap3A_362 {strides = array<i32>} : memref<16x2048xf32, #tpu.memory_space<vmem>>, vector<1x16xf32>,
      %add3A_363 = arith.constant 64 : i32
      %add3A_364 = arith.addi %mul3A_306, %add3A_363 : i32
      %get3A_365 = arith.constant 5 : i32
      %get3A_366 = arith.index_cast %get3A_365 : i32 to index
      %get3A_367 = arith.index_cast %add3A_364 : i32 to index
      %get3A_368 = tpu.vector_load %arg8[%get3A_366, %get3A_367] {strides = array<i32>} : memref<16x2048xf32, #tpu.memory_space<vmem>>, vector<1x16xf32>,
      %get3A_369 = vector.shape_cast %get3A_368 : vector<1x16xf32> to vector<16xf32>
      %mul3A_370 = arith.mulf %get3A_369, %get3A_125 : vector<16xf32>
      %swap3A_371 = arith.constant 5 : i32
      %swap3A_372 = arith.index_cast %swap3A_371 : i32 to index
      %swap3A_373 = arith.index_cast %add3A_364 : i32 to index
      %swap3A_374 = tpu.vector_load %arg8[%swap3A_372, %swap3A_373] {strides = array<i32>} : memref<16x2048xf32, #tpu.memory_space<vmem>>, vector<1x16xf32>,
      %swap3A_375 = vector.shape_cast %swap3A_374 : vector<1x16xf32> to vector<16xf32>
      %swap3A_376 = vector.shape_cast %mul3A_370 : vector<16xf32> to vector<1x16xf32>
      tpu.vector_store %arg8[%swap3A_372, %swap3A_373], %swap3A_376 {strides = array<i32>} : memref<16x2048xf32, #tpu.memory_space<vmem>>, vector<1x16xf32>,
      %add3A_377 = arith.constant 80 : i32
      %add3A_378 = arith.addi %mul3A_306, %add3A_377 : i32
      %get3A_379 = arith.constant 5 : i32
      %get3A_380 = arith.index_cast %get3A_379 : i32 to index
      %get3A_381 = arith.index_cast %add3A_378 : i32 to index
      %get3A_382 = tpu.vector_load %arg8[%get3A_380, %get3A_381] {strides = array<i32>} : memref<16x2048xf32, #tpu.memory_space<vmem>>, vector<1x16xf32>,
      %get3A_383 = vector.shape_cast %get3A_382 : vector<1x16xf32> to vector<16xf32>
      %mul3A_384 = arith.mulf %get3A_383, %get3A_125 : vector<16xf32>
      %swap3A_385 = arith.constant 5 : i32
      %swap3A_386 = arith.index_cast %swap3A_385 : i32 to index
      %swap3A_387 = arith.index_cast %add3A_378 : i32 to index
      %swap3A_388 = tpu.vector_load %arg8[%swap3A_386, %swap3A_387] {strides = array<i32>} : memref<16x2048xf32, #tpu.memory_space<vmem>>, vector<1x16xf32>,
      %swap3A_389 = vector.shape_cast %swap3A_388 : vector<1x16xf32> to vector<16xf32>
      %swap3A_390 = vector.shape_cast %mul3A_384 : vector<16xf32> to vector<1x16xf32>
      tpu.vector_store %arg8[%swap3A_386, %swap3A_387], %swap3A_390 {strides = array<i32>} : memref<16x2048xf32, #tpu.memory_space<vmem>>, vector<1x16xf32>,
      %add3A_391 = arith.constant 96 : i32
      %add3A_392 = arith.addi %mul3A_306, %add3A_391 : i32
      %get3A_393 = arith.constant 5 : i32
      %get3A_394 = arith.index_cast %get3A_393 : i32 to index
      %get3A_395 = arith.index_cast %add3A_392 : i32 to index
      %get3A_396 = tpu.vector_load %arg8[%get3A_394, %get3A_395] {strides = array<i32>} : memref<16x2048xf32, #tpu.memory_space<vmem>>, vector<1x16xf32>,
      %get3A_397 = vector.shape_cast %get3A_396 : vector<1x16xf32> to vector<16xf32>
      %mul3A_398 = arith.mulf %get3A_397, %get3A_125 : vector<16xf32>
      %swap3A_399 = arith.constant 5 : i32
      %swap3A_400 = arith.index_cast %swap3A_399 : i32 to index
      %swap3A_401 = arith.index_cast %add3A_392 : i32 to index
      %swap3A_402 = tpu.vector_load %arg8[%swap3A_400, %swap3A_401] {strides = array<i32>} : memref<16x2048xf32, #tpu.memory_space<vmem>>, vector<1x16xf32>,
      %swap3A_403 = vector.shape_cast %swap3A_402 : vector<1x16xf32> to vector<16xf32>
      %swap3A_404 = vector.shape_cast %mul3A_398 : vector<16xf32> to vector<1x16xf32>
      tpu.vector_store %arg8[%swap3A_400, %swap3A_401], %swap3A_404 {strides = array<i32>} : memref<16x2048xf32, #tpu.memory_space<vmem>>, vector<1x16xf32>,
      %add3A_405 = arith.constant 112 : i32
      %add3A_406 = arith.addi %mul3A_306, %add3A_405 : i32
      %get3A_407 = arith.constant 5 : i32
      %get3A_408 = arith.index_cast %get3A_407 : i32 to index
      %get3A_409 = arith.index_cast %add3A_406 : i32 to index
      %get3A_410 = tpu.vector_load %arg8[%get3A_408, %get3A_409] {strides = array<i32>} : memref<16x2048xf32, #tpu.memory_space<vmem>>, vector<1x16xf32>,
      %get3A_411 = vector.shape_cast %get3A_410 : vector<1x16xf32> to vector<16xf32>
      %mul3A_412 = arith.mulf %get3A_411, %get3A_125 : vector<16xf32>
      %swap3A_413 = arith.constant 5 : i32
      %swap3A_414 = arith.index_cast %swap3A_413 : i32 to index
      %swap3A_415 = arith.index_cast %add3A_406 : i32 to index
      %swap3A_416 = tpu.vector_load %arg8[%swap3A_414, %swap3A_415] {strides = array<i32>} : memref<16x2048xf32, #tpu.memory_space<vmem>>, vector<1x16xf32>,
      %swap3A_417 = vector.shape_cast %swap3A_416 : vector<1x16xf32> to vector<16xf32>
      %swap3A_418 = vector.shape_cast %mul3A_412 : vector<16xf32> to vector<1x16xf32>
      tpu.vector_store %arg8[%swap3A_414, %swap3A_415], %swap3A_418 {strides = array<i32>} : memref<16x2048xf32, #tpu.memory_space<vmem>>, vector<1x16xf32>,
      %scan3A_419 = arith.constant 0 : i32
      scf.yield %scan3A_419 : i32
    }
    %scan3A_132 = arith.constant 16 : i32
    %get3A_133 = arith.constant 6 : i32
    %get3A_134 = arith.index_cast %get3A_133 : i32 to index
    %get3A_135 = arith.constant 0 : index
    %get3A_136 = tpu.vector_load %arg7[%get3A_134, %get3A_135] {strides = array<i32>} : memref<16x16xf32, #tpu.memory_space<vmem>>, vector<1x16xf32>,
    %get3A_137 = vector.shape_cast %get3A_136 : vector<1x16xf32> to vector<16xf32>
    %scan3A_138 = arith.constant 0 : i32
    %scan3A_139 = arith.constant 0 : i32
    %scan3A_140 = arith.constant 16 : i32
    %scan3A_141 = arith.addi %scan3A_139, %scan3A_140 : i32
    %scan3A_142 = arith.constant 1 : i32
    %scan3A_143 = scf.for %scan3A_303 = %scan3A_139 to %scan3A_141 step %scan3A_142 iter_args(%scan3A_304 = %scan3A_138) -> (i32)  : i32 {
      %mul3A_305 = arith.constant 128 : i32
      %mul3A_306 = arith.muli %scan3A_303, %mul3A_305 : i32
      %add3A_307 = arith.constant 0 : i32
      %add3A_308 = arith.addi %mul3A_306, %add3A_307 : i32
      %get3A_309 = arith.constant 6 : i32
      %get3A_310 = arith.index_cast %get3A_309 : i32 to index
      %get3A_311 = arith.index_cast %add3A_308 : i32 to index
      %get3A_312 = tpu.vector_load %arg8[%get3A_310, %get3A_311] {strides = array<i32>} : memref<16x2048xf32, #tpu.memory_space<vmem>>, vector<1x16xf32>,
      %get3A_313 = vector.shape_cast %get3A_312 : vector<1x16xf32> to vector<16xf32>
      %mul3A_314 = arith.mulf %get3A_313, %get3A_137 : vector<16xf32>
      %swap3A_315 = arith.constant 6 : i32
      %swap3A_316 = arith.index_cast %swap3A_315 : i32 to index
      %swap3A_317 = arith.index_cast %add3A_308 : i32 to index
      %swap3A_318 = tpu.vector_load %arg8[%swap3A_316, %swap3A_317] {strides = array<i32>} : memref<16x2048xf32, #tpu.memory_space<vmem>>, vector<1x16xf32>,
      %swap3A_319 = vector.shape_cast %swap3A_318 : vector<1x16xf32> to vector<16xf32>
      %swap3A_320 = vector.shape_cast %mul3A_314 : vector<16xf32> to vector<1x16xf32>
      tpu.vector_store %arg8[%swap3A_316, %swap3A_317], %swap3A_320 {strides = array<i32>} : memref<16x2048xf32, #tpu.memory_space<vmem>>, vector<1x16xf32>,
      %add3A_321 = arith.constant 16 : i32
      %add3A_322 = arith.addi %mul3A_306, %add3A_321 : i32
      %get3A_323 = arith.constant 6 : i32
      %get3A_324 = arith.index_cast %get3A_323 : i32 to index
      %get3A_325 = arith.index_cast %add3A_322 : i32 to index
      %get3A_326 = tpu.vector_load %arg8[%get3A_324, %get3A_325] {strides = array<i32>} : memref<16x2048xf32, #tpu.memory_space<vmem>>, vector<1x16xf32>,
      %get3A_327 = vector.shape_cast %get3A_326 : vector<1x16xf32> to vector<16xf32>
      %mul3A_328 = arith.mulf %get3A_327, %get3A_137 : vector<16xf32>
      %swap3A_329 = arith.constant 6 : i32
      %swap3A_330 = arith.index_cast %swap3A_329 : i32 to index
      %swap3A_331 = arith.index_cast %add3A_322 : i32 to index
      %swap3A_332 = tpu.vector_load %arg8[%swap3A_330, %swap3A_331] {strides = array<i32>} : memref<16x2048xf32, #tpu.memory_space<vmem>>, vector<1x16xf32>,
      %swap3A_333 = vector.shape_cast %swap3A_332 : vector<1x16xf32> to vector<16xf32>
      %swap3A_334 = vector.shape_cast %mul3A_328 : vector<16xf32> to vector<1x16xf32>
      tpu.vector_store %arg8[%swap3A_330, %swap3A_331], %swap3A_334 {strides = array<i32>} : memref<16x2048xf32, #tpu.memory_space<vmem>>, vector<1x16xf32>,
      %add3A_335 = arith.constant 32 : i32
      %add3A_336 = arith.addi %mul3A_306, %add3A_335 : i32
      %get3A_337 = arith.constant 6 : i32
      %get3A_338 = arith.index_cast %get3A_337 : i32 to index
      %get3A_339 = arith.index_cast %add3A_336 : i32 to index
      %get3A_340 = tpu.vector_load %arg8[%get3A_338, %get3A_339] {strides = array<i32>} : memref<16x2048xf32, #tpu.memory_space<vmem>>, vector<1x16xf32>,
      %get3A_341 = vector.shape_cast %get3A_340 : vector<1x16xf32> to vector<16xf32>
      %mul3A_342 = arith.mulf %get3A_341, %get3A_137 : vector<16xf32>
      %swap3A_343 = arith.constant 6 : i32
      %swap3A_344 = arith.index_cast %swap3A_343 : i32 to index
      %swap3A_345 = arith.index_cast %add3A_336 : i32 to index
      %swap3A_346 = tpu.vector_load %arg8[%swap3A_344, %swap3A_345] {strides = array<i32>} : memref<16x2048xf32, #tpu.memory_space<vmem>>, vector<1x16xf32>,
      %swap3A_347 = vector.shape_cast %swap3A_346 : vector<1x16xf32> to vector<16xf32>
      %swap3A_348 = vector.shape_cast %mul3A_342 : vector<16xf32> to vector<1x16xf32>
      tpu.vector_store %arg8[%swap3A_344, %swap3A_345], %swap3A_348 {strides = array<i32>} : memref<16x2048xf32, #tpu.memory_space<vmem>>, vector<1x16xf32>,
      %add3A_349 = arith.constant 48 : i32
      %add3A_350 = arith.addi %mul3A_306, %add3A_349 : i32
      %get3A_351 = arith.constant 6 : i32
      %get3A_352 = arith.index_cast %get3A_351 : i32 to index
      %get3A_353 = arith.index_cast %add3A_350 : i32 to index
      %get3A_354 = tpu.vector_load %arg8[%get3A_352, %get3A_353] {strides = array<i32>} : memref<16x2048xf32, #tpu.memory_space<vmem>>, vector<1x16xf32>,
      %get3A_355 = vector.shape_cast %get3A_354 : vector<1x16xf32> to vector<16xf32>
      %mul3A_356 = arith.mulf %get3A_355, %get3A_137 : vector<16xf32>
      %swap3A_357 = arith.constant 6 : i32
      %swap3A_358 = arith.index_cast %swap3A_357 : i32 to index
      %swap3A_359 = arith.index_cast %add3A_350 : i32 to index
      %swap3A_360 = tpu.vector_load %arg8[%swap3A_358, %swap3A_359] {strides = array<i32>} : memref<16x2048xf32, #tpu.memory_space<vmem>>, vector<1x16xf32>,
      %swap3A_361 = vector.shape_cast %swap3A_360 : vector<1x16xf32> to vector<16xf32>
      %swap3A_362 = vector.shape_cast %mul3A_356 : vector<16xf32> to vector<1x16xf32>
      tpu.vector_store %arg8[%swap3A_358, %swap3A_359], %swap3A_362 {strides = array<i32>} : memref<16x2048xf32, #tpu.memory_space<vmem>>, vector<1x16xf32>,
      %add3A_363 = arith.constant 64 : i32
      %add3A_364 = arith.addi %mul3A_306, %add3A_363 : i32
      %get3A_365 = arith.constant 6 : i32
      %get3A_366 = arith.index_cast %get3A_365 : i32 to index
      %get3A_367 = arith.index_cast %add3A_364 : i32 to index
      %get3A_368 = tpu.vector_load %arg8[%get3A_366, %get3A_367] {strides = array<i32>} : memref<16x2048xf32, #tpu.memory_space<vmem>>, vector<1x16xf32>,
      %get3A_369 = vector.shape_cast %get3A_368 : vector<1x16xf32> to vector<16xf32>
      %mul3A_370 = arith.mulf %get3A_369, %get3A_137 : vector<16xf32>
      %swap3A_371 = arith.constant 6 : i32
      %swap3A_372 = arith.index_cast %swap3A_371 : i32 to index
      %swap3A_373 = arith.index_cast %add3A_364 : i32 to index
      %swap3A_374 = tpu.vector_load %arg8[%swap3A_372, %swap3A_373] {strides = array<i32>} : memref<16x2048xf32, #tpu.memory_space<vmem>>, vector<1x16xf32>,
      %swap3A_375 = vector.shape_cast %swap3A_374 : vector<1x16xf32> to vector<16xf32>
      %swap3A_376 = vector.shape_cast %mul3A_370 : vector<16xf32> to vector<1x16xf32>
      tpu.vector_store %arg8[%swap3A_372, %swap3A_373], %swap3A_376 {strides = array<i32>} : memref<16x2048xf32, #tpu.memory_space<vmem>>, vector<1x16xf32>,
      %add3A_377 = arith.constant 80 : i32
      %add3A_378 = arith.addi %mul3A_306, %add3A_377 : i32
      %get3A_379 = arith.constant 6 : i32
      %get3A_380 = arith.index_cast %get3A_379 : i32 to index
      %get3A_381 = arith.index_cast %add3A_378 : i32 to index
      %get3A_382 = tpu.vector_load %arg8[%get3A_380, %get3A_381] {strides = array<i32>} : memref<16x2048xf32, #tpu.memory_space<vmem>>, vector<1x16xf32>,
      %get3A_383 = vector.shape_cast %get3A_382 : vector<1x16xf32> to vector<16xf32>
      %mul3A_384 = arith.mulf %get3A_383, %get3A_137 : vector<16xf32>
      %swap3A_385 = arith.constant 6 : i32
      %swap3A_386 = arith.index_cast %swap3A_385 : i32 to index
      %swap3A_387 = arith.index_cast %add3A_378 : i32 to index
      %swap3A_388 = tpu.vector_load %arg8[%swap3A_386, %swap3A_387] {strides = array<i32>} : memref<16x2048xf32, #tpu.memory_space<vmem>>, vector<1x16xf32>,
      %swap3A_389 = vector.shape_cast %swap3A_388 : vector<1x16xf32> to vector<16xf32>
      %swap3A_390 = vector.shape_cast %mul3A_384 : vector<16xf32> to vector<1x16xf32>
      tpu.vector_store %arg8[%swap3A_386, %swap3A_387], %swap3A_390 {strides = array<i32>} : memref<16x2048xf32, #tpu.memory_space<vmem>>, vector<1x16xf32>,
      %add3A_391 = arith.constant 96 : i32
      %add3A_392 = arith.addi %mul3A_306, %add3A_391 : i32
      %get3A_393 = arith.constant 6 : i32
      %get3A_394 = arith.index_cast %get3A_393 : i32 to index
      %get3A_395 = arith.index_cast %add3A_392 : i32 to index
      %get3A_396 = tpu.vector_load %arg8[%get3A_394, %get3A_395] {strides = array<i32>} : memref<16x2048xf32, #tpu.memory_space<vmem>>, vector<1x16xf32>,
      %get3A_397 = vector.shape_cast %get3A_396 : vector<1x16xf32> to vector<16xf32>
      %mul3A_398 = arith.mulf %get3A_397, %get3A_137 : vector<16xf32>
      %swap3A_399 = arith.constant 6 : i32
      %swap3A_400 = arith.index_cast %swap3A_399 : i32 to index
      %swap3A_401 = arith.index_cast %add3A_392 : i32 to index
      %swap3A_402 = tpu.vector_load %arg8[%swap3A_400, %swap3A_401] {strides = array<i32>} : memref<16x2048xf32, #tpu.memory_space<vmem>>, vector<1x16xf32>,
      %swap3A_403 = vector.shape_cast %swap3A_402 : vector<1x16xf32> to vector<16xf32>
      %swap3A_404 = vector.shape_cast %mul3A_398 : vector<16xf32> to vector<1x16xf32>
      tpu.vector_store %arg8[%swap3A_400, %swap3A_401], %swap3A_404 {strides = array<i32>} : memref<16x2048xf32, #tpu.memory_space<vmem>>, vector<1x16xf32>,
      %add3A_405 = arith.constant 112 : i32
      %add3A_406 = arith.addi %mul3A_306, %add3A_405 : i32
      %get3A_407 = arith.constant 6 : i32
      %get3A_408 = arith.index_cast %get3A_407 : i32 to index
      %get3A_409 = arith.index_cast %add3A_406 : i32 to index
      %get3A_410 = tpu.vector_load %arg8[%get3A_408, %get3A_409] {strides = array<i32>} : memref<16x2048xf32, #tpu.memory_space<vmem>>, vector<1x16xf32>,
      %get3A_411 = vector.shape_cast %get3A_410 : vector<1x16xf32> to vector<16xf32>
      %mul3A_412 = arith.mulf %get3A_411, %get3A_137 : vector<16xf32>
      %swap3A_413 = arith.constant 6 : i32
      %swap3A_414 = arith.index_cast %swap3A_413 : i32 to index
      %swap3A_415 = arith.index_cast %add3A_406 : i32 to index
      %swap3A_416 = tpu.vector_load %arg8[%swap3A_414, %swap3A_415] {strides = array<i32>} : memref<16x2048xf32, #tpu.memory_space<vmem>>, vector<1x16xf32>,
      %swap3A_417 = vector.shape_cast %swap3A_416 : vector<1x16xf32> to vector<16xf32>
      %swap3A_418 = vector.shape_cast %mul3A_412 : vector<16xf32> to vector<1x16xf32>
      tpu.vector_store %arg8[%swap3A_414, %swap3A_415], %swap3A_418 {strides = array<i32>} : memref<16x2048xf32, #tpu.memory_space<vmem>>, vector<1x16xf32>,
      %scan3A_419 = arith.constant 0 : i32
      scf.yield %scan3A_419 : i32
    }
    %scan3A_144 = arith.constant 16 : i32
    %get3A_145 = arith.constant 7 : i32
    %get3A_146 = arith.index_cast %get3A_145 : i32 to index
    %get3A_147 = arith.constant 0 : index
    %get3A_148 = tpu.vector_load %arg7[%get3A_146, %get3A_147] {strides = array<i32>} : memref<16x16xf32, #tpu.memory_space<vmem>>, vector<1x16xf32>,
    %get3A_149 = vector.shape_cast %get3A_148 : vector<1x16xf32> to vector<16xf32>
    %scan3A_150 = arith.constant 0 : i32
    %scan3A_151 = arith.constant 0 : i32
    %scan3A_152 = arith.constant 16 : i32
    %scan3A_153 = arith.addi %scan3A_151, %scan3A_152 : i32
    %scan3A_154 = arith.constant 1 : i32
    %scan3A_155 = scf.for %scan3A_303 = %scan3A_151 to %scan3A_153 step %scan3A_154 iter_args(%scan3A_304 = %scan3A_150) -> (i32)  : i32 {
      %mul3A_305 = arith.constant 128 : i32
      %mul3A_306 = arith.muli %scan3A_303, %mul3A_305 : i32
      %add3A_307 = arith.constant 0 : i32
      %add3A_308 = arith.addi %mul3A_306, %add3A_307 : i32
      %get3A_309 = arith.constant 7 : i32
      %get3A_310 = arith.index_cast %get3A_309 : i32 to index
      %get3A_311 = arith.index_cast %add3A_308 : i32 to index
      %get3A_312 = tpu.vector_load %arg8[%get3A_310, %get3A_311] {strides = array<i32>} : memref<16x2048xf32, #tpu.memory_space<vmem>>, vector<1x16xf32>,
      %get3A_313 = vector.shape_cast %get3A_312 : vector<1x16xf32> to vector<16xf32>
      %mul3A_314 = arith.mulf %get3A_313, %get3A_149 : vector<16xf32>
      %swap3A_315 = arith.constant 7 : i32
      %swap3A_316 = arith.index_cast %swap3A_315 : i32 to index
      %swap3A_317 = arith.index_cast %add3A_308 : i32 to index
      %swap3A_318 = tpu.vector_load %arg8[%swap3A_316, %swap3A_317] {strides = array<i32>} : memref<16x2048xf32, #tpu.memory_space<vmem>>, vector<1x16xf32>,
      %swap3A_319 = vector.shape_cast %swap3A_318 : vector<1x16xf32> to vector<16xf32>
      %swap3A_320 = vector.shape_cast %mul3A_314 : vector<16xf32> to vector<1x16xf32>
      tpu.vector_store %arg8[%swap3A_316, %swap3A_317], %swap3A_320 {strides = array<i32>} : memref<16x2048xf32, #tpu.memory_space<vmem>>, vector<1x16xf32>,
      %add3A_321 = arith.constant 16 : i32
      %add3A_322 = arith.addi %mul3A_306, %add3A_321 : i32
      %get3A_323 = arith.constant 7 : i32
      %get3A_324 = arith.index_cast %get3A_323 : i32 to index
      %get3A_325 = arith.index_cast %add3A_322 : i32 to index
      %get3A_326 = tpu.vector_load %arg8[%get3A_324, %get3A_325] {strides = array<i32>} : memref<16x2048xf32, #tpu.memory_space<vmem>>, vector<1x16xf32>,
      %get3A_327 = vector.shape_cast %get3A_326 : vector<1x16xf32> to vector<16xf32>
      %mul3A_328 = arith.mulf %get3A_327, %get3A_149 : vector<16xf32>
      %swap3A_329 = arith.constant 7 : i32
      %swap3A_330 = arith.index_cast %swap3A_329 : i32 to index
      %swap3A_331 = arith.index_cast %add3A_322 : i32 to index
      %swap3A_332 = tpu.vector_load %arg8[%swap3A_330, %swap3A_331] {strides = array<i32>} : memref<16x2048xf32, #tpu.memory_space<vmem>>, vector<1x16xf32>,
      %swap3A_333 = vector.shape_cast %swap3A_332 : vector<1x16xf32> to vector<16xf32>
      %swap3A_334 = vector.shape_cast %mul3A_328 : vector<16xf32> to vector<1x16xf32>
      tpu.vector_store %arg8[%swap3A_330, %swap3A_331], %swap3A_334 {strides = array<i32>} : memref<16x2048xf32, #tpu.memory_space<vmem>>, vector<1x16xf32>,
      %add3A_335 = arith.constant 32 : i32
      %add3A_336 = arith.addi %mul3A_306, %add3A_335 : i32
      %get3A_337 = arith.constant 7 : i32
      %get3A_338 = arith.index_cast %get3A_337 : i32 to index
      %get3A_339 = arith.index_cast %add3A_336 : i32 to index
      %get3A_340 = tpu.vector_load %arg8[%get3A_338, %get3A_339] {strides = array<i32>} : memref<16x2048xf32, #tpu.memory_space<vmem>>, vector<1x16xf32>,
      %get3A_341 = vector.shape_cast %get3A_340 : vector<1x16xf32> to vector<16xf32>
      %mul3A_342 = arith.mulf %get3A_341, %get3A_149 : vector<16xf32>
      %swap3A_343 = arith.constant 7 : i32
      %swap3A_344 = arith.index_cast %swap3A_343 : i32 to index
      %swap3A_345 = arith.index_cast %add3A_336 : i32 to index
      %swap3A_346 = tpu.vector_load %arg8[%swap3A_344, %swap3A_345] {strides = array<i32>} : memref<16x2048xf32, #tpu.memory_space<vmem>>, vector<1x16xf32>,
      %swap3A_347 = vector.shape_cast %swap3A_346 : vector<1x16xf32> to vector<16xf32>
      %swap3A_348 = vector.shape_cast %mul3A_342 : vector<16xf32> to vector<1x16xf32>
      tpu.vector_store %arg8[%swap3A_344, %swap3A_345], %swap3A_348 {strides = array<i32>} : memref<16x2048xf32, #tpu.memory_space<vmem>>, vector<1x16xf32>,
      %add3A_349 = arith.constant 48 : i32
      %add3A_350 = arith.addi %mul3A_306, %add3A_349 : i32
      %get3A_351 = arith.constant 7 : i32
      %get3A_352 = arith.index_cast %get3A_351 : i32 to index
      %get3A_353 = arith.index_cast %add3A_350 : i32 to index
      %get3A_354 = tpu.vector_load %arg8[%get3A_352, %get3A_353] {strides = array<i32>} : memref<16x2048xf32, #tpu.memory_space<vmem>>, vector<1x16xf32>,
      %get3A_355 = vector.shape_cast %get3A_354 : vector<1x16xf32> to vector<16xf32>
      %mul3A_356 = arith.mulf %get3A_355, %get3A_149 : vector<16xf32>
      %swap3A_357 = arith.constant 7 : i32
      %swap3A_358 = arith.index_cast %swap3A_357 : i32 to index
      %swap3A_359 = arith.index_cast %add3A_350 : i32 to index
      %swap3A_360 = tpu.vector_load %arg8[%swap3A_358, %swap3A_359] {strides = array<i32>} : memref<16x2048xf32, #tpu.memory_space<vmem>>, vector<1x16xf32>,
      %swap3A_361 = vector.shape_cast %swap3A_360 : vector<1x16xf32> to vector<16xf32>
      %swap3A_362 = vector.shape_cast %mul3A_356 : vector<16xf32> to vector<1x16xf32>
      tpu.vector_store %arg8[%swap3A_358, %swap3A_359], %swap3A_362 {strides = array<i32>} : memref<16x2048xf32, #tpu.memory_space<vmem>>, vector<1x16xf32>,
      %add3A_363 = arith.constant 64 : i32
      %add3A_364 = arith.addi %mul3A_306, %add3A_363 : i32
      %get3A_365 = arith.constant 7 : i32
      %get3A_366 = arith.index_cast %get3A_365 : i32 to index
      %get3A_367 = arith.index_cast %add3A_364 : i32 to index
      %get3A_368 = tpu.vector_load %arg8[%get3A_366, %get3A_367] {strides = array<i32>} : memref<16x2048xf32, #tpu.memory_space<vmem>>, vector<1x16xf32>,
      %get3A_369 = vector.shape_cast %get3A_368 : vector<1x16xf32> to vector<16xf32>
      %mul3A_370 = arith.mulf %get3A_369, %get3A_149 : vector<16xf32>
      %swap3A_371 = arith.constant 7 : i32
      %swap3A_372 = arith.index_cast %swap3A_371 : i32 to index
      %swap3A_373 = arith.index_cast %add3A_364 : i32 to index
      %swap3A_374 = tpu.vector_load %arg8[%swap3A_372, %swap3A_373] {strides = array<i32>} : memref<16x2048xf32, #tpu.memory_space<vmem>>, vector<1x16xf32>,
      %swap3A_375 = vector.shape_cast %swap3A_374 : vector<1x16xf32> to vector<16xf32>
      %swap3A_376 = vector.shape_cast %mul3A_370 : vector<16xf32> to vector<1x16xf32>
      tpu.vector_store %arg8[%swap3A_372, %swap3A_373], %swap3A_376 {strides = array<i32>} : memref<16x2048xf32, #tpu.memory_space<vmem>>, vector<1x16xf32>,
      %add3A_377 = arith.constant 80 : i32
      %add3A_378 = arith.addi %mul3A_306, %add3A_377 : i32
      %get3A_379 = arith.constant 7 : i32
      %get3A_380 = arith.index_cast %get3A_379 : i32 to index
      %get3A_381 = arith.index_cast %add3A_378 : i32 to index
      %get3A_382 = tpu.vector_load %arg8[%get3A_380, %get3A_381] {strides = array<i32>} : memref<16x2048xf32, #tpu.memory_space<vmem>>, vector<1x16xf32>,
      %get3A_383 = vector.shape_cast %get3A_382 : vector<1x16xf32> to vector<16xf32>
      %mul3A_384 = arith.mulf %get3A_383, %get3A_149 : vector<16xf32>
      %swap3A_385 = arith.constant 7 : i32
      %swap3A_386 = arith.index_cast %swap3A_385 : i32 to index
      %swap3A_387 = arith.index_cast %add3A_378 : i32 to index
      %swap3A_388 = tpu.vector_load %arg8[%swap3A_386, %swap3A_387] {strides = array<i32>} : memref<16x2048xf32, #tpu.memory_space<vmem>>, vector<1x16xf32>,
      %swap3A_389 = vector.shape_cast %swap3A_388 : vector<1x16xf32> to vector<16xf32>
      %swap3A_390 = vector.shape_cast %mul3A_384 : vector<16xf32> to vector<1x16xf32>
      tpu.vector_store %arg8[%swap3A_386, %swap3A_387], %swap3A_390 {strides = array<i32>} : memref<16x2048xf32, #tpu.memory_space<vmem>>, vector<1x16xf32>,
      %add3A_391 = arith.constant 96 : i32
      %add3A_392 = arith.addi %mul3A_306, %add3A_391 : i32
      %get3A_393 = arith.constant 7 : i32
      %get3A_394 = arith.index_cast %get3A_393 : i32 to index
      %get3A_395 = arith.index_cast %add3A_392 : i32 to index
      %get3A_396 = tpu.vector_load %arg8[%get3A_394, %get3A_395] {strides = array<i32>} : memref<16x2048xf32, #tpu.memory_space<vmem>>, vector<1x16xf32>,
      %get3A_397 = vector.shape_cast %get3A_396 : vector<1x16xf32> to vector<16xf32>
      %mul3A_398 = arith.mulf %get3A_397, %get3A_149 : vector<16xf32>
      %swap3A_399 = arith.constant 7 : i32
      %swap3A_400 = arith.index_cast %swap3A_399 : i32 to index
      %swap3A_401 = arith.index_cast %add3A_392 : i32 to index
      %swap3A_402 = tpu.vector_load %arg8[%swap3A_400, %swap3A_401] {strides = array<i32>} : memref<16x2048xf32, #tpu.memory_space<vmem>>, vector<1x16xf32>,
      %swap3A_403 = vector.shape_cast %swap3A_402 : vector<1x16xf32> to vector<16xf32>
      %swap3A_404 = vector.shape_cast %mul3A_398 : vector<16xf32> to vector<1x16xf32>
      tpu.vector_store %arg8[%swap3A_400, %swap3A_401], %swap3A_404 {strides = array<i32>} : memref<16x2048xf32, #tpu.memory_space<vmem>>, vector<1x16xf32>,
      %add3A_405 = arith.constant 112 : i32
      %add3A_406 = arith.addi %mul3A_306, %add3A_405 : i32
      %get3A_407 = arith.constant 7 : i32
      %get3A_408 = arith.index_cast %get3A_407 : i32 to index
      %get3A_409 = arith.index_cast %add3A_406 : i32 to index
      %get3A_410 = tpu.vector_load %arg8[%get3A_408, %get3A_409] {strides = array<i32>} : memref<16x2048xf32, #tpu.memory_space<vmem>>, vector<1x16xf32>,
      %get3A_411 = vector.shape_cast %get3A_410 : vector<1x16xf32> to vector<16xf32>
      %mul3A_412 = arith.mulf %get3A_411, %get3A_149 : vector<16xf32>
      %swap3A_413 = arith.constant 7 : i32
      %swap3A_414 = arith.index_cast %swap3A_413 : i32 to index
      %swap3A_415 = arith.index_cast %add3A_406 : i32 to index
      %swap3A_416 = tpu.vector_load %arg8[%swap3A_414, %swap3A_415] {strides = array<i32>} : memref<16x2048xf32, #tpu.memory_space<vmem>>, vector<1x16xf32>,
      %swap3A_417 = vector.shape_cast %swap3A_416 : vector<1x16xf32> to vector<16xf32>
      %swap3A_418 = vector.shape_cast %mul3A_412 : vector<16xf32> to vector<1x16xf32>
      tpu.vector_store %arg8[%swap3A_414, %swap3A_415], %swap3A_418 {strides = array<i32>} : memref<16x2048xf32, #tpu.memory_space<vmem>>, vector<1x16xf32>,
      %scan3A_419 = arith.constant 0 : i32
      scf.yield %scan3A_419 : i32
    }
    %scan3A_156 = arith.constant 16 : i32
    %dma_start3A_157 = arith.constant 0 : i32
    %dma_start3A_158 = arith.constant 0 : i32
    %dma_start3A_159 = tpu.memref_slice %arg8[%dma_start3A_157, %dma_start3A_158] : memref<16x2048xf32, #tpu.memory_space<vmem>> -> memref<8x2048xf32, #tpu.memory_space<vmem>>
    %dma_start3A_160 = arith.constant 0 : i32
    %dma_start3A_161 = tpu.memref_slice %arg5[%mul3A_2, %dma_start3A_160] : memref<512x2048xf32, #tpu.memory_space<hbm>> -> memref<8x2048xf32, #tpu.memory_space<hbm>>
    %dma_start3A_162 = arith.constant 0 : i32
    %dma_start3A_163 = tpu.memref_slice %arg5[%mul3A_2, %dma_start3A_162] : memref<512x2048xf32, #tpu.memory_space<hbm>> -> memref<8x2048xf32, #tpu.memory_space<hbm>>
    %dma_start3A_164 = arith.constant 0 : i32
    %dma_start3A_165 = arith.constant 0 : i32
    %dma_start3A_166 = tpu.memref_slice %arg8[%dma_start3A_164, %dma_start3A_165] : memref<16x2048xf32, #tpu.memory_space<vmem>> -> memref<8x2048xf32, #tpu.memory_space<vmem>>
    tpu.enqueue_dma source(%dma_start3A_166 : memref<8x2048xf32, #tpu.memory_space<vmem>>) target(%dma_start3A_163 : memref<8x2048xf32, #tpu.memory_space<hbm>>) target_semaphore(%arg13 : memref<!tpu.dma_semaphore, #tpu.memory_space<semaphore_mem>>)
    %dma_wait3A_167 = arith.constant 8 : i32
    %dma_wait3A_168 = arith.constant 0 : i32
    %dma_wait3A_169 = tpu.memref_slice %arg8[%dma_wait3A_167, %dma_wait3A_168] : memref<16x2048xf32, #tpu.memory_space<vmem>> -> memref<8x2048xf32, #tpu.memory_space<vmem>>
    %dma_wait3A_170 = arith.constant 8 : i32
    %dma_wait3A_171 = tpu.memref_slice %arg6[%dma_wait3A_170] : memref<16xi32, #tpu.memory_space<vmem>> -> memref<8xi32, #tpu.memory_space<vmem>>
    %dma_wait3A_172 = arith.constant 0 : i32
    %dma_wait3A_173 = arith.constant 0 : i32
    %dma_wait3A_174 = tpu.memref_slice %arg2[%dma_wait3A_172, %dma_wait3A_173] : memref<16384x2048xf32, #tpu.memory_space<hbm>> -> memref<16384x2048xf32, #tpu.memory_space<hbm>>
    tpu.wait_indirect_dma semaphore(%arg12 : memref<!tpu.dma_semaphore, #tpu.memory_space<semaphore_mem>>) src(%dma_wait3A_174 : memref<16384x2048xf32, #tpu.memory_space<hbm>>) dst(%dma_wait3A_169 : memref<8x2048xf32, #tpu.memory_space<vmem>>)
    %get3A_175 = arith.constant 8 : i32
    %get3A_176 = arith.index_cast %get3A_175 : i32 to index
    %get3A_177 = arith.constant 0 : index
    %get3A_178 = tpu.vector_load %arg7[%get3A_176, %get3A_177] {strides = array<i32>} : memref<16x16xf32, #tpu.memory_space<vmem>>, vector<1x16xf32>,
    %get3A_179 = vector.shape_cast %get3A_178 : vector<1x16xf32> to vector<16xf32>
    %scan3A_180 = arith.constant 0 : i32
    %scan3A_181 = arith.constant 0 : i32
    %scan3A_182 = arith.constant 16 : i32
    %scan3A_183 = arith.addi %scan3A_181, %scan3A_182 : i32
    %scan3A_184 = arith.constant 1 : i32
    %scan3A_185 = scf.for %scan3A_303 = %scan3A_181 to %scan3A_183 step %scan3A_184 iter_args(%scan3A_304 = %scan3A_180) -> (i32)  : i32 {
      %mul3A_305 = arith.constant 128 : i32
      %mul3A_306 = arith.muli %scan3A_303, %mul3A_305 : i32
      %add3A_307 = arith.constant 0 : i32
      %add3A_308 = arith.addi %mul3A_306, %add3A_307 : i32
      %get3A_309 = arith.constant 8 : i32
      %get3A_310 = arith.index_cast %get3A_309 : i32 to index
      %get3A_311 = arith.index_cast %add3A_308 : i32 to index
      %get3A_312 = tpu.vector_load %arg8[%get3A_310, %get3A_311] {strides = array<i32>} : memref<16x2048xf32, #tpu.memory_space<vmem>>, vector<1x16xf32>,
      %get3A_313 = vector.shape_cast %get3A_312 : vector<1x16xf32> to vector<16xf32>
      %mul3A_314 = arith.mulf %get3A_313, %get3A_179 : vector<16xf32>
      %swap3A_315 = arith.constant 8 : i32
      %swap3A_316 = arith.index_cast %swap3A_315 : i32 to index
      %swap3A_317 = arith.index_cast %add3A_308 : i32 to index
      %swap3A_318 = tpu.vector_load %arg8[%swap3A_316, %swap3A_317] {strides = array<i32>} : memref<16x2048xf32, #tpu.memory_space<vmem>>, vector<1x16xf32>,
      %swap3A_319 = vector.shape_cast %swap3A_318 : vector<1x16xf32> to vector<16xf32>
      %swap3A_320 = vector.shape_cast %mul3A_314 : vector<16xf32> to vector<1x16xf32>
      tpu.vector_store %arg8[%swap3A_316, %swap3A_317], %swap3A_320 {strides = array<i32>} : memref<16x2048xf32, #tpu.memory_space<vmem>>, vector<1x16xf32>,
      %add3A_321 = arith.constant 16 : i32
      %add3A_322 = arith.addi %mul3A_306, %add3A_321 : i32
      %get3A_323 = arith.constant 8 : i32
      %get3A_324 = arith.index_cast %get3A_323 : i32 to index
      %get3A_325 = arith.index_cast %add3A_322 : i32 to index
      %get3A_326 = tpu.vector_load %arg8[%get3A_324, %get3A_325] {strides = array<i32>} : memref<16x2048xf32, #tpu.memory_space<vmem>>, vector<1x16xf32>,
      %get3A_327 = vector.shape_cast %get3A_326 : vector<1x16xf32> to vector<16xf32>
      %mul3A_328 = arith.mulf %get3A_327, %get3A_179 : vector<16xf32>
      %swap3A_329 = arith.constant 8 : i32
      %swap3A_330 = arith.index_cast %swap3A_329 : i32 to index
      %swap3A_331 = arith.index_cast %add3A_322 : i32 to index
      %swap3A_332 = tpu.vector_load %arg8[%swap3A_330, %swap3A_331] {strides = array<i32>} : memref<16x2048xf32, #tpu.memory_space<vmem>>, vector<1x16xf32>,
      %swap3A_333 = vector.shape_cast %swap3A_332 : vector<1x16xf32> to vector<16xf32>
      %swap3A_334 = vector.shape_cast %mul3A_328 : vector<16xf32> to vector<1x16xf32>
      tpu.vector_store %arg8[%swap3A_330, %swap3A_331], %swap3A_334 {strides = array<i32>} : memref<16x2048xf32, #tpu.memory_space<vmem>>, vector<1x16xf32>,
      %add3A_335 = arith.constant 32 : i32
      %add3A_336 = arith.addi %mul3A_306, %add3A_335 : i32
      %get3A_337 = arith.constant 8 : i32
      %get3A_338 = arith.index_cast %get3A_337 : i32 to index
      %get3A_339 = arith.index_cast %add3A_336 : i32 to index
      %get3A_340 = tpu.vector_load %arg8[%get3A_338, %get3A_339] {strides = array<i32>} : memref<16x2048xf32, #tpu.memory_space<vmem>>, vector<1x16xf32>,
      %get3A_341 = vector.shape_cast %get3A_340 : vector<1x16xf32> to vector<16xf32>
      %mul3A_342 = arith.mulf %get3A_341, %get3A_179 : vector<16xf32>
      %swap3A_343 = arith.constant 8 : i32
      %swap3A_344 = arith.index_cast %swap3A_343 : i32 to index
      %swap3A_345 = arith.index_cast %add3A_336 : i32 to index
      %swap3A_346 = tpu.vector_load %arg8[%swap3A_344, %swap3A_345] {strides = array<i32>} : memref<16x2048xf32, #tpu.memory_space<vmem>>, vector<1x16xf32>,
      %swap3A_347 = vector.shape_cast %swap3A_346 : vector<1x16xf32> to vector<16xf32>
      %swap3A_348 = vector.shape_cast %mul3A_342 : vector<16xf32> to vector<1x16xf32>
      tpu.vector_store %arg8[%swap3A_344, %swap3A_345], %swap3A_348 {strides = array<i32>} : memref<16x2048xf32, #tpu.memory_space<vmem>>, vector<1x16xf32>,
      %add3A_349 = arith.constant 48 : i32
      %add3A_350 = arith.addi %mul3A_306, %add3A_349 : i32
      %get3A_351 = arith.constant 8 : i32
      %get3A_352 = arith.index_cast %get3A_351 : i32 to index
      %get3A_353 = arith.index_cast %add3A_350 : i32 to index
      %get3A_354 = tpu.vector_load %arg8[%get3A_352, %get3A_353] {strides = array<i32>} : memref<16x2048xf32, #tpu.memory_space<vmem>>, vector<1x16xf32>,
      %get3A_355 = vector.shape_cast %get3A_354 : vector<1x16xf32> to vector<16xf32>
      %mul3A_356 = arith.mulf %get3A_355, %get3A_179 : vector<16xf32>
      %swap3A_357 = arith.constant 8 : i32
      %swap3A_358 = arith.index_cast %swap3A_357 : i32 to index
      %swap3A_359 = arith.index_cast %add3A_350 : i32 to index
      %swap3A_360 = tpu.vector_load %arg8[%swap3A_358, %swap3A_359] {strides = array<i32>} : memref<16x2048xf32, #tpu.memory_space<vmem>>, vector<1x16xf32>,
      %swap3A_361 = vector.shape_cast %swap3A_360 : vector<1x16xf32> to vector<16xf32>
      %swap3A_362 = vector.shape_cast %mul3A_356 : vector<16xf32> to vector<1x16xf32>
      tpu.vector_store %arg8[%swap3A_358, %swap3A_359], %swap3A_362 {strides = array<i32>} : memref<16x2048xf32, #tpu.memory_space<vmem>>, vector<1x16xf32>,
      %add3A_363 = arith.constant 64 : i32
      %add3A_364 = arith.addi %mul3A_306, %add3A_363 : i32
      %get3A_365 = arith.constant 8 : i32
      %get3A_366 = arith.index_cast %get3A_365 : i32 to index
      %get3A_367 = arith.index_cast %add3A_364 : i32 to index
      %get3A_368 = tpu.vector_load %arg8[%get3A_366, %get3A_367] {strides = array<i32>} : memref<16x2048xf32, #tpu.memory_space<vmem>>, vector<1x16xf32>,
      %get3A_369 = vector.shape_cast %get3A_368 : vector<1x16xf32> to vector<16xf32>
      %mul3A_370 = arith.mulf %get3A_369, %get3A_179 : vector<16xf32>
      %swap3A_371 = arith.constant 8 : i32
      %swap3A_372 = arith.index_cast %swap3A_371 : i32 to index
      %swap3A_373 = arith.index_cast %add3A_364 : i32 to index
      %swap3A_374 = tpu.vector_load %arg8[%swap3A_372, %swap3A_373] {strides = array<i32>} : memref<16x2048xf32, #tpu.memory_space<vmem>>, vector<1x16xf32>,
      %swap3A_375 = vector.shape_cast %swap3A_374 : vector<1x16xf32> to vector<16xf32>
      %swap3A_376 = vector.shape_cast %mul3A_370 : vector<16xf32> to vector<1x16xf32>
      tpu.vector_store %arg8[%swap3A_372, %swap3A_373], %swap3A_376 {strides = array<i32>} : memref<16x2048xf32, #tpu.memory_space<vmem>>, vector<1x16xf32>,
      %add3A_377 = arith.constant 80 : i32
      %add3A_378 = arith.addi %mul3A_306, %add3A_377 : i32
      %get3A_379 = arith.constant 8 : i32
      %get3A_380 = arith.index_cast %get3A_379 : i32 to index
      %get3A_381 = arith.index_cast %add3A_378 : i32 to index
      %get3A_382 = tpu.vector_load %arg8[%get3A_380, %get3A_381] {strides = array<i32>} : memref<16x2048xf32, #tpu.memory_space<vmem>>, vector<1x16xf32>,
      %get3A_383 = vector.shape_cast %get3A_382 : vector<1x16xf32> to vector<16xf32>
      %mul3A_384 = arith.mulf %get3A_383, %get3A_179 : vector<16xf32>
      %swap3A_385 = arith.constant 8 : i32
      %swap3A_386 = arith.index_cast %swap3A_385 : i32 to index
      %swap3A_387 = arith.index_cast %add3A_378 : i32 to index
      %swap3A_388 = tpu.vector_load %arg8[%swap3A_386, %swap3A_387] {strides = array<i32>} : memref<16x2048xf32, #tpu.memory_space<vmem>>, vector<1x16xf32>,
      %swap3A_389 = vector.shape_cast %swap3A_388 : vector<1x16xf32> to vector<16xf32>
      %swap3A_390 = vector.shape_cast %mul3A_384 : vector<16xf32> to vector<1x16xf32>
      tpu.vector_store %arg8[%swap3A_386, %swap3A_387], %swap3A_390 {strides = array<i32>} : memref<16x2048xf32, #tpu.memory_space<vmem>>, vector<1x16xf32>,
      %add3A_391 = arith.constant 96 : i32
      %add3A_392 = arith.addi %mul3A_306, %add3A_391 : i32
      %get3A_393 = arith.constant 8 : i32
      %get3A_394 = arith.index_cast %get3A_393 : i32 to index
      %get3A_395 = arith.index_cast %add3A_392 : i32 to index
      %get3A_396 = tpu.vector_load %arg8[%get3A_394, %get3A_395] {strides = array<i32>} : memref<16x2048xf32, #tpu.memory_space<vmem>>, vector<1x16xf32>,
      %get3A_397 = vector.shape_cast %get3A_396 : vector<1x16xf32> to vector<16xf32>
      %mul3A_398 = arith.mulf %get3A_397, %get3A_179 : vector<16xf32>
      %swap3A_399 = arith.constant 8 : i32
      %swap3A_400 = arith.index_cast %swap3A_399 : i32 to index
      %swap3A_401 = arith.index_cast %add3A_392 : i32 to index
      %swap3A_402 = tpu.vector_load %arg8[%swap3A_400, %swap3A_401] {strides = array<i32>} : memref<16x2048xf32, #tpu.memory_space<vmem>>, vector<1x16xf32>,
      %swap3A_403 = vector.shape_cast %swap3A_402 : vector<1x16xf32> to vector<16xf32>
      %swap3A_404 = vector.shape_cast %mul3A_398 : vector<16xf32> to vector<1x16xf32>
      tpu.vector_store %arg8[%swap3A_400, %swap3A_401], %swap3A_404 {strides = array<i32>} : memref<16x2048xf32, #tpu.memory_space<vmem>>, vector<1x16xf32>,
      %add3A_405 = arith.constant 112 : i32
      %add3A_406 = arith.addi %mul3A_306, %add3A_405 : i32
      %get3A_407 = arith.constant 8 : i32
      %get3A_408 = arith.index_cast %get3A_407 : i32 to index
      %get3A_409 = arith.index_cast %add3A_406 : i32 to index
      %get3A_410 = tpu.vector_load %arg8[%get3A_408, %get3A_409] {strides = array<i32>} : memref<16x2048xf32, #tpu.memory_space<vmem>>, vector<1x16xf32>,
      %get3A_411 = vector.shape_cast %get3A_410 : vector<1x16xf32> to vector<16xf32>
      %mul3A_412 = arith.mulf %get3A_411, %get3A_179 : vector<16xf32>
      %swap3A_413 = arith.constant 8 : i32
      %swap3A_414 = arith.index_cast %swap3A_413 : i32 to index
      %swap3A_415 = arith.index_cast %add3A_406 : i32 to index
      %swap3A_416 = tpu.vector_load %arg8[%swap3A_414, %swap3A_415] {strides = array<i32>} : memref<16x2048xf32, #tpu.memory_space<vmem>>, vector<1x16xf32>,
      %swap3A_417 = vector.shape_cast %swap3A_416 : vector<1x16xf32> to vector<16xf32>
      %swap3A_418 = vector.shape_cast %mul3A_412 : vector<16xf32> to vector<1x16xf32>
      tpu.vector_store %arg8[%swap3A_414, %swap3A_415], %swap3A_418 {strides = array<i32>} : memref<16x2048xf32, #tpu.memory_space<vmem>>, vector<1x16xf32>,
      %scan3A_419 = arith.constant 0 : i32
      scf.yield %scan3A_419 : i32
    }
    %scan3A_186 = arith.constant 16 : i32
    %get3A_187 = arith.constant 9 : i32
    %get3A_188 = arith.index_cast %get3A_187 : i32 to index
    %get3A_189 = arith.constant 0 : index
    %get3A_190 = tpu.vector_load %arg7[%get3A_188, %get3A_189] {strides = array<i32>} : memref<16x16xf32, #tpu.memory_space<vmem>>, vector<1x16xf32>,
    %get3A_191 = vector.shape_cast %get3A_190 : vector<1x16xf32> to vector<16xf32>
    %scan3A_192 = arith.constant 0 : i32
    %scan3A_193 = arith.constant 0 : i32
    %scan3A_194 = arith.constant 16 : i32
    %scan3A_195 = arith.addi %scan3A_193, %scan3A_194 : i32
    %scan3A_196 = arith.constant 1 : i32
    %scan3A_197 = scf.for %scan3A_303 = %scan3A_193 to %scan3A_195 step %scan3A_196 iter_args(%scan3A_304 = %scan3A_192) -> (i32)  : i32 {
      %mul3A_305 = arith.constant 128 : i32
      %mul3A_306 = arith.muli %scan3A_303, %mul3A_305 : i32
      %add3A_307 = arith.constant 0 : i32
      %add3A_308 = arith.addi %mul3A_306, %add3A_307 : i32
      %get3A_309 = arith.constant 9 : i32
      %get3A_310 = arith.index_cast %get3A_309 : i32 to index
      %get3A_311 = arith.index_cast %add3A_308 : i32 to index
      %get3A_312 = tpu.vector_load %arg8[%get3A_310, %get3A_311] {strides = array<i32>} : memref<16x2048xf32, #tpu.memory_space<vmem>>, vector<1x16xf32>,
      %get3A_313 = vector.shape_cast %get3A_312 : vector<1x16xf32> to vector<16xf32>
      %mul3A_314 = arith.mulf %get3A_313, %get3A_191 : vector<16xf32>
      %swap3A_315 = arith.constant 9 : i32
      %swap3A_316 = arith.index_cast %swap3A_315 : i32 to index
      %swap3A_317 = arith.index_cast %add3A_308 : i32 to index
      %swap3A_318 = tpu.vector_load %arg8[%swap3A_316, %swap3A_317] {strides = array<i32>} : memref<16x2048xf32, #tpu.memory_space<vmem>>, vector<1x16xf32>,
      %swap3A_319 = vector.shape_cast %swap3A_318 : vector<1x16xf32> to vector<16xf32>
      %swap3A_320 = vector.shape_cast %mul3A_314 : vector<16xf32> to vector<1x16xf32>
      tpu.vector_store %arg8[%swap3A_316, %swap3A_317], %swap3A_320 {strides = array<i32>} : memref<16x2048xf32, #tpu.memory_space<vmem>>, vector<1x16xf32>,
      %add3A_321 = arith.constant 16 : i32
      %add3A_322 = arith.addi %mul3A_306, %add3A_321 : i32
      %get3A_323 = arith.constant 9 : i32
      %get3A_324 = arith.index_cast %get3A_323 : i32 to index
      %get3A_325 = arith.index_cast %add3A_322 : i32 to index
      %get3A_326 = tpu.vector_load %arg8[%get3A_324, %get3A_325] {strides = array<i32>} : memref<16x2048xf32, #tpu.memory_space<vmem>>, vector<1x16xf32>,
      %get3A_327 = vector.shape_cast %get3A_326 : vector<1x16xf32> to vector<16xf32>
      %mul3A_328 = arith.mulf %get3A_327, %get3A_191 : vector<16xf32>
      %swap3A_329 = arith.constant 9 : i32
      %swap3A_330 = arith.index_cast %swap3A_329 : i32 to index
      %swap3A_331 = arith.index_cast %add3A_322 : i32 to index
      %swap3A_332 = tpu.vector_load %arg8[%swap3A_330, %swap3A_331] {strides = array<i32>} : memref<16x2048xf32, #tpu.memory_space<vmem>>, vector<1x16xf32>,
      %swap3A_333 = vector.shape_cast %swap3A_332 : vector<1x16xf32> to vector<16xf32>
      %swap3A_334 = vector.shape_cast %mul3A_328 : vector<16xf32> to vector<1x16xf32>
      tpu.vector_store %arg8[%swap3A_330, %swap3A_331], %swap3A_334 {strides = array<i32>} : memref<16x2048xf32, #tpu.memory_space<vmem>>, vector<1x16xf32>,
      %add3A_335 = arith.constant 32 : i32
      %add3A_336 = arith.addi %mul3A_306, %add3A_335 : i32
      %get3A_337 = arith.constant 9 : i32
      %get3A_338 = arith.index_cast %get3A_337 : i32 to index
      %get3A_339 = arith.index_cast %add3A_336 : i32 to index
      %get3A_340 = tpu.vector_load %arg8[%get3A_338, %get3A_339] {strides = array<i32>} : memref<16x2048xf32, #tpu.memory_space<vmem>>, vector<1x16xf32>,
      %get3A_341 = vector.shape_cast %get3A_340 : vector<1x16xf32> to vector<16xf32>
      %mul3A_342 = arith.mulf %get3A_341, %get3A_191 : vector<16xf32>
      %swap3A_343 = arith.constant 9 : i32
      %swap3A_344 = arith.index_cast %swap3A_343 : i32 to index
      %swap3A_345 = arith.index_cast %add3A_336 : i32 to index
      %swap3A_346 = tpu.vector_load %arg8[%swap3A_344, %swap3A_345] {strides = array<i32>} : memref<16x2048xf32, #tpu.memory_space<vmem>>, vector<1x16xf32>,
      %swap3A_347 = vector.shape_cast %swap3A_346 : vector<1x16xf32> to vector<16xf32>
      %swap3A_348 = vector.shape_cast %mul3A_342 : vector<16xf32> to vector<1x16xf32>
      tpu.vector_store %arg8[%swap3A_344, %swap3A_345], %swap3A_348 {strides = array<i32>} : memref<16x2048xf32, #tpu.memory_space<vmem>>, vector<1x16xf32>,
      %add3A_349 = arith.constant 48 : i32
      %add3A_350 = arith.addi %mul3A_306, %add3A_349 : i32
      %get3A_351 = arith.constant 9 : i32
      %get3A_352 = arith.index_cast %get3A_351 : i32 to index
      %get3A_353 = arith.index_cast %add3A_350 : i32 to index
      %get3A_354 = tpu.vector_load %arg8[%get3A_352, %get3A_353] {strides = array<i32>} : memref<16x2048xf32, #tpu.memory_space<vmem>>, vector<1x16xf32>,
      %get3A_355 = vector.shape_cast %get3A_354 : vector<1x16xf32> to vector<16xf32>
      %mul3A_356 = arith.mulf %get3A_355, %get3A_191 : vector<16xf32>
      %swap3A_357 = arith.constant 9 : i32
      %swap3A_358 = arith.index_cast %swap3A_357 : i32 to index
      %swap3A_359 = arith.index_cast %add3A_350 : i32 to index
      %swap3A_360 = tpu.vector_load %arg8[%swap3A_358, %swap3A_359] {strides = array<i32>} : memref<16x2048xf32, #tpu.memory_space<vmem>>, vector<1x16xf32>,
      %swap3A_361 = vector.shape_cast %swap3A_360 : vector<1x16xf32> to vector<16xf32>
      %swap3A_362 = vector.shape_cast %mul3A_356 : vector<16xf32> to vector<1x16xf32>
      tpu.vector_store %arg8[%swap3A_358, %swap3A_359], %swap3A_362 {strides = array<i32>} : memref<16x2048xf32, #tpu.memory_space<vmem>>, vector<1x16xf32>,
      %add3A_363 = arith.constant 64 : i32
      %add3A_364 = arith.addi %mul3A_306, %add3A_363 : i32
      %get3A_365 = arith.constant 9 : i32
      %get3A_366 = arith.index_cast %get3A_365 : i32 to index
      %get3A_367 = arith.index_cast %add3A_364 : i32 to index
      %get3A_368 = tpu.vector_load %arg8[%get3A_366, %get3A_367] {strides = array<i32>} : memref<16x2048xf32, #tpu.memory_space<vmem>>, vector<1x16xf32>,
      %get3A_369 = vector.shape_cast %get3A_368 : vector<1x16xf32> to vector<16xf32>
      %mul3A_370 = arith.mulf %get3A_369, %get3A_191 : vector<16xf32>
      %swap3A_371 = arith.constant 9 : i32
      %swap3A_372 = arith.index_cast %swap3A_371 : i32 to index
      %swap3A_373 = arith.index_cast %add3A_364 : i32 to index
      %swap3A_374 = tpu.vector_load %arg8[%swap3A_372, %swap3A_373] {strides = array<i32>} : memref<16x2048xf32, #tpu.memory_space<vmem>>, vector<1x16xf32>,
      %swap3A_375 = vector.shape_cast %swap3A_374 : vector<1x16xf32> to vector<16xf32>
      %swap3A_376 = vector.shape_cast %mul3A_370 : vector<16xf32> to vector<1x16xf32>
      tpu.vector_store %arg8[%swap3A_372, %swap3A_373], %swap3A_376 {strides = array<i32>} : memref<16x2048xf32, #tpu.memory_space<vmem>>, vector<1x16xf32>,
      %add3A_377 = arith.constant 80 : i32
      %add3A_378 = arith.addi %mul3A_306, %add3A_377 : i32
      %get3A_379 = arith.constant 9 : i32
      %get3A_380 = arith.index_cast %get3A_379 : i32 to index
      %get3A_381 = arith.index_cast %add3A_378 : i32 to index
      %get3A_382 = tpu.vector_load %arg8[%get3A_380, %get3A_381] {strides = array<i32>} : memref<16x2048xf32, #tpu.memory_space<vmem>>, vector<1x16xf32>,
      %get3A_383 = vector.shape_cast %get3A_382 : vector<1x16xf32> to vector<16xf32>
      %mul3A_384 = arith.mulf %get3A_383, %get3A_191 : vector<16xf32>
      %swap3A_385 = arith.constant 9 : i32
      %swap3A_386 = arith.index_cast %swap3A_385 : i32 to index
      %swap3A_387 = arith.index_cast %add3A_378 : i32 to index
      %swap3A_388 = tpu.vector_load %arg8[%swap3A_386, %swap3A_387] {strides = array<i32>} : memref<16x2048xf32, #tpu.memory_space<vmem>>, vector<1x16xf32>,
      %swap3A_389 = vector.shape_cast %swap3A_388 : vector<1x16xf32> to vector<16xf32>
      %swap3A_390 = vector.shape_cast %mul3A_384 : vector<16xf32> to vector<1x16xf32>
      tpu.vector_store %arg8[%swap3A_386, %swap3A_387], %swap3A_390 {strides = array<i32>} : memref<16x2048xf32, #tpu.memory_space<vmem>>, vector<1x16xf32>,
      %add3A_391 = arith.constant 96 : i32
      %add3A_392 = arith.addi %mul3A_306, %add3A_391 : i32
      %get3A_393 = arith.constant 9 : i32
      %get3A_394 = arith.index_cast %get3A_393 : i32 to index
      %get3A_395 = arith.index_cast %add3A_392 : i32 to index
      %get3A_396 = tpu.vector_load %arg8[%get3A_394, %get3A_395] {strides = array<i32>} : memref<16x2048xf32, #tpu.memory_space<vmem>>, vector<1x16xf32>,
      %get3A_397 = vector.shape_cast %get3A_396 : vector<1x16xf32> to vector<16xf32>
      %mul3A_398 = arith.mulf %get3A_397, %get3A_191 : vector<16xf32>
      %swap3A_399 = arith.constant 9 : i32
      %swap3A_400 = arith.index_cast %swap3A_399 : i32 to index
      %swap3A_401 = arith.index_cast %add3A_392 : i32 to index
      %swap3A_402 = tpu.vector_load %arg8[%swap3A_400, %swap3A_401] {strides = array<i32>} : memref<16x2048xf32, #tpu.memory_space<vmem>>, vector<1x16xf32>,
      %swap3A_403 = vector.shape_cast %swap3A_402 : vector<1x16xf32> to vector<16xf32>
      %swap3A_404 = vector.shape_cast %mul3A_398 : vector<16xf32> to vector<1x16xf32>
      tpu.vector_store %arg8[%swap3A_400, %swap3A_401], %swap3A_404 {strides = array<i32>} : memref<16x2048xf32, #tpu.memory_space<vmem>>, vector<1x16xf32>,
      %add3A_405 = arith.constant 112 : i32
      %add3A_406 = arith.addi %mul3A_306, %add3A_405 : i32
      %get3A_407 = arith.constant 9 : i32
      %get3A_408 = arith.index_cast %get3A_407 : i32 to index
      %get3A_409 = arith.index_cast %add3A_406 : i32 to index
      %get3A_410 = tpu.vector_load %arg8[%get3A_408, %get3A_409] {strides = array<i32>} : memref<16x2048xf32, #tpu.memory_space<vmem>>, vector<1x16xf32>,
      %get3A_411 = vector.shape_cast %get3A_410 : vector<1x16xf32> to vector<16xf32>
      %mul3A_412 = arith.mulf %get3A_411, %get3A_191 : vector<16xf32>
      %swap3A_413 = arith.constant 9 : i32
      %swap3A_414 = arith.index_cast %swap3A_413 : i32 to index
      %swap3A_415 = arith.index_cast %add3A_406 : i32 to index
      %swap3A_416 = tpu.vector_load %arg8[%swap3A_414, %swap3A_415] {strides = array<i32>} : memref<16x2048xf32, #tpu.memory_space<vmem>>, vector<1x16xf32>,
      %swap3A_417 = vector.shape_cast %swap3A_416 : vector<1x16xf32> to vector<16xf32>
      %swap3A_418 = vector.shape_cast %mul3A_412 : vector<16xf32> to vector<1x16xf32>
      tpu.vector_store %arg8[%swap3A_414, %swap3A_415], %swap3A_418 {strides = array<i32>} : memref<16x2048xf32, #tpu.memory_space<vmem>>, vector<1x16xf32>,
      %scan3A_419 = arith.constant 0 : i32
      scf.yield %scan3A_419 : i32
    }
    %scan3A_198 = arith.constant 16 : i32
    %get3A_199 = arith.constant 10 : i32
    %get3A_200 = arith.index_cast %get3A_199 : i32 to index
    %get3A_201 = arith.constant 0 : index
    %get3A_202 = tpu.vector_load %arg7[%get3A_200, %get3A_201] {strides = array<i32>} : memref<16x16xf32, #tpu.memory_space<vmem>>, vector<1x16xf32>,
    %get3A_203 = vector.shape_cast %get3A_202 : vector<1x16xf32> to vector<16xf32>
    %scan3A_204 = arith.constant 0 : i32
    %scan3A_205 = arith.constant 0 : i32
    %scan3A_206 = arith.constant 16 : i32
    %scan3A_207 = arith.addi %scan3A_205, %scan3A_206 : i32
    %scan3A_208 = arith.constant 1 : i32
    %scan3A_209 = scf.for %scan3A_303 = %scan3A_205 to %scan3A_207 step %scan3A_208 iter_args(%scan3A_304 = %scan3A_204) -> (i32)  : i32 {
      %mul3A_305 = arith.constant 128 : i32
      %mul3A_306 = arith.muli %scan3A_303, %mul3A_305 : i32
      %add3A_307 = arith.constant 0 : i32
      %add3A_308 = arith.addi %mul3A_306, %add3A_307 : i32
      %get3A_309 = arith.constant 10 : i32
      %get3A_310 = arith.index_cast %get3A_309 : i32 to index
      %get3A_311 = arith.index_cast %add3A_308 : i32 to index
      %get3A_312 = tpu.vector_load %arg8[%get3A_310, %get3A_311] {strides = array<i32>} : memref<16x2048xf32, #tpu.memory_space<vmem>>, vector<1x16xf32>,
      %get3A_313 = vector.shape_cast %get3A_312 : vector<1x16xf32> to vector<16xf32>
      %mul3A_314 = arith.mulf %get3A_313, %get3A_203 : vector<16xf32>
      %swap3A_315 = arith.constant 10 : i32
      %swap3A_316 = arith.index_cast %swap3A_315 : i32 to index
      %swap3A_317 = arith.index_cast %add3A_308 : i32 to index
      %swap3A_318 = tpu.vector_load %arg8[%swap3A_316, %swap3A_317] {strides = array<i32>} : memref<16x2048xf32, #tpu.memory_space<vmem>>, vector<1x16xf32>,
      %swap3A_319 = vector.shape_cast %swap3A_318 : vector<1x16xf32> to vector<16xf32>
      %swap3A_320 = vector.shape_cast %mul3A_314 : vector<16xf32> to vector<1x16xf32>
      tpu.vector_store %arg8[%swap3A_316, %swap3A_317], %swap3A_320 {strides = array<i32>} : memref<16x2048xf32, #tpu.memory_space<vmem>>, vector<1x16xf32>,
      %add3A_321 = arith.constant 16 : i32
      %add3A_322 = arith.addi %mul3A_306, %add3A_321 : i32
      %get3A_323 = arith.constant 10 : i32
      %get3A_324 = arith.index_cast %get3A_323 : i32 to index
      %get3A_325 = arith.index_cast %add3A_322 : i32 to index
      %get3A_326 = tpu.vector_load %arg8[%get3A_324, %get3A_325] {strides = array<i32>} : memref<16x2048xf32, #tpu.memory_space<vmem>>, vector<1x16xf32>,
      %get3A_327 = vector.shape_cast %get3A_326 : vector<1x16xf32> to vector<16xf32>
      %mul3A_328 = arith.mulf %get3A_327, %get3A_203 : vector<16xf32>
      %swap3A_329 = arith.constant 10 : i32
      %swap3A_330 = arith.index_cast %swap3A_329 : i32 to index
      %swap3A_331 = arith.index_cast %add3A_322 : i32 to index
      %swap3A_332 = tpu.vector_load %arg8[%swap3A_330, %swap3A_331] {strides = array<i32>} : memref<16x2048xf32, #tpu.memory_space<vmem>>, vector<1x16xf32>,
      %swap3A_333 = vector.shape_cast %swap3A_332 : vector<1x16xf32> to vector<16xf32>
      %swap3A_334 = vector.shape_cast %mul3A_328 : vector<16xf32> to vector<1x16xf32>
      tpu.vector_store %arg8[%swap3A_330, %swap3A_331], %swap3A_334 {strides = array<i32>} : memref<16x2048xf32, #tpu.memory_space<vmem>>, vector<1x16xf32>,
      %add3A_335 = arith.constant 32 : i32
      %add3A_336 = arith.addi %mul3A_306, %add3A_335 : i32
      %get3A_337 = arith.constant 10 : i32
      %get3A_338 = arith.index_cast %get3A_337 : i32 to index
      %get3A_339 = arith.index_cast %add3A_336 : i32 to index
      %get3A_340 = tpu.vector_load %arg8[%get3A_338, %get3A_339] {strides = array<i32>} : memref<16x2048xf32, #tpu.memory_space<vmem>>, vector<1x16xf32>,
      %get3A_341 = vector.shape_cast %get3A_340 : vector<1x16xf32> to vector<16xf32>
      %mul3A_342 = arith.mulf %get3A_341, %get3A_203 : vector<16xf32>
      %swap3A_343 = arith.constant 10 : i32
      %swap3A_344 = arith.index_cast %swap3A_343 : i32 to index
      %swap3A_345 = arith.index_cast %add3A_336 : i32 to index
      %swap3A_346 = tpu.vector_load %arg8[%swap3A_344, %swap3A_345] {strides = array<i32>} : memref<16x2048xf32, #tpu.memory_space<vmem>>, vector<1x16xf32>,
      %swap3A_347 = vector.shape_cast %swap3A_346 : vector<1x16xf32> to vector<16xf32>
      %swap3A_348 = vector.shape_cast %mul3A_342 : vector<16xf32> to vector<1x16xf32>
      tpu.vector_store %arg8[%swap3A_344, %swap3A_345], %swap3A_348 {strides = array<i32>} : memref<16x2048xf32, #tpu.memory_space<vmem>>, vector<1x16xf32>,
      %add3A_349 = arith.constant 48 : i32
      %add3A_350 = arith.addi %mul3A_306, %add3A_349 : i32
      %get3A_351 = arith.constant 10 : i32
      %get3A_352 = arith.index_cast %get3A_351 : i32 to index
      %get3A_353 = arith.index_cast %add3A_350 : i32 to index
      %get3A_354 = tpu.vector_load %arg8[%get3A_352, %get3A_353] {strides = array<i32>} : memref<16x2048xf32, #tpu.memory_space<vmem>>, vector<1x16xf32>,
      %get3A_355 = vector.shape_cast %get3A_354 : vector<1x16xf32> to vector<16xf32>
      %mul3A_356 = arith.mulf %get3A_355, %get3A_203 : vector<16xf32>
      %swap3A_357 = arith.constant 10 : i32
      %swap3A_358 = arith.index_cast %swap3A_357 : i32 to index
      %swap3A_359 = arith.index_cast %add3A_350 : i32 to index
      %swap3A_360 = tpu.vector_load %arg8[%swap3A_358, %swap3A_359] {strides = array<i32>} : memref<16x2048xf32, #tpu.memory_space<vmem>>, vector<1x16xf32>,
      %swap3A_361 = vector.shape_cast %swap3A_360 : vector<1x16xf32> to vector<16xf32>
      %swap3A_362 = vector.shape_cast %mul3A_356 : vector<16xf32> to vector<1x16xf32>
      tpu.vector_store %arg8[%swap3A_358, %swap3A_359], %swap3A_362 {strides = array<i32>} : memref<16x2048xf32, #tpu.memory_space<vmem>>, vector<1x16xf32>,
      %add3A_363 = arith.constant 64 : i32
      %add3A_364 = arith.addi %mul3A_306, %add3A_363 : i32
      %get3A_365 = arith.constant 10 : i32
      %get3A_366 = arith.index_cast %get3A_365 : i32 to index
      %get3A_367 = arith.index_cast %add3A_364 : i32 to index
      %get3A_368 = tpu.vector_load %arg8[%get3A_366, %get3A_367] {strides = array<i32>} : memref<16x2048xf32, #tpu.memory_space<vmem>>, vector<1x16xf32>,
      %get3A_369 = vector.shape_cast %get3A_368 : vector<1x16xf32> to vector<16xf32>
      %mul3A_370 = arith.mulf %get3A_369, %get3A_203 : vector<16xf32>
      %swap3A_371 = arith.constant 10 : i32
      %swap3A_372 = arith.index_cast %swap3A_371 : i32 to index
      %swap3A_373 = arith.index_cast %add3A_364 : i32 to index
      %swap3A_374 = tpu.vector_load %arg8[%swap3A_372, %swap3A_373] {strides = array<i32>} : memref<16x2048xf32, #tpu.memory_space<vmem>>, vector<1x16xf32>,
      %swap3A_375 = vector.shape_cast %swap3A_374 : vector<1x16xf32> to vector<16xf32>
      %swap3A_376 = vector.shape_cast %mul3A_370 : vector<16xf32> to vector<1x16xf32>
      tpu.vector_store %arg8[%swap3A_372, %swap3A_373], %swap3A_376 {strides = array<i32>} : memref<16x2048xf32, #tpu.memory_space<vmem>>, vector<1x16xf32>,
      %add3A_377 = arith.constant 80 : i32
      %add3A_378 = arith.addi %mul3A_306, %add3A_377 : i32
      %get3A_379 = arith.constant 10 : i32
      %get3A_380 = arith.index_cast %get3A_379 : i32 to index
      %get3A_381 = arith.index_cast %add3A_378 : i32 to index
      %get3A_382 = tpu.vector_load %arg8[%get3A_380, %get3A_381] {strides = array<i32>} : memref<16x2048xf32, #tpu.memory_space<vmem>>, vector<1x16xf32>,
      %get3A_383 = vector.shape_cast %get3A_382 : vector<1x16xf32> to vector<16xf32>
      %mul3A_384 = arith.mulf %get3A_383, %get3A_203 : vector<16xf32>
      %swap3A_385 = arith.constant 10 : i32
      %swap3A_386 = arith.index_cast %swap3A_385 : i32 to index
      %swap3A_387 = arith.index_cast %add3A_378 : i32 to index
      %swap3A_388 = tpu.vector_load %arg8[%swap3A_386, %swap3A_387] {strides = array<i32>} : memref<16x2048xf32, #tpu.memory_space<vmem>>, vector<1x16xf32>,
      %swap3A_389 = vector.shape_cast %swap3A_388 : vector<1x16xf32> to vector<16xf32>
      %swap3A_390 = vector.shape_cast %mul3A_384 : vector<16xf32> to vector<1x16xf32>
      tpu.vector_store %arg8[%swap3A_386, %swap3A_387], %swap3A_390 {strides = array<i32>} : memref<16x2048xf32, #tpu.memory_space<vmem>>, vector<1x16xf32>,
      %add3A_391 = arith.constant 96 : i32
      %add3A_392 = arith.addi %mul3A_306, %add3A_391 : i32
      %get3A_393 = arith.constant 10 : i32
      %get3A_394 = arith.index_cast %get3A_393 : i32 to index
      %get3A_395 = arith.index_cast %add3A_392 : i32 to index
      %get3A_396 = tpu.vector_load %arg8[%get3A_394, %get3A_395] {strides = array<i32>} : memref<16x2048xf32, #tpu.memory_space<vmem>>, vector<1x16xf32>,
      %get3A_397 = vector.shape_cast %get3A_396 : vector<1x16xf32> to vector<16xf32>
      %mul3A_398 = arith.mulf %get3A_397, %get3A_203 : vector<16xf32>
      %swap3A_399 = arith.constant 10 : i32
      %swap3A_400 = arith.index_cast %swap3A_399 : i32 to index
      %swap3A_401 = arith.index_cast %add3A_392 : i32 to index
      %swap3A_402 = tpu.vector_load %arg8[%swap3A_400, %swap3A_401] {strides = array<i32>} : memref<16x2048xf32, #tpu.memory_space<vmem>>, vector<1x16xf32>,
      %swap3A_403 = vector.shape_cast %swap3A_402 : vector<1x16xf32> to vector<16xf32>
      %swap3A_404 = vector.shape_cast %mul3A_398 : vector<16xf32> to vector<1x16xf32>
      tpu.vector_store %arg8[%swap3A_400, %swap3A_401], %swap3A_404 {strides = array<i32>} : memref<16x2048xf32, #tpu.memory_space<vmem>>, vector<1x16xf32>,
      %add3A_405 = arith.constant 112 : i32
      %add3A_406 = arith.addi %mul3A_306, %add3A_405 : i32
      %get3A_407 = arith.constant 10 : i32
      %get3A_408 = arith.index_cast %get3A_407 : i32 to index
      %get3A_409 = arith.index_cast %add3A_406 : i32 to index
      %get3A_410 = tpu.vector_load %arg8[%get3A_408, %get3A_409] {strides = array<i32>} : memref<16x2048xf32, #tpu.memory_space<vmem>>, vector<1x16xf32>,
      %get3A_411 = vector.shape_cast %get3A_410 : vector<1x16xf32> to vector<16xf32>
      %mul3A_412 = arith.mulf %get3A_411, %get3A_203 : vector<16xf32>
      %swap3A_413 = arith.constant 10 : i32
      %swap3A_414 = arith.index_cast %swap3A_413 : i32 to index
      %swap3A_415 = arith.index_cast %add3A_406 : i32 to index
      %swap3A_416 = tpu.vector_load %arg8[%swap3A_414, %swap3A_415] {strides = array<i32>} : memref<16x2048xf32, #tpu.memory_space<vmem>>, vector<1x16xf32>,
      %swap3A_417 = vector.shape_cast %swap3A_416 : vector<1x16xf32> to vector<16xf32>
      %swap3A_418 = vector.shape_cast %mul3A_412 : vector<16xf32> to vector<1x16xf32>
      tpu.vector_store %arg8[%swap3A_414, %swap3A_415], %swap3A_418 {strides = array<i32>} : memref<16x2048xf32, #tpu.memory_space<vmem>>, vector<1x16xf32>,
      %scan3A_419 = arith.constant 0 : i32
      scf.yield %scan3A_419 : i32
    }
    %scan3A_210 = arith.constant 16 : i32
    %get3A_211 = arith.constant 11 : i32
    %get3A_212 = arith.index_cast %get3A_211 : i32 to index
    %get3A_213 = arith.constant 0 : index
    %get3A_214 = tpu.vector_load %arg7[%get3A_212, %get3A_213] {strides = array<i32>} : memref<16x16xf32, #tpu.memory_space<vmem>>, vector<1x16xf32>,
    %get3A_215 = vector.shape_cast %get3A_214 : vector<1x16xf32> to vector<16xf32>
    %scan3A_216 = arith.constant 0 : i32
    %scan3A_217 = arith.constant 0 : i32
    %scan3A_218 = arith.constant 16 : i32
    %scan3A_219 = arith.addi %scan3A_217, %scan3A_218 : i32
    %scan3A_220 = arith.constant 1 : i32
    %scan3A_221 = scf.for %scan3A_303 = %scan3A_217 to %scan3A_219 step %scan3A_220 iter_args(%scan3A_304 = %scan3A_216) -> (i32)  : i32 {
      %mul3A_305 = arith.constant 128 : i32
      %mul3A_306 = arith.muli %scan3A_303, %mul3A_305 : i32
      %add3A_307 = arith.constant 0 : i32
      %add3A_308 = arith.addi %mul3A_306, %add3A_307 : i32
      %get3A_309 = arith.constant 11 : i32
      %get3A_310 = arith.index_cast %get3A_309 : i32 to index
      %get3A_311 = arith.index_cast %add3A_308 : i32 to index
      %get3A_312 = tpu.vector_load %arg8[%get3A_310, %get3A_311] {strides = array<i32>} : memref<16x2048xf32, #tpu.memory_space<vmem>>, vector<1x16xf32>,
      %get3A_313 = vector.shape_cast %get3A_312 : vector<1x16xf32> to vector<16xf32>
      %mul3A_314 = arith.mulf %get3A_313, %get3A_215 : vector<16xf32>
      %swap3A_315 = arith.constant 11 : i32
      %swap3A_316 = arith.index_cast %swap3A_315 : i32 to index
      %swap3A_317 = arith.index_cast %add3A_308 : i32 to index
      %swap3A_318 = tpu.vector_load %arg8[%swap3A_316, %swap3A_317] {strides = array<i32>} : memref<16x2048xf32, #tpu.memory_space<vmem>>, vector<1x16xf32>,
      %swap3A_319 = vector.shape_cast %swap3A_318 : vector<1x16xf32> to vector<16xf32>
      %swap3A_320 = vector.shape_cast %mul3A_314 : vector<16xf32> to vector<1x16xf32>
      tpu.vector_store %arg8[%swap3A_316, %swap3A_317], %swap3A_320 {strides = array<i32>} : memref<16x2048xf32, #tpu.memory_space<vmem>>, vector<1x16xf32>,
      %add3A_321 = arith.constant 16 : i32
      %add3A_322 = arith.addi %mul3A_306, %add3A_321 : i32
      %get3A_323 = arith.constant 11 : i32
      %get3A_324 = arith.index_cast %get3A_323 : i32 to index
      %get3A_325 = arith.index_cast %add3A_322 : i32 to index
      %get3A_326 = tpu.vector_load %arg8[%get3A_324, %get3A_325] {strides = array<i32>} : memref<16x2048xf32, #tpu.memory_space<vmem>>, vector<1x16xf32>,
      %get3A_327 = vector.shape_cast %get3A_326 : vector<1x16xf32> to vector<16xf32>
      %mul3A_328 = arith.mulf %get3A_327, %get3A_215 : vector<16xf32>
      %swap3A_329 = arith.constant 11 : i32
      %swap3A_330 = arith.index_cast %swap3A_329 : i32 to index
      %swap3A_331 = arith.index_cast %add3A_322 : i32 to index
      %swap3A_332 = tpu.vector_load %arg8[%swap3A_330, %swap3A_331] {strides = array<i32>} : memref<16x2048xf32, #tpu.memory_space<vmem>>, vector<1x16xf32>,
      %swap3A_333 = vector.shape_cast %swap3A_332 : vector<1x16xf32> to vector<16xf32>
      %swap3A_334 = vector.shape_cast %mul3A_328 : vector<16xf32> to vector<1x16xf32>
      tpu.vector_store %arg8[%swap3A_330, %swap3A_331], %swap3A_334 {strides = array<i32>} : memref<16x2048xf32, #tpu.memory_space<vmem>>, vector<1x16xf32>,
      %add3A_335 = arith.constant 32 : i32
      %add3A_336 = arith.addi %mul3A_306, %add3A_335 : i32
      %get3A_337 = arith.constant 11 : i32
      %get3A_338 = arith.index_cast %get3A_337 : i32 to index
      %get3A_339 = arith.index_cast %add3A_336 : i32 to index
      %get3A_340 = tpu.vector_load %arg8[%get3A_338, %get3A_339] {strides = array<i32>} : memref<16x2048xf32, #tpu.memory_space<vmem>>, vector<1x16xf32>,
      %get3A_341 = vector.shape_cast %get3A_340 : vector<1x16xf32> to vector<16xf32>
      %mul3A_342 = arith.mulf %get3A_341, %get3A_215 : vector<16xf32>
      %swap3A_343 = arith.constant 11 : i32
      %swap3A_344 = arith.index_cast %swap3A_343 : i32 to index
      %swap3A_345 = arith.index_cast %add3A_336 : i32 to index
      %swap3A_346 = tpu.vector_load %arg8[%swap3A_344, %swap3A_345] {strides = array<i32>} : memref<16x2048xf32, #tpu.memory_space<vmem>>, vector<1x16xf32>,
      %swap3A_347 = vector.shape_cast %swap3A_346 : vector<1x16xf32> to vector<16xf32>
      %swap3A_348 = vector.shape_cast %mul3A_342 : vector<16xf32> to vector<1x16xf32>
      tpu.vector_store %arg8[%swap3A_344, %swap3A_345], %swap3A_348 {strides = array<i32>} : memref<16x2048xf32, #tpu.memory_space<vmem>>, vector<1x16xf32>,
      %add3A_349 = arith.constant 48 : i32
      %add3A_350 = arith.addi %mul3A_306, %add3A_349 : i32
      %get3A_351 = arith.constant 11 : i32
      %get3A_352 = arith.index_cast %get3A_351 : i32 to index
      %get3A_353 = arith.index_cast %add3A_350 : i32 to index
      %get3A_354 = tpu.vector_load %arg8[%get3A_352, %get3A_353] {strides = array<i32>} : memref<16x2048xf32, #tpu.memory_space<vmem>>, vector<1x16xf32>,
      %get3A_355 = vector.shape_cast %get3A_354 : vector<1x16xf32> to vector<16xf32>
      %mul3A_356 = arith.mulf %get3A_355, %get3A_215 : vector<16xf32>
      %swap3A_357 = arith.constant 11 : i32
      %swap3A_358 = arith.index_cast %swap3A_357 : i32 to index
      %swap3A_359 = arith.index_cast %add3A_350 : i32 to index
      %swap3A_360 = tpu.vector_load %arg8[%swap3A_358, %swap3A_359] {strides = array<i32>} : memref<16x2048xf32, #tpu.memory_space<vmem>>, vector<1x16xf32>,
      %swap3A_361 = vector.shape_cast %swap3A_360 : vector<1x16xf32> to vector<16xf32>
      %swap3A_362 = vector.shape_cast %mul3A_356 : vector<16xf32> to vector<1x16xf32>
      tpu.vector_store %arg8[%swap3A_358, %swap3A_359], %swap3A_362 {strides = array<i32>} : memref<16x2048xf32, #tpu.memory_space<vmem>>, vector<1x16xf32>,
      %add3A_363 = arith.constant 64 : i32
      %add3A_364 = arith.addi %mul3A_306, %add3A_363 : i32
      %get3A_365 = arith.constant 11 : i32
      %get3A_366 = arith.index_cast %get3A_365 : i32 to index
      %get3A_367 = arith.index_cast %add3A_364 : i32 to index
      %get3A_368 = tpu.vector_load %arg8[%get3A_366, %get3A_367] {strides = array<i32>} : memref<16x2048xf32, #tpu.memory_space<vmem>>, vector<1x16xf32>,
      %get3A_369 = vector.shape_cast %get3A_368 : vector<1x16xf32> to vector<16xf32>
      %mul3A_370 = arith.mulf %get3A_369, %get3A_215 : vector<16xf32>
      %swap3A_371 = arith.constant 11 : i32
      %swap3A_372 = arith.index_cast %swap3A_371 : i32 to index
      %swap3A_373 = arith.index_cast %add3A_364 : i32 to index
      %swap3A_374 = tpu.vector_load %arg8[%swap3A_372, %swap3A_373] {strides = array<i32>} : memref<16x2048xf32, #tpu.memory_space<vmem>>, vector<1x16xf32>,
      %swap3A_375 = vector.shape_cast %swap3A_374 : vector<1x16xf32> to vector<16xf32>
      %swap3A_376 = vector.shape_cast %mul3A_370 : vector<16xf32> to vector<1x16xf32>
      tpu.vector_store %arg8[%swap3A_372, %swap3A_373], %swap3A_376 {strides = array<i32>} : memref<16x2048xf32, #tpu.memory_space<vmem>>, vector<1x16xf32>,
      %add3A_377 = arith.constant 80 : i32
      %add3A_378 = arith.addi %mul3A_306, %add3A_377 : i32
      %get3A_379 = arith.constant 11 : i32
      %get3A_380 = arith.index_cast %get3A_379 : i32 to index
      %get3A_381 = arith.index_cast %add3A_378 : i32 to index
      %get3A_382 = tpu.vector_load %arg8[%get3A_380, %get3A_381] {strides = array<i32>} : memref<16x2048xf32, #tpu.memory_space<vmem>>, vector<1x16xf32>,
      %get3A_383 = vector.shape_cast %get3A_382 : vector<1x16xf32> to vector<16xf32>
      %mul3A_384 = arith.mulf %get3A_383, %get3A_215 : vector<16xf32>
      %swap3A_385 = arith.constant 11 : i32
      %swap3A_386 = arith.index_cast %swap3A_385 : i32 to index
      %swap3A_387 = arith.index_cast %add3A_378 : i32 to index
      %swap3A_388 = tpu.vector_load %arg8[%swap3A_386, %swap3A_387] {strides = array<i32>} : memref<16x2048xf32, #tpu.memory_space<vmem>>, vector<1x16xf32>,
      %swap3A_389 = vector.shape_cast %swap3A_388 : vector<1x16xf32> to vector<16xf32>
      %swap3A_390 = vector.shape_cast %mul3A_384 : vector<16xf32> to vector<1x16xf32>
      tpu.vector_store %arg8[%swap3A_386, %swap3A_387], %swap3A_390 {strides = array<i32>} : memref<16x2048xf32, #tpu.memory_space<vmem>>, vector<1x16xf32>,
      %add3A_391 = arith.constant 96 : i32
      %add3A_392 = arith.addi %mul3A_306, %add3A_391 : i32
      %get3A_393 = arith.constant 11 : i32
      %get3A_394 = arith.index_cast %get3A_393 : i32 to index
      %get3A_395 = arith.index_cast %add3A_392 : i32 to index
      %get3A_396 = tpu.vector_load %arg8[%get3A_394, %get3A_395] {strides = array<i32>} : memref<16x2048xf32, #tpu.memory_space<vmem>>, vector<1x16xf32>,
      %get3A_397 = vector.shape_cast %get3A_396 : vector<1x16xf32> to vector<16xf32>
      %mul3A_398 = arith.mulf %get3A_397, %get3A_215 : vector<16xf32>
      %swap3A_399 = arith.constant 11 : i32
      %swap3A_400 = arith.index_cast %swap3A_399 : i32 to index
      %swap3A_401 = arith.index_cast %add3A_392 : i32 to index
      %swap3A_402 = tpu.vector_load %arg8[%swap3A_400, %swap3A_401] {strides = array<i32>} : memref<16x2048xf32, #tpu.memory_space<vmem>>, vector<1x16xf32>,
      %swap3A_403 = vector.shape_cast %swap3A_402 : vector<1x16xf32> to vector<16xf32>
      %swap3A_404 = vector.shape_cast %mul3A_398 : vector<16xf32> to vector<1x16xf32>
      tpu.vector_store %arg8[%swap3A_400, %swap3A_401], %swap3A_404 {strides = array<i32>} : memref<16x2048xf32, #tpu.memory_space<vmem>>, vector<1x16xf32>,
      %add3A_405 = arith.constant 112 : i32
      %add3A_406 = arith.addi %mul3A_306, %add3A_405 : i32
      %get3A_407 = arith.constant 11 : i32
      %get3A_408 = arith.index_cast %get3A_407 : i32 to index
      %get3A_409 = arith.index_cast %add3A_406 : i32 to index
      %get3A_410 = tpu.vector_load %arg8[%get3A_408, %get3A_409] {strides = array<i32>} : memref<16x2048xf32, #tpu.memory_space<vmem>>, vector<1x16xf32>,
      %get3A_411 = vector.shape_cast %get3A_410 : vector<1x16xf32> to vector<16xf32>
      %mul3A_412 = arith.mulf %get3A_411, %get3A_215 : vector<16xf32>
      %swap3A_413 = arith.constant 11 : i32
      %swap3A_414 = arith.index_cast %swap3A_413 : i32 to index
      %swap3A_415 = arith.index_cast %add3A_406 : i32 to index
      %swap3A_416 = tpu.vector_load %arg8[%swap3A_414, %swap3A_415] {strides = array<i32>} : memref<16x2048xf32, #tpu.memory_space<vmem>>, vector<1x16xf32>,
      %swap3A_417 = vector.shape_cast %swap3A_416 : vector<1x16xf32> to vector<16xf32>
      %swap3A_418 = vector.shape_cast %mul3A_412 : vector<16xf32> to vector<1x16xf32>
      tpu.vector_store %arg8[%swap3A_414, %swap3A_415], %swap3A_418 {strides = array<i32>} : memref<16x2048xf32, #tpu.memory_space<vmem>>, vector<1x16xf32>,
      %scan3A_419 = arith.constant 0 : i32
      scf.yield %scan3A_419 : i32
    }
    %scan3A_222 = arith.constant 16 : i32
    %get3A_223 = arith.constant 12 : i32
    %get3A_224 = arith.index_cast %get3A_223 : i32 to index
    %get3A_225 = arith.constant 0 : index
    %get3A_226 = tpu.vector_load %arg7[%get3A_224, %get3A_225] {strides = array<i32>} : memref<16x16xf32, #tpu.memory_space<vmem>>, vector<1x16xf32>,
    %get3A_227 = vector.shape_cast %get3A_226 : vector<1x16xf32> to vector<16xf32>
    %scan3A_228 = arith.constant 0 : i32
    %scan3A_229 = arith.constant 0 : i32
    %scan3A_230 = arith.constant 16 : i32
    %scan3A_231 = arith.addi %scan3A_229, %scan3A_230 : i32
    %scan3A_232 = arith.constant 1 : i32
    %scan3A_233 = scf.for %scan3A_303 = %scan3A_229 to %scan3A_231 step %scan3A_232 iter_args(%scan3A_304 = %scan3A_228) -> (i32)  : i32 {
      %mul3A_305 = arith.constant 128 : i32
      %mul3A_306 = arith.muli %scan3A_303, %mul3A_305 : i32
      %add3A_307 = arith.constant 0 : i32
      %add3A_308 = arith.addi %mul3A_306, %add3A_307 : i32
      %get3A_309 = arith.constant 12 : i32
      %get3A_310 = arith.index_cast %get3A_309 : i32 to index
      %get3A_311 = arith.index_cast %add3A_308 : i32 to index
      %get3A_312 = tpu.vector_load %arg8[%get3A_310, %get3A_311] {strides = array<i32>} : memref<16x2048xf32, #tpu.memory_space<vmem>>, vector<1x16xf32>,
      %get3A_313 = vector.shape_cast %get3A_312 : vector<1x16xf32> to vector<16xf32>
      %mul3A_314 = arith.mulf %get3A_313, %get3A_227 : vector<16xf32>
      %swap3A_315 = arith.constant 12 : i32
      %swap3A_316 = arith.index_cast %swap3A_315 : i32 to index
      %swap3A_317 = arith.index_cast %add3A_308 : i32 to index
      %swap3A_318 = tpu.vector_load %arg8[%swap3A_316, %swap3A_317] {strides = array<i32>} : memref<16x2048xf32, #tpu.memory_space<vmem>>, vector<1x16xf32>,
      %swap3A_319 = vector.shape_cast %swap3A_318 : vector<1x16xf32> to vector<16xf32>
      %swap3A_320 = vector.shape_cast %mul3A_314 : vector<16xf32> to vector<1x16xf32>
      tpu.vector_store %arg8[%swap3A_316, %swap3A_317], %swap3A_320 {strides = array<i32>} : memref<16x2048xf32, #tpu.memory_space<vmem>>, vector<1x16xf32>,
      %add3A_321 = arith.constant 16 : i32
      %add3A_322 = arith.addi %mul3A_306, %add3A_321 : i32
      %get3A_323 = arith.constant 12 : i32
      %get3A_324 = arith.index_cast %get3A_323 : i32 to index
      %get3A_325 = arith.index_cast %add3A_322 : i32 to index
      %get3A_326 = tpu.vector_load %arg8[%get3A_324, %get3A_325] {strides = array<i32>} : memref<16x2048xf32, #tpu.memory_space<vmem>>, vector<1x16xf32>,
      %get3A_327 = vector.shape_cast %get3A_326 : vector<1x16xf32> to vector<16xf32>
      %mul3A_328 = arith.mulf %get3A_327, %get3A_227 : vector<16xf32>
      %swap3A_329 = arith.constant 12 : i32
      %swap3A_330 = arith.index_cast %swap3A_329 : i32 to index
      %swap3A_331 = arith.index_cast %add3A_322 : i32 to index
      %swap3A_332 = tpu.vector_load %arg8[%swap3A_330, %swap3A_331] {strides = array<i32>} : memref<16x2048xf32, #tpu.memory_space<vmem>>, vector<1x16xf32>,
      %swap3A_333 = vector.shape_cast %swap3A_332 : vector<1x16xf32> to vector<16xf32>
      %swap3A_334 = vector.shape_cast %mul3A_328 : vector<16xf32> to vector<1x16xf32>
      tpu.vector_store %arg8[%swap3A_330, %swap3A_331], %swap3A_334 {strides = array<i32>} : memref<16x2048xf32, #tpu.memory_space<vmem>>, vector<1x16xf32>,
      %add3A_335 = arith.constant 32 : i32
      %add3A_336 = arith.addi %mul3A_306, %add3A_335 : i32
      %get3A_337 = arith.constant 12 : i32
      %get3A_338 = arith.index_cast %get3A_337 : i32 to index
      %get3A_339 = arith.index_cast %add3A_336 : i32 to index
      %get3A_340 = tpu.vector_load %arg8[%get3A_338, %get3A_339] {strides = array<i32>} : memref<16x2048xf32, #tpu.memory_space<vmem>>, vector<1x16xf32>,
      %get3A_341 = vector.shape_cast %get3A_340 : vector<1x16xf32> to vector<16xf32>
      %mul3A_342 = arith.mulf %get3A_341, %get3A_227 : vector<16xf32>
      %swap3A_343 = arith.constant 12 : i32
      %swap3A_344 = arith.index_cast %swap3A_343 : i32 to index
      %swap3A_345 = arith.index_cast %add3A_336 : i32 to index
      %swap3A_346 = tpu.vector_load %arg8[%swap3A_344, %swap3A_345] {strides = array<i32>} : memref<16x2048xf32, #tpu.memory_space<vmem>>, vector<1x16xf32>,
      %swap3A_347 = vector.shape_cast %swap3A_346 : vector<1x16xf32> to vector<16xf32>
      %swap3A_348 = vector.shape_cast %mul3A_342 : vector<16xf32> to vector<1x16xf32>
      tpu.vector_store %arg8[%swap3A_344, %swap3A_345], %swap3A_348 {strides = array<i32>} : memref<16x2048xf32, #tpu.memory_space<vmem>>, vector<1x16xf32>,
      %add3A_349 = arith.constant 48 : i32
      %add3A_350 = arith.addi %mul3A_306, %add3A_349 : i32
      %get3A_351 = arith.constant 12 : i32
      %get3A_352 = arith.index_cast %get3A_351 : i32 to index
      %get3A_353 = arith.index_cast %add3A_350 : i32 to index
      %get3A_354 = tpu.vector_load %arg8[%get3A_352, %get3A_353] {strides = array<i32>} : memref<16x2048xf32, #tpu.memory_space<vmem>>, vector<1x16xf32>,
      %get3A_355 = vector.shape_cast %get3A_354 : vector<1x16xf32> to vector<16xf32>
      %mul3A_356 = arith.mulf %get3A_355, %get3A_227 : vector<16xf32>
      %swap3A_357 = arith.constant 12 : i32
      %swap3A_358 = arith.index_cast %swap3A_357 : i32 to index
      %swap3A_359 = arith.index_cast %add3A_350 : i32 to index
      %swap3A_360 = tpu.vector_load %arg8[%swap3A_358, %swap3A_359] {strides = array<i32>} : memref<16x2048xf32, #tpu.memory_space<vmem>>, vector<1x16xf32>,
      %swap3A_361 = vector.shape_cast %swap3A_360 : vector<1x16xf32> to vector<16xf32>
      %swap3A_362 = vector.shape_cast %mul3A_356 : vector<16xf32> to vector<1x16xf32>
      tpu.vector_store %arg8[%swap3A_358, %swap3A_359], %swap3A_362 {strides = array<i32>} : memref<16x2048xf32, #tpu.memory_space<vmem>>, vector<1x16xf32>,
      %add3A_363 = arith.constant 64 : i32
      %add3A_364 = arith.addi %mul3A_306, %add3A_363 : i32
      %get3A_365 = arith.constant 12 : i32
      %get3A_366 = arith.index_cast %get3A_365 : i32 to index
      %get3A_367 = arith.index_cast %add3A_364 : i32 to index
      %get3A_368 = tpu.vector_load %arg8[%get3A_366, %get3A_367] {strides = array<i32>} : memref<16x2048xf32, #tpu.memory_space<vmem>>, vector<1x16xf32>,
      %get3A_369 = vector.shape_cast %get3A_368 : vector<1x16xf32> to vector<16xf32>
      %mul3A_370 = arith.mulf %get3A_369, %get3A_227 : vector<16xf32>
      %swap3A_371 = arith.constant 12 : i32
      %swap3A_372 = arith.index_cast %swap3A_371 : i32 to index
      %swap3A_373 = arith.index_cast %add3A_364 : i32 to index
      %swap3A_374 = tpu.vector_load %arg8[%swap3A_372, %swap3A_373] {strides = array<i32>} : memref<16x2048xf32, #tpu.memory_space<vmem>>, vector<1x16xf32>,
      %swap3A_375 = vector.shape_cast %swap3A_374 : vector<1x16xf32> to vector<16xf32>
      %swap3A_376 = vector.shape_cast %mul3A_370 : vector<16xf32> to vector<1x16xf32>
      tpu.vector_store %arg8[%swap3A_372, %swap3A_373], %swap3A_376 {strides = array<i32>} : memref<16x2048xf32, #tpu.memory_space<vmem>>, vector<1x16xf32>,
      %add3A_377 = arith.constant 80 : i32
      %add3A_378 = arith.addi %mul3A_306, %add3A_377 : i32
      %get3A_379 = arith.constant 12 : i32
      %get3A_380 = arith.index_cast %get3A_379 : i32 to index
      %get3A_381 = arith.index_cast %add3A_378 : i32 to index
      %get3A_382 = tpu.vector_load %arg8[%get3A_380, %get3A_381] {strides = array<i32>} : memref<16x2048xf32, #tpu.memory_space<vmem>>, vector<1x16xf32>,
      %get3A_383 = vector.shape_cast %get3A_382 : vector<1x16xf32> to vector<16xf32>
      %mul3A_384 = arith.mulf %get3A_383, %get3A_227 : vector<16xf32>
      %swap3A_385 = arith.constant 12 : i32
      %swap3A_386 = arith.index_cast %swap3A_385 : i32 to index
      %swap3A_387 = arith.index_cast %add3A_378 : i32 to index
      %swap3A_388 = tpu.vector_load %arg8[%swap3A_386, %swap3A_387] {strides = array<i32>} : memref<16x2048xf32, #tpu.memory_space<vmem>>, vector<1x16xf32>,
      %swap3A_389 = vector.shape_cast %swap3A_388 : vector<1x16xf32> to vector<16xf32>
      %swap3A_390 = vector.shape_cast %mul3A_384 : vector<16xf32> to vector<1x16xf32>
      tpu.vector_store %arg8[%swap3A_386, %swap3A_387], %swap3A_390 {strides = array<i32>} : memref<16x2048xf32, #tpu.memory_space<vmem>>, vector<1x16xf32>,
      %add3A_391 = arith.constant 96 : i32
      %add3A_392 = arith.addi %mul3A_306, %add3A_391 : i32
      %get3A_393 = arith.constant 12 : i32
      %get3A_394 = arith.index_cast %get3A_393 : i32 to index
      %get3A_395 = arith.index_cast %add3A_392 : i32 to index
      %get3A_396 = tpu.vector_load %arg8[%get3A_394, %get3A_395] {strides = array<i32>} : memref<16x2048xf32, #tpu.memory_space<vmem>>, vector<1x16xf32>,
      %get3A_397 = vector.shape_cast %get3A_396 : vector<1x16xf32> to vector<16xf32>
      %mul3A_398 = arith.mulf %get3A_397, %get3A_227 : vector<16xf32>
      %swap3A_399 = arith.constant 12 : i32
      %swap3A_400 = arith.index_cast %swap3A_399 : i32 to index
      %swap3A_401 = arith.index_cast %add3A_392 : i32 to index
      %swap3A_402 = tpu.vector_load %arg8[%swap3A_400, %swap3A_401] {strides = array<i32>} : memref<16x2048xf32, #tpu.memory_space<vmem>>, vector<1x16xf32>,
      %swap3A_403 = vector.shape_cast %swap3A_402 : vector<1x16xf32> to vector<16xf32>
      %swap3A_404 = vector.shape_cast %mul3A_398 : vector<16xf32> to vector<1x16xf32>
      tpu.vector_store %arg8[%swap3A_400, %swap3A_401], %swap3A_404 {strides = array<i32>} : memref<16x2048xf32, #tpu.memory_space<vmem>>, vector<1x16xf32>,
      %add3A_405 = arith.constant 112 : i32
      %add3A_406 = arith.addi %mul3A_306, %add3A_405 : i32
      %get3A_407 = arith.constant 12 : i32
      %get3A_408 = arith.index_cast %get3A_407 : i32 to index
      %get3A_409 = arith.index_cast %add3A_406 : i32 to index
      %get3A_410 = tpu.vector_load %arg8[%get3A_408, %get3A_409] {strides = array<i32>} : memref<16x2048xf32, #tpu.memory_space<vmem>>, vector<1x16xf32>,
      %get3A_411 = vector.shape_cast %get3A_410 : vector<1x16xf32> to vector<16xf32>
      %mul3A_412 = arith.mulf %get3A_411, %get3A_227 : vector<16xf32>
      %swap3A_413 = arith.constant 12 : i32
      %swap3A_414 = arith.index_cast %swap3A_413 : i32 to index
      %swap3A_415 = arith.index_cast %add3A_406 : i32 to index
      %swap3A_416 = tpu.vector_load %arg8[%swap3A_414, %swap3A_415] {strides = array<i32>} : memref<16x2048xf32, #tpu.memory_space<vmem>>, vector<1x16xf32>,
      %swap3A_417 = vector.shape_cast %swap3A_416 : vector<1x16xf32> to vector<16xf32>
      %swap3A_418 = vector.shape_cast %mul3A_412 : vector<16xf32> to vector<1x16xf32>
      tpu.vector_store %arg8[%swap3A_414, %swap3A_415], %swap3A_418 {strides = array<i32>} : memref<16x2048xf32, #tpu.memory_space<vmem>>, vector<1x16xf32>,
      %scan3A_419 = arith.constant 0 : i32
      scf.yield %scan3A_419 : i32
    }
    %scan3A_234 = arith.constant 16 : i32
    %get3A_235 = arith.constant 13 : i32
    %get3A_236 = arith.index_cast %get3A_235 : i32 to index
    %get3A_237 = arith.constant 0 : index
    %get3A_238 = tpu.vector_load %arg7[%get3A_236, %get3A_237] {strides = array<i32>} : memref<16x16xf32, #tpu.memory_space<vmem>>, vector<1x16xf32>,
    %get3A_239 = vector.shape_cast %get3A_238 : vector<1x16xf32> to vector<16xf32>
    %scan3A_240 = arith.constant 0 : i32
    %scan3A_241 = arith.constant 0 : i32
    %scan3A_242 = arith.constant 16 : i32
    %scan3A_243 = arith.addi %scan3A_241, %scan3A_242 : i32
    %scan3A_244 = arith.constant 1 : i32
    %scan3A_245 = scf.for %scan3A_303 = %scan3A_241 to %scan3A_243 step %scan3A_244 iter_args(%scan3A_304 = %scan3A_240) -> (i32)  : i32 {
      %mul3A_305 = arith.constant 128 : i32
      %mul3A_306 = arith.muli %scan3A_303, %mul3A_305 : i32
      %add3A_307 = arith.constant 0 : i32
      %add3A_308 = arith.addi %mul3A_306, %add3A_307 : i32
      %get3A_309 = arith.constant 13 : i32
      %get3A_310 = arith.index_cast %get3A_309 : i32 to index
      %get3A_311 = arith.index_cast %add3A_308 : i32 to index
      %get3A_312 = tpu.vector_load %arg8[%get3A_310, %get3A_311] {strides = array<i32>} : memref<16x2048xf32, #tpu.memory_space<vmem>>, vector<1x16xf32>,
      %get3A_313 = vector.shape_cast %get3A_312 : vector<1x16xf32> to vector<16xf32>
      %mul3A_314 = arith.mulf %get3A_313, %get3A_239 : vector<16xf32>
      %swap3A_315 = arith.constant 13 : i32
      %swap3A_316 = arith.index_cast %swap3A_315 : i32 to index
      %swap3A_317 = arith.index_cast %add3A_308 : i32 to index
      %swap3A_318 = tpu.vector_load %arg8[%swap3A_316, %swap3A_317] {strides = array<i32>} : memref<16x2048xf32, #tpu.memory_space<vmem>>, vector<1x16xf32>,
      %swap3A_319 = vector.shape_cast %swap3A_318 : vector<1x16xf32> to vector<16xf32>
      %swap3A_320 = vector.shape_cast %mul3A_314 : vector<16xf32> to vector<1x16xf32>
      tpu.vector_store %arg8[%swap3A_316, %swap3A_317], %swap3A_320 {strides = array<i32>} : memref<16x2048xf32, #tpu.memory_space<vmem>>, vector<1x16xf32>,
      %add3A_321 = arith.constant 16 : i32
      %add3A_322 = arith.addi %mul3A_306, %add3A_321 : i32
      %get3A_323 = arith.constant 13 : i32
      %get3A_324 = arith.index_cast %get3A_323 : i32 to index
      %get3A_325 = arith.index_cast %add3A_322 : i32 to index
      %get3A_326 = tpu.vector_load %arg8[%get3A_324, %get3A_325] {strides = array<i32>} : memref<16x2048xf32, #tpu.memory_space<vmem>>, vector<1x16xf32>,
      %get3A_327 = vector.shape_cast %get3A_326 : vector<1x16xf32> to vector<16xf32>
      %mul3A_328 = arith.mulf %get3A_327, %get3A_239 : vector<16xf32>
      %swap3A_329 = arith.constant 13 : i32
      %swap3A_330 = arith.index_cast %swap3A_329 : i32 to index
      %swap3A_331 = arith.index_cast %add3A_322 : i32 to index
      %swap3A_332 = tpu.vector_load %arg8[%swap3A_330, %swap3A_331] {strides = array<i32>} : memref<16x2048xf32, #tpu.memory_space<vmem>>, vector<1x16xf32>,
      %swap3A_333 = vector.shape_cast %swap3A_332 : vector<1x16xf32> to vector<16xf32>
      %swap3A_334 = vector.shape_cast %mul3A_328 : vector<16xf32> to vector<1x16xf32>
      tpu.vector_store %arg8[%swap3A_330, %swap3A_331], %swap3A_334 {strides = array<i32>} : memref<16x2048xf32, #tpu.memory_space<vmem>>, vector<1x16xf32>,
      %add3A_335 = arith.constant 32 : i32
      %add3A_336 = arith.addi %mul3A_306, %add3A_335 : i32
      %get3A_337 = arith.constant 13 : i32
      %get3A_338 = arith.index_cast %get3A_337 : i32 to index
      %get3A_339 = arith.index_cast %add3A_336 : i32 to index
      %get3A_340 = tpu.vector_load %arg8[%get3A_338, %get3A_339] {strides = array<i32>} : memref<16x2048xf32, #tpu.memory_space<vmem>>, vector<1x16xf32>,
      %get3A_341 = vector.shape_cast %get3A_340 : vector<1x16xf32> to vector<16xf32>
      %mul3A_342 = arith.mulf %get3A_341, %get3A_239 : vector<16xf32>
      %swap3A_343 = arith.constant 13 : i32
      %swap3A_344 = arith.index_cast %swap3A_343 : i32 to index
      %swap3A_345 = arith.index_cast %add3A_336 : i32 to index
      %swap3A_346 = tpu.vector_load %arg8[%swap3A_344, %swap3A_345] {strides = array<i32>} : memref<16x2048xf32, #tpu.memory_space<vmem>>, vector<1x16xf32>,
      %swap3A_347 = vector.shape_cast %swap3A_346 : vector<1x16xf32> to vector<16xf32>
      %swap3A_348 = vector.shape_cast %mul3A_342 : vector<16xf32> to vector<1x16xf32>
      tpu.vector_store %arg8[%swap3A_344, %swap3A_345], %swap3A_348 {strides = array<i32>} : memref<16x2048xf32, #tpu.memory_space<vmem>>, vector<1x16xf32>,
      %add3A_349 = arith.constant 48 : i32
      %add3A_350 = arith.addi %mul3A_306, %add3A_349 : i32
      %get3A_351 = arith.constant 13 : i32
      %get3A_352 = arith.index_cast %get3A_351 : i32 to index
      %get3A_353 = arith.index_cast %add3A_350 : i32 to index
      %get3A_354 = tpu.vector_load %arg8[%get3A_352, %get3A_353] {strides = array<i32>} : memref<16x2048xf32, #tpu.memory_space<vmem>>, vector<1x16xf32>,
      %get3A_355 = vector.shape_cast %get3A_354 : vector<1x16xf32> to vector<16xf32>
      %mul3A_356 = arith.mulf %get3A_355, %get3A_239 : vector<16xf32>
      %swap3A_357 = arith.constant 13 : i32
      %swap3A_358 = arith.index_cast %swap3A_357 : i32 to index
      %swap3A_359 = arith.index_cast %add3A_350 : i32 to index
      %swap3A_360 = tpu.vector_load %arg8[%swap3A_358, %swap3A_359] {strides = array<i32>} : memref<16x2048xf32, #tpu.memory_space<vmem>>, vector<1x16xf32>,
      %swap3A_361 = vector.shape_cast %swap3A_360 : vector<1x16xf32> to vector<16xf32>
      %swap3A_362 = vector.shape_cast %mul3A_356 : vector<16xf32> to vector<1x16xf32>
      tpu.vector_store %arg8[%swap3A_358, %swap3A_359], %swap3A_362 {strides = array<i32>} : memref<16x2048xf32, #tpu.memory_space<vmem>>, vector<1x16xf32>,
      %add3A_363 = arith.constant 64 : i32
      %add3A_364 = arith.addi %mul3A_306, %add3A_363 : i32
      %get3A_365 = arith.constant 13 : i32
      %get3A_366 = arith.index_cast %get3A_365 : i32 to index
      %get3A_367 = arith.index_cast %add3A_364 : i32 to index
      %get3A_368 = tpu.vector_load %arg8[%get3A_366, %get3A_367] {strides = array<i32>} : memref<16x2048xf32, #tpu.memory_space<vmem>>, vector<1x16xf32>,
      %get3A_369 = vector.shape_cast %get3A_368 : vector<1x16xf32> to vector<16xf32>
      %mul3A_370 = arith.mulf %get3A_369, %get3A_239 : vector<16xf32>
      %swap3A_371 = arith.constant 13 : i32
      %swap3A_372 = arith.index_cast %swap3A_371 : i32 to index
      %swap3A_373 = arith.index_cast %add3A_364 : i32 to index
      %swap3A_374 = tpu.vector_load %arg8[%swap3A_372, %swap3A_373] {strides = array<i32>} : memref<16x2048xf32, #tpu.memory_space<vmem>>, vector<1x16xf32>,
      %swap3A_375 = vector.shape_cast %swap3A_374 : vector<1x16xf32> to vector<16xf32>
      %swap3A_376 = vector.shape_cast %mul3A_370 : vector<16xf32> to vector<1x16xf32>
      tpu.vector_store %arg8[%swap3A_372, %swap3A_373], %swap3A_376 {strides = array<i32>} : memref<16x2048xf32, #tpu.memory_space<vmem>>, vector<1x16xf32>,
      %add3A_377 = arith.constant 80 : i32
      %add3A_378 = arith.addi %mul3A_306, %add3A_377 : i32
      %get3A_379 = arith.constant 13 : i32
      %get3A_380 = arith.index_cast %get3A_379 : i32 to index
      %get3A_381 = arith.index_cast %add3A_378 : i32 to index
      %get3A_382 = tpu.vector_load %arg8[%get3A_380, %get3A_381] {strides = array<i32>} : memref<16x2048xf32, #tpu.memory_space<vmem>>, vector<1x16xf32>,
      %get3A_383 = vector.shape_cast %get3A_382 : vector<1x16xf32> to vector<16xf32>
      %mul3A_384 = arith.mulf %get3A_383, %get3A_239 : vector<16xf32>
      %swap3A_385 = arith.constant 13 : i32
      %swap3A_386 = arith.index_cast %swap3A_385 : i32 to index
      %swap3A_387 = arith.index_cast %add3A_378 : i32 to index
      %swap3A_388 = tpu.vector_load %arg8[%swap3A_386, %swap3A_387] {strides = array<i32>} : memref<16x2048xf32, #tpu.memory_space<vmem>>, vector<1x16xf32>,
      %swap3A_389 = vector.shape_cast %swap3A_388 : vector<1x16xf32> to vector<16xf32>
      %swap3A_390 = vector.shape_cast %mul3A_384 : vector<16xf32> to vector<1x16xf32>
      tpu.vector_store %arg8[%swap3A_386, %swap3A_387], %swap3A_390 {strides = array<i32>} : memref<16x2048xf32, #tpu.memory_space<vmem>>, vector<1x16xf32>,
      %add3A_391 = arith.constant 96 : i32
      %add3A_392 = arith.addi %mul3A_306, %add3A_391 : i32
      %get3A_393 = arith.constant 13 : i32
      %get3A_394 = arith.index_cast %get3A_393 : i32 to index
      %get3A_395 = arith.index_cast %add3A_392 : i32 to index
      %get3A_396 = tpu.vector_load %arg8[%get3A_394, %get3A_395] {strides = array<i32>} : memref<16x2048xf32, #tpu.memory_space<vmem>>, vector<1x16xf32>,
      %get3A_397 = vector.shape_cast %get3A_396 : vector<1x16xf32> to vector<16xf32>
      %mul3A_398 = arith.mulf %get3A_397, %get3A_239 : vector<16xf32>
      %swap3A_399 = arith.constant 13 : i32
      %swap3A_400 = arith.index_cast %swap3A_399 : i32 to index
      %swap3A_401 = arith.index_cast %add3A_392 : i32 to index
      %swap3A_402 = tpu.vector_load %arg8[%swap3A_400, %swap3A_401] {strides = array<i32>} : memref<16x2048xf32, #tpu.memory_space<vmem>>, vector<1x16xf32>,
      %swap3A_403 = vector.shape_cast %swap3A_402 : vector<1x16xf32> to vector<16xf32>
      %swap3A_404 = vector.shape_cast %mul3A_398 : vector<16xf32> to vector<1x16xf32>
      tpu.vector_store %arg8[%swap3A_400, %swap3A_401], %swap3A_404 {strides = array<i32>} : memref<16x2048xf32, #tpu.memory_space<vmem>>, vector<1x16xf32>,
      %add3A_405 = arith.constant 112 : i32
      %add3A_406 = arith.addi %mul3A_306, %add3A_405 : i32
      %get3A_407 = arith.constant 13 : i32
      %get3A_408 = arith.index_cast %get3A_407 : i32 to index
      %get3A_409 = arith.index_cast %add3A_406 : i32 to index
      %get3A_410 = tpu.vector_load %arg8[%get3A_408, %get3A_409] {strides = array<i32>} : memref<16x2048xf32, #tpu.memory_space<vmem>>, vector<1x16xf32>,
      %get3A_411 = vector.shape_cast %get3A_410 : vector<1x16xf32> to vector<16xf32>
      %mul3A_412 = arith.mulf %get3A_411, %get3A_239 : vector<16xf32>
      %swap3A_413 = arith.constant 13 : i32
      %swap3A_414 = arith.index_cast %swap3A_413 : i32 to index
      %swap3A_415 = arith.index_cast %add3A_406 : i32 to index
      %swap3A_416 = tpu.vector_load %arg8[%swap3A_414, %swap3A_415] {strides = array<i32>} : memref<16x2048xf32, #tpu.memory_space<vmem>>, vector<1x16xf32>,
      %swap3A_417 = vector.shape_cast %swap3A_416 : vector<1x16xf32> to vector<16xf32>
      %swap3A_418 = vector.shape_cast %mul3A_412 : vector<16xf32> to vector<1x16xf32>
      tpu.vector_store %arg8[%swap3A_414, %swap3A_415], %swap3A_418 {strides = array<i32>} : memref<16x2048xf32, #tpu.memory_space<vmem>>, vector<1x16xf32>,
      %scan3A_419 = arith.constant 0 : i32
      scf.yield %scan3A_419 : i32
    }
    %scan3A_246 = arith.constant 16 : i32
    %get3A_247 = arith.constant 14 : i32
    %get3A_248 = arith.index_cast %get3A_247 : i32 to index
    %get3A_249 = arith.constant 0 : index
    %get3A_250 = tpu.vector_load %arg7[%get3A_248, %get3A_249] {strides = array<i32>} : memref<16x16xf32, #tpu.memory_space<vmem>>, vector<1x16xf32>,
    %get3A_251 = vector.shape_cast %get3A_250 : vector<1x16xf32> to vector<16xf32>
    %scan3A_252 = arith.constant 0 : i32
    %scan3A_253 = arith.constant 0 : i32
    %scan3A_254 = arith.constant 16 : i32
    %scan3A_255 = arith.addi %scan3A_253, %scan3A_254 : i32
    %scan3A_256 = arith.constant 1 : i32
    %scan3A_257 = scf.for %scan3A_303 = %scan3A_253 to %scan3A_255 step %scan3A_256 iter_args(%scan3A_304 = %scan3A_252) -> (i32)  : i32 {
      %mul3A_305 = arith.constant 128 : i32
      %mul3A_306 = arith.muli %scan3A_303, %mul3A_305 : i32
      %add3A_307 = arith.constant 0 : i32
      %add3A_308 = arith.addi %mul3A_306, %add3A_307 : i32
      %get3A_309 = arith.constant 14 : i32
      %get3A_310 = arith.index_cast %get3A_309 : i32 to index
      %get3A_311 = arith.index_cast %add3A_308 : i32 to index
      %get3A_312 = tpu.vector_load %arg8[%get3A_310, %get3A_311] {strides = array<i32>} : memref<16x2048xf32, #tpu.memory_space<vmem>>, vector<1x16xf32>,
      %get3A_313 = vector.shape_cast %get3A_312 : vector<1x16xf32> to vector<16xf32>
      %mul3A_314 = arith.mulf %get3A_313, %get3A_251 : vector<16xf32>
      %swap3A_315 = arith.constant 14 : i32
      %swap3A_316 = arith.index_cast %swap3A_315 : i32 to index
      %swap3A_317 = arith.index_cast %add3A_308 : i32 to index
      %swap3A_318 = tpu.vector_load %arg8[%swap3A_316, %swap3A_317] {strides = array<i32>} : memref<16x2048xf32, #tpu.memory_space<vmem>>, vector<1x16xf32>,
      %swap3A_319 = vector.shape_cast %swap3A_318 : vector<1x16xf32> to vector<16xf32>
      %swap3A_320 = vector.shape_cast %mul3A_314 : vector<16xf32> to vector<1x16xf32>
      tpu.vector_store %arg8[%swap3A_316, %swap3A_317], %swap3A_320 {strides = array<i32>} : memref<16x2048xf32, #tpu.memory_space<vmem>>, vector<1x16xf32>,
      %add3A_321 = arith.constant 16 : i32
      %add3A_322 = arith.addi %mul3A_306, %add3A_321 : i32
      %get3A_323 = arith.constant 14 : i32
      %get3A_324 = arith.index_cast %get3A_323 : i32 to index
      %get3A_325 = arith.index_cast %add3A_322 : i32 to index
      %get3A_326 = tpu.vector_load %arg8[%get3A_324, %get3A_325] {strides = array<i32>} : memref<16x2048xf32, #tpu.memory_space<vmem>>, vector<1x16xf32>,
      %get3A_327 = vector.shape_cast %get3A_326 : vector<1x16xf32> to vector<16xf32>
      %mul3A_328 = arith.mulf %get3A_327, %get3A_251 : vector<16xf32>
      %swap3A_329 = arith.constant 14 : i32
      %swap3A_330 = arith.index_cast %swap3A_329 : i32 to index
      %swap3A_331 = arith.index_cast %add3A_322 : i32 to index
      %swap3A_332 = tpu.vector_load %arg8[%swap3A_330, %swap3A_331] {strides = array<i32>} : memref<16x2048xf32, #tpu.memory_space<vmem>>, vector<1x16xf32>,
      %swap3A_333 = vector.shape_cast %swap3A_332 : vector<1x16xf32> to vector<16xf32>
      %swap3A_334 = vector.shape_cast %mul3A_328 : vector<16xf32> to vector<1x16xf32>
      tpu.vector_store %arg8[%swap3A_330, %swap3A_331], %swap3A_334 {strides = array<i32>} : memref<16x2048xf32, #tpu.memory_space<vmem>>, vector<1x16xf32>,
      %add3A_335 = arith.constant 32 : i32
      %add3A_336 = arith.addi %mul3A_306, %add3A_335 : i32
      %get3A_337 = arith.constant 14 : i32
      %get3A_338 = arith.index_cast %get3A_337 : i32 to index
      %get3A_339 = arith.index_cast %add3A_336 : i32 to index
      %get3A_340 = tpu.vector_load %arg8[%get3A_338, %get3A_339] {strides = array<i32>} : memref<16x2048xf32, #tpu.memory_space<vmem>>, vector<1x16xf32>,
      %get3A_341 = vector.shape_cast %get3A_340 : vector<1x16xf32> to vector<16xf32>
      %mul3A_342 = arith.mulf %get3A_341, %get3A_251 : vector<16xf32>
      %swap3A_343 = arith.constant 14 : i32
      %swap3A_344 = arith.index_cast %swap3A_343 : i32 to index
      %swap3A_345 = arith.index_cast %add3A_336 : i32 to index
      %swap3A_346 = tpu.vector_load %arg8[%swap3A_344, %swap3A_345] {strides = array<i32>} : memref<16x2048xf32, #tpu.memory_space<vmem>>, vector<1x16xf32>,
      %swap3A_347 = vector.shape_cast %swap3A_346 : vector<1x16xf32> to vector<16xf32>
      %swap3A_348 = vector.shape_cast %mul3A_342 : vector<16xf32> to vector<1x16xf32>
      tpu.vector_store %arg8[%swap3A_344, %swap3A_345], %swap3A_348 {strides = array<i32>} : memref<16x2048xf32, #tpu.memory_space<vmem>>, vector<1x16xf32>,
      %add3A_349 = arith.constant 48 : i32
      %add3A_350 = arith.addi %mul3A_306, %add3A_349 : i32
      %get3A_351 = arith.constant 14 : i32
      %get3A_352 = arith.index_cast %get3A_351 : i32 to index
      %get3A_353 = arith.index_cast %add3A_350 : i32 to index
      %get3A_354 = tpu.vector_load %arg8[%get3A_352, %get3A_353] {strides = array<i32>} : memref<16x2048xf32, #tpu.memory_space<vmem>>, vector<1x16xf32>,
      %get3A_355 = vector.shape_cast %get3A_354 : vector<1x16xf32> to vector<16xf32>
      %mul3A_356 = arith.mulf %get3A_355, %get3A_251 : vector<16xf32>
      %swap3A_357 = arith.constant 14 : i32
      %swap3A_358 = arith.index_cast %swap3A_357 : i32 to index
      %swap3A_359 = arith.index_cast %add3A_350 : i32 to index
      %swap3A_360 = tpu.vector_load %arg8[%swap3A_358, %swap3A_359] {strides = array<i32>} : memref<16x2048xf32, #tpu.memory_space<vmem>>, vector<1x16xf32>,
      %swap3A_361 = vector.shape_cast %swap3A_360 : vector<1x16xf32> to vector<16xf32>
      %swap3A_362 = vector.shape_cast %mul3A_356 : vector<16xf32> to vector<1x16xf32>
      tpu.vector_store %arg8[%swap3A_358, %swap3A_359], %swap3A_362 {strides = array<i32>} : memref<16x2048xf32, #tpu.memory_space<vmem>>, vector<1x16xf32>,
      %add3A_363 = arith.constant 64 : i32
      %add3A_364 = arith.addi %mul3A_306, %add3A_363 : i32
      %get3A_365 = arith.constant 14 : i32
      %get3A_366 = arith.index_cast %get3A_365 : i32 to index
      %get3A_367 = arith.index_cast %add3A_364 : i32 to index
      %get3A_368 = tpu.vector_load %arg8[%get3A_366, %get3A_367] {strides = array<i32>} : memref<16x2048xf32, #tpu.memory_space<vmem>>, vector<1x16xf32>,
      %get3A_369 = vector.shape_cast %get3A_368 : vector<1x16xf32> to vector<16xf32>
      %mul3A_370 = arith.mulf %get3A_369, %get3A_251 : vector<16xf32>
      %swap3A_371 = arith.constant 14 : i32
      %swap3A_372 = arith.index_cast %swap3A_371 : i32 to index
      %swap3A_373 = arith.index_cast %add3A_364 : i32 to index
      %swap3A_374 = tpu.vector_load %arg8[%swap3A_372, %swap3A_373] {strides = array<i32>} : memref<16x2048xf32, #tpu.memory_space<vmem>>, vector<1x16xf32>,
      %swap3A_375 = vector.shape_cast %swap3A_374 : vector<1x16xf32> to vector<16xf32>
      %swap3A_376 = vector.shape_cast %mul3A_370 : vector<16xf32> to vector<1x16xf32>
      tpu.vector_store %arg8[%swap3A_372, %swap3A_373], %swap3A_376 {strides = array<i32>} : memref<16x2048xf32, #tpu.memory_space<vmem>>, vector<1x16xf32>,
      %add3A_377 = arith.constant 80 : i32
      %add3A_378 = arith.addi %mul3A_306, %add3A_377 : i32
      %get3A_379 = arith.constant 14 : i32
      %get3A_380 = arith.index_cast %get3A_379 : i32 to index
      %get3A_381 = arith.index_cast %add3A_378 : i32 to index
      %get3A_382 = tpu.vector_load %arg8[%get3A_380, %get3A_381] {strides = array<i32>} : memref<16x2048xf32, #tpu.memory_space<vmem>>, vector<1x16xf32>,
      %get3A_383 = vector.shape_cast %get3A_382 : vector<1x16xf32> to vector<16xf32>
      %mul3A_384 = arith.mulf %get3A_383, %get3A_251 : vector<16xf32>
      %swap3A_385 = arith.constant 14 : i32
      %swap3A_386 = arith.index_cast %swap3A_385 : i32 to index
      %swap3A_387 = arith.index_cast %add3A_378 : i32 to index
      %swap3A_388 = tpu.vector_load %arg8[%swap3A_386, %swap3A_387] {strides = array<i32>} : memref<16x2048xf32, #tpu.memory_space<vmem>>, vector<1x16xf32>,
      %swap3A_389 = vector.shape_cast %swap3A_388 : vector<1x16xf32> to vector<16xf32>
      %swap3A_390 = vector.shape_cast %mul3A_384 : vector<16xf32> to vector<1x16xf32>
      tpu.vector_store %arg8[%swap3A_386, %swap3A_387], %swap3A_390 {strides = array<i32>} : memref<16x2048xf32, #tpu.memory_space<vmem>>, vector<1x16xf32>,
      %add3A_391 = arith.constant 96 : i32
      %add3A_392 = arith.addi %mul3A_306, %add3A_391 : i32
      %get3A_393 = arith.constant 14 : i32
      %get3A_394 = arith.index_cast %get3A_393 : i32 to index
      %get3A_395 = arith.index_cast %add3A_392 : i32 to index
      %get3A_396 = tpu.vector_load %arg8[%get3A_394, %get3A_395] {strides = array<i32>} : memref<16x2048xf32, #tpu.memory_space<vmem>>, vector<1x16xf32>,
      %get3A_397 = vector.shape_cast %get3A_396 : vector<1x16xf32> to vector<16xf32>
      %mul3A_398 = arith.mulf %get3A_397, %get3A_251 : vector<16xf32>
      %swap3A_399 = arith.constant 14 : i32
      %swap3A_400 = arith.index_cast %swap3A_399 : i32 to index
      %swap3A_401 = arith.index_cast %add3A_392 : i32 to index
      %swap3A_402 = tpu.vector_load %arg8[%swap3A_400, %swap3A_401] {strides = array<i32>} : memref<16x2048xf32, #tpu.memory_space<vmem>>, vector<1x16xf32>,
      %swap3A_403 = vector.shape_cast %swap3A_402 : vector<1x16xf32> to vector<16xf32>
      %swap3A_404 = vector.shape_cast %mul3A_398 : vector<16xf32> to vector<1x16xf32>
      tpu.vector_store %arg8[%swap3A_400, %swap3A_401], %swap3A_404 {strides = array<i32>} : memref<16x2048xf32, #tpu.memory_space<vmem>>, vector<1x16xf32>,
      %add3A_405 = arith.constant 112 : i32
      %add3A_406 = arith.addi %mul3A_306, %add3A_405 : i32
      %get3A_407 = arith.constant 14 : i32
      %get3A_408 = arith.index_cast %get3A_407 : i32 to index
      %get3A_409 = arith.index_cast %add3A_406 : i32 to index
      %get3A_410 = tpu.vector_load %arg8[%get3A_408, %get3A_409] {strides = array<i32>} : memref<16x2048xf32, #tpu.memory_space<vmem>>, vector<1x16xf32>,
      %get3A_411 = vector.shape_cast %get3A_410 : vector<1x16xf32> to vector<16xf32>
      %mul3A_412 = arith.mulf %get3A_411, %get3A_251 : vector<16xf32>
      %swap3A_413 = arith.constant 14 : i32
      %swap3A_414 = arith.index_cast %swap3A_413 : i32 to index
      %swap3A_415 = arith.index_cast %add3A_406 : i32 to index
      %swap3A_416 = tpu.vector_load %arg8[%swap3A_414, %swap3A_415] {strides = array<i32>} : memref<16x2048xf32, #tpu.memory_space<vmem>>, vector<1x16xf32>,
      %swap3A_417 = vector.shape_cast %swap3A_416 : vector<1x16xf32> to vector<16xf32>
      %swap3A_418 = vector.shape_cast %mul3A_412 : vector<16xf32> to vector<1x16xf32>
      tpu.vector_store %arg8[%swap3A_414, %swap3A_415], %swap3A_418 {strides = array<i32>} : memref<16x2048xf32, #tpu.memory_space<vmem>>, vector<1x16xf32>,
      %scan3A_419 = arith.constant 0 : i32
      scf.yield %scan3A_419 : i32
    }
    %scan3A_258 = arith.constant 16 : i32
    %get3A_259 = arith.constant 15 : i32
    %get3A_260 = arith.index_cast %get3A_259 : i32 to index
    %get3A_261 = arith.constant 0 : index
    %get3A_262 = tpu.vector_load %arg7[%get3A_260, %get3A_261] {strides = array<i32>} : memref<16x16xf32, #tpu.memory_space<vmem>>, vector<1x16xf32>,
    %get3A_263 = vector.shape_cast %get3A_262 : vector<1x16xf32> to vector<16xf32>
    %scan3A_264 = arith.constant 0 : i32
    %scan3A_265 = arith.constant 0 : i32
    %scan3A_266 = arith.constant 16 : i32
    %scan3A_267 = arith.addi %scan3A_265, %scan3A_266 : i32
    %scan3A_268 = arith.constant 1 : i32
    %scan3A_269 = scf.for %scan3A_303 = %scan3A_265 to %scan3A_267 step %scan3A_268 iter_args(%scan3A_304 = %scan3A_264) -> (i32)  : i32 {
      %mul3A_305 = arith.constant 128 : i32
      %mul3A_306 = arith.muli %scan3A_303, %mul3A_305 : i32
      %add3A_307 = arith.constant 0 : i32
      %add3A_308 = arith.addi %mul3A_306, %add3A_307 : i32
      %get3A_309 = arith.constant 15 : i32
      %get3A_310 = arith.index_cast %get3A_309 : i32 to index
      %get3A_311 = arith.index_cast %add3A_308 : i32 to index
      %get3A_312 = tpu.vector_load %arg8[%get3A_310, %get3A_311] {strides = array<i32>} : memref<16x2048xf32, #tpu.memory_space<vmem>>, vector<1x16xf32>,
      %get3A_313 = vector.shape_cast %get3A_312 : vector<1x16xf32> to vector<16xf32>
      %mul3A_314 = arith.mulf %get3A_313, %get3A_263 : vector<16xf32>
      %swap3A_315 = arith.constant 15 : i32
      %swap3A_316 = arith.index_cast %swap3A_315 : i32 to index
      %swap3A_317 = arith.index_cast %add3A_308 : i32 to index
      %swap3A_318 = tpu.vector_load %arg8[%swap3A_316, %swap3A_317] {strides = array<i32>} : memref<16x2048xf32, #tpu.memory_space<vmem>>, vector<1x16xf32>,
      %swap3A_319 = vector.shape_cast %swap3A_318 : vector<1x16xf32> to vector<16xf32>
      %swap3A_320 = vector.shape_cast %mul3A_314 : vector<16xf32> to vector<1x16xf32>
      tpu.vector_store %arg8[%swap3A_316, %swap3A_317], %swap3A_320 {strides = array<i32>} : memref<16x2048xf32, #tpu.memory_space<vmem>>, vector<1x16xf32>,
      %add3A_321 = arith.constant 16 : i32
      %add3A_322 = arith.addi %mul3A_306, %add3A_321 : i32
      %get3A_323 = arith.constant 15 : i32
      %get3A_324 = arith.index_cast %get3A_323 : i32 to index
      %get3A_325 = arith.index_cast %add3A_322 : i32 to index
      %get3A_326 = tpu.vector_load %arg8[%get3A_324, %get3A_325] {strides = array<i32>} : memref<16x2048xf32, #tpu.memory_space<vmem>>, vector<1x16xf32>,
      %get3A_327 = vector.shape_cast %get3A_326 : vector<1x16xf32> to vector<16xf32>
      %mul3A_328 = arith.mulf %get3A_327, %get3A_263 : vector<16xf32>
      %swap3A_329 = arith.constant 15 : i32
      %swap3A_330 = arith.index_cast %swap3A_329 : i32 to index
      %swap3A_331 = arith.index_cast %add3A_322 : i32 to index
      %swap3A_332 = tpu.vector_load %arg8[%swap3A_330, %swap3A_331] {strides = array<i32>} : memref<16x2048xf32, #tpu.memory_space<vmem>>, vector<1x16xf32>,
      %swap3A_333 = vector.shape_cast %swap3A_332 : vector<1x16xf32> to vector<16xf32>
      %swap3A_334 = vector.shape_cast %mul3A_328 : vector<16xf32> to vector<1x16xf32>
      tpu.vector_store %arg8[%swap3A_330, %swap3A_331], %swap3A_334 {strides = array<i32>} : memref<16x2048xf32, #tpu.memory_space<vmem>>, vector<1x16xf32>,
      %add3A_335 = arith.constant 32 : i32
      %add3A_336 = arith.addi %mul3A_306, %add3A_335 : i32
      %get3A_337 = arith.constant 15 : i32
      %get3A_338 = arith.index_cast %get3A_337 : i32 to index
      %get3A_339 = arith.index_cast %add3A_336 : i32 to index
      %get3A_340 = tpu.vector_load %arg8[%get3A_338, %get3A_339] {strides = array<i32>} : memref<16x2048xf32, #tpu.memory_space<vmem>>, vector<1x16xf32>,
      %get3A_341 = vector.shape_cast %get3A_340 : vector<1x16xf32> to vector<16xf32>
      %mul3A_342 = arith.mulf %get3A_341, %get3A_263 : vector<16xf32>
      %swap3A_343 = arith.constant 15 : i32
      %swap3A_344 = arith.index_cast %swap3A_343 : i32 to index
      %swap3A_345 = arith.index_cast %add3A_336 : i32 to index
      %swap3A_346 = tpu.vector_load %arg8[%swap3A_344, %swap3A_345] {strides = array<i32>} : memref<16x2048xf32, #tpu.memory_space<vmem>>, vector<1x16xf32>,
      %swap3A_347 = vector.shape_cast %swap3A_346 : vector<1x16xf32> to vector<16xf32>
      %swap3A_348 = vector.shape_cast %mul3A_342 : vector<16xf32> to vector<1x16xf32>
      tpu.vector_store %arg8[%swap3A_344, %swap3A_345], %swap3A_348 {strides = array<i32>} : memref<16x2048xf32, #tpu.memory_space<vmem>>, vector<1x16xf32>,
      %add3A_349 = arith.constant 48 : i32
      %add3A_350 = arith.addi %mul3A_306, %add3A_349 : i32
      %get3A_351 = arith.constant 15 : i32
      %get3A_352 = arith.index_cast %get3A_351 : i32 to index
      %get3A_353 = arith.index_cast %add3A_350 : i32 to index
      %get3A_354 = tpu.vector_load %arg8[%get3A_352, %get3A_353] {strides = array<i32>} : memref<16x2048xf32, #tpu.memory_space<vmem>>, vector<1x16xf32>,
      %get3A_355 = vector.shape_cast %get3A_354 : vector<1x16xf32> to vector<16xf32>
      %mul3A_356 = arith.mulf %get3A_355, %get3A_263 : vector<16xf32>
      %swap3A_357 = arith.constant 15 : i32
      %swap3A_358 = arith.index_cast %swap3A_357 : i32 to index
      %swap3A_359 = arith.index_cast %add3A_350 : i32 to index
      %swap3A_360 = tpu.vector_load %arg8[%swap3A_358, %swap3A_359] {strides = array<i32>} : memref<16x2048xf32, #tpu.memory_space<vmem>>, vector<1x16xf32>,
      %swap3A_361 = vector.shape_cast %swap3A_360 : vector<1x16xf32> to vector<16xf32>
      %swap3A_362 = vector.shape_cast %mul3A_356 : vector<16xf32> to vector<1x16xf32>
      tpu.vector_store %arg8[%swap3A_358, %swap3A_359], %swap3A_362 {strides = array<i32>} : memref<16x2048xf32, #tpu.memory_space<vmem>>, vector<1x16xf32>,
      %add3A_363 = arith.constant 64 : i32
      %add3A_364 = arith.addi %mul3A_306, %add3A_363 : i32
      %get3A_365 = arith.constant 15 : i32
      %get3A_366 = arith.index_cast %get3A_365 : i32 to index
      %get3A_367 = arith.index_cast %add3A_364 : i32 to index
      %get3A_368 = tpu.vector_load %arg8[%get3A_366, %get3A_367] {strides = array<i32>} : memref<16x2048xf32, #tpu.memory_space<vmem>>, vector<1x16xf32>,
      %get3A_369 = vector.shape_cast %get3A_368 : vector<1x16xf32> to vector<16xf32>
      %mul3A_370 = arith.mulf %get3A_369, %get3A_263 : vector<16xf32>
      %swap3A_371 = arith.constant 15 : i32
      %swap3A_372 = arith.index_cast %swap3A_371 : i32 to index
      %swap3A_373 = arith.index_cast %add3A_364 : i32 to index
      %swap3A_374 = tpu.vector_load %arg8[%swap3A_372, %swap3A_373] {strides = array<i32>} : memref<16x2048xf32, #tpu.memory_space<vmem>>, vector<1x16xf32>,
      %swap3A_375 = vector.shape_cast %swap3A_374 : vector<1x16xf32> to vector<16xf32>
      %swap3A_376 = vector.shape_cast %mul3A_370 : vector<16xf32> to vector<1x16xf32>
      tpu.vector_store %arg8[%swap3A_372, %swap3A_373], %swap3A_376 {strides = array<i32>} : memref<16x2048xf32, #tpu.memory_space<vmem>>, vector<1x16xf32>,
      %add3A_377 = arith.constant 80 : i32
      %add3A_378 = arith.addi %mul3A_306, %add3A_377 : i32
      %get3A_379 = arith.constant 15 : i32
      %get3A_380 = arith.index_cast %get3A_379 : i32 to index
      %get3A_381 = arith.index_cast %add3A_378 : i32 to index
      %get3A_382 = tpu.vector_load %arg8[%get3A_380, %get3A_381] {strides = array<i32>} : memref<16x2048xf32, #tpu.memory_space<vmem>>, vector<1x16xf32>,
      %get3A_383 = vector.shape_cast %get3A_382 : vector<1x16xf32> to vector<16xf32>
      %mul3A_384 = arith.mulf %get3A_383, %get3A_263 : vector<16xf32>
      %swap3A_385 = arith.constant 15 : i32
      %swap3A_386 = arith.index_cast %swap3A_385 : i32 to index
      %swap3A_387 = arith.index_cast %add3A_378 : i32 to index
      %swap3A_388 = tpu.vector_load %arg8[%swap3A_386, %swap3A_387] {strides = array<i32>} : memref<16x2048xf32, #tpu.memory_space<vmem>>, vector<1x16xf32>,
      %swap3A_389 = vector.shape_cast %swap3A_388 : vector<1x16xf32> to vector<16xf32>
      %swap3A_390 = vector.shape_cast %mul3A_384 : vector<16xf32> to vector<1x16xf32>
      tpu.vector_store %arg8[%swap3A_386, %swap3A_387], %swap3A_390 {strides = array<i32>} : memref<16x2048xf32, #tpu.memory_space<vmem>>, vector<1x16xf32>,
      %add3A_391 = arith.constant 96 : i32
      %add3A_392 = arith.addi %mul3A_306, %add3A_391 : i32
      %get3A_393 = arith.constant 15 : i32
      %get3A_394 = arith.index_cast %get3A_393 : i32 to index
      %get3A_395 = arith.index_cast %add3A_392 : i32 to index
      %get3A_396 = tpu.vector_load %arg8[%get3A_394, %get3A_395] {strides = array<i32>} : memref<16x2048xf32, #tpu.memory_space<vmem>>, vector<1x16xf32>,
      %get3A_397 = vector.shape_cast %get3A_396 : vector<1x16xf32> to vector<16xf32>
      %mul3A_398 = arith.mulf %get3A_397, %get3A_263 : vector<16xf32>
      %swap3A_399 = arith.constant 15 : i32
      %swap3A_400 = arith.index_cast %swap3A_399 : i32 to index
      %swap3A_401 = arith.index_cast %add3A_392 : i32 to index
      %swap3A_402 = tpu.vector_load %arg8[%swap3A_400, %swap3A_401] {strides = array<i32>} : memref<16x2048xf32, #tpu.memory_space<vmem>>, vector<1x16xf32>,
      %swap3A_403 = vector.shape_cast %swap3A_402 : vector<1x16xf32> to vector<16xf32>
      %swap3A_404 = vector.shape_cast %mul3A_398 : vector<16xf32> to vector<1x16xf32>
      tpu.vector_store %arg8[%swap3A_400, %swap3A_401], %swap3A_404 {strides = array<i32>} : memref<16x2048xf32, #tpu.memory_space<vmem>>, vector<1x16xf32>,
      %add3A_405 = arith.constant 112 : i32
      %add3A_406 = arith.addi %mul3A_306, %add3A_405 : i32
      %get3A_407 = arith.constant 15 : i32
      %get3A_408 = arith.index_cast %get3A_407 : i32 to index
      %get3A_409 = arith.index_cast %add3A_406 : i32 to index
      %get3A_410 = tpu.vector_load %arg8[%get3A_408, %get3A_409] {strides = array<i32>} : memref<16x2048xf32, #tpu.memory_space<vmem>>, vector<1x16xf32>,
      %get3A_411 = vector.shape_cast %get3A_410 : vector<1x16xf32> to vector<16xf32>
      %mul3A_412 = arith.mulf %get3A_411, %get3A_263 : vector<16xf32>
      %swap3A_413 = arith.constant 15 : i32
      %swap3A_414 = arith.index_cast %swap3A_413 : i32 to index
      %swap3A_415 = arith.index_cast %add3A_406 : i32 to index
      %swap3A_416 = tpu.vector_load %arg8[%swap3A_414, %swap3A_415] {strides = array<i32>} : memref<16x2048xf32, #tpu.memory_space<vmem>>, vector<1x16xf32>,
      %swap3A_417 = vector.shape_cast %swap3A_416 : vector<1x16xf32> to vector<16xf32>
      %swap3A_418 = vector.shape_cast %mul3A_412 : vector<16xf32> to vector<1x16xf32>
      tpu.vector_store %arg8[%swap3A_414, %swap3A_415], %swap3A_418 {strides = array<i32>} : memref<16x2048xf32, #tpu.memory_space<vmem>>, vector<1x16xf32>,
      %scan3A_419 = arith.constant 0 : i32
      scf.yield %scan3A_419 : i32
    }
    %scan3A_270 = arith.constant 16 : i32
    %add3A_271 = arith.constant 8 : i32
    %add3A_272 = arith.addi %mul3A_2, %add3A_271 : i32
    %dma_start3A_273 = arith.constant 8 : i32
    %dma_start3A_274 = arith.constant 0 : i32
    %dma_start3A_275 = tpu.memref_slice %arg8[%dma_start3A_273, %dma_start3A_274] : memref<16x2048xf32, #tpu.memory_space<vmem>> -> memref<8x2048xf32, #tpu.memory_space<vmem>>
    %dma_start3A_276 = arith.constant 0 : i32
    %dma_start3A_277 = tpu.memref_slice %arg5[%add3A_272, %dma_start3A_276] : memref<512x2048xf32, #tpu.memory_space<hbm>> -> memref<8x2048xf32, #tpu.memory_space<hbm>>
    %dma_start3A_278 = arith.constant 0 : i32
    %dma_start3A_279 = tpu.memref_slice %arg5[%add3A_272, %dma_start3A_278] : memref<512x2048xf32, #tpu.memory_space<hbm>> -> memref<8x2048xf32, #tpu.memory_space<hbm>>
    %dma_start3A_280 = arith.constant 8 : i32
    %dma_start3A_281 = arith.constant 0 : i32
    %dma_start3A_282 = tpu.memref_slice %arg8[%dma_start3A_280, %dma_start3A_281] : memref<16x2048xf32, #tpu.memory_space<vmem>> -> memref<8x2048xf32, #tpu.memory_space<vmem>>
    tpu.enqueue_dma source(%dma_start3A_282 : memref<8x2048xf32, #tpu.memory_space<vmem>>) target(%dma_start3A_279 : memref<8x2048xf32, #tpu.memory_space<hbm>>) target_semaphore(%arg12 : memref<!tpu.dma_semaphore, #tpu.memory_space<semaphore_mem>>)
    %dma_wait3A_283 = arith.constant 0 : i32
    %dma_wait3A_284 = arith.constant 0 : i32
    %dma_wait3A_285 = tpu.memref_slice %arg8[%dma_wait3A_283, %dma_wait3A_284] : memref<16x2048xf32, #tpu.memory_space<vmem>> -> memref<8x2048xf32, #tpu.memory_space<vmem>>
    %dma_wait3A_286 = arith.constant 0 : i32
    %dma_wait3A_287 = tpu.memref_slice %arg5[%mul3A_2, %dma_wait3A_286] : memref<512x2048xf32, #tpu.memory_space<hbm>> -> memref<8x2048xf32, #tpu.memory_space<hbm>>
    %dma_wait3A_288 = arith.constant 0 : i32
    %dma_wait3A_289 = tpu.memref_slice %arg5[%mul3A_2, %dma_wait3A_288] : memref<512x2048xf32, #tpu.memory_space<hbm>> -> memref<8x2048xf32, #tpu.memory_space<hbm>>
    %dma_wait3A_290 = arith.constant 0 : i32
    %dma_wait3A_291 = arith.constant 0 : i32
    %dma_wait3A_292 = tpu.memref_slice %arg8[%dma_wait3A_290, %dma_wait3A_291] : memref<16x2048xf32, #tpu.memory_space<vmem>> -> memref<8x2048xf32, #tpu.memory_space<vmem>>
    tpu.wait_dma2 semaphore(%arg13 : memref<!tpu.dma_semaphore, #tpu.memory_space<semaphore_mem>>) src(%dma_wait3A_292 : memref<8x2048xf32, #tpu.memory_space<vmem>>) dst(%dma_wait3A_289 : memref<8x2048xf32, #tpu.memory_space<hbm>>)
    %dma_wait3A_293 = arith.constant 8 : i32
    %dma_wait3A_294 = arith.constant 0 : i32
    %dma_wait3A_295 = tpu.memref_slice %arg8[%dma_wait3A_293, %dma_wait3A_294] : memref<16x2048xf32, #tpu.memory_space<vmem>> -> memref<8x2048xf32, #tpu.memory_space<vmem>>
    %dma_wait3A_296 = arith.constant 0 : i32
    %dma_wait3A_297 = tpu.memref_slice %arg5[%add3A_272, %dma_wait3A_296] : memref<512x2048xf32, #tpu.memory_space<hbm>> -> memref<8x2048xf32, #tpu.memory_space<hbm>>
    %dma_wait3A_298 = arith.constant 0 : i32
    %dma_wait3A_299 = tpu.memref_slice %arg5[%add3A_272, %dma_wait3A_298] : memref<512x2048xf32, #tpu.memory_space<hbm>> -> memref<8x2048xf32, #tpu.memory_space<hbm>>
    %dma_wait3A_300 = arith.constant 8 : i32
    %dma_wait3A_301 = arith.constant 0 : i32
    %dma_wait3A_302 = tpu.memref_slice %arg8[%dma_wait3A_300, %dma_wait3A_301] : memref<16x2048xf32, #tpu.memory_space<vmem>> -> memref<8x2048xf32, #tpu.memory_space<vmem>>
    tpu.wait_dma2 semaphore(%arg12 : memref<!tpu.dma_semaphore, #tpu.memory_space<semaphore_mem>>) src(%dma_wait3A_302 : memref<8x2048xf32, #tpu.memory_space<vmem>>) dst(%dma_wait3A_299 : memref<8x2048xf32, #tpu.memory_space<hbm>>)
    return
  }
}

</mosaic_0001>

<sc_bundles>
// kernel: kernel.3.cloned.1.call-start
scs
__scs_entry_jumppad:
0x0: {  	(pc) =	sbr.rel $0x88, $3  }
0x1: {  	(tag) =	ssettag $0x0;
	lr =	simm.s32 $0x1  }
0x2: {  	[smem:$0x3F9E] =	sst lr;
	_ =	strace $0xD0000000  }
0x3: {  	_ = 	snop  }
0x4: {  	_ = 	snop  }
0x5: {  	_ = 	snop  }
0x6: {  	_ = 	snop  }
0x7: {  	_ = 	snop  }
__scs_overlays_trampoline_lowered:
0x8: {  	[smem:$0x3FAD] =	sst s0  }
0x9: {  	[smem:$0x3FAE] =	sst s1  }
0xa: {  	[smem:$0x3FAF] =	sst s2  }
0xb: {  	[smem:$0x3FB0] =	sst s3  }
0xc: {  	[smem:$0x3FB1] =	sst s4  }
0xd: {  	[smem:$0x3FB2] =	sst s5  }
0xe: {  	[smem:$0x3FB3] =	sst s6  }
0xf: {  	[smem:$0x3FB4] =	sst s7  }
0x10: {  	[smem:$0x3FB5] =	sst s8  }
0x11: {  	[smem:$0x3FB6] =	sst s9;
	s0 =	simm.s32 @!p0 $0x0  }
0x12: {  	s1 =	sld [smem:$0x3F9C];
	s0 =	simm.s32 @p0 $0x1  }
0x13: {  	[smem:$0x3FB7] =	sst s0;
	s0 =	simm.s32 @!p1 $0x0  }
0x14: {  	s2 =	sld [smem:$0x3F9B];
	s0 =	simm.s32 @p1 $0x1  }
0x15: {  	[smem:$0x3FB8] =	sst s0;
	s0 =	simm.s32 @!p2 $0x0  }
0x16: {  	s3 =	sld [smem:$0x3FDB];
	s0 =	simm.s32 @p2 $0x1  }
0x17: {  	s4 =	simm.s32 $0x1BF5;
	[smem:$0x3FBA] =	sst s0  }
0x18: {  	s0 =	sld [smem:$0x3F9D];
	_ =	swait.ge [sflag:s4], $0x0  }
0x19: {  	s7 =	sld [smem:$0x3F9E]  }
0x1a: {  	s8 =	sadd.s32 $0xFFFFE003, lr  }
0x1b: {  	s9 =	sadd.s32 $0xFFFFFEF7, lr;
	s5 =	simm.s32 $0xFFFFFFFF;
	p2 =	slt.u32 s8, $0xFFFFF086  }
0x1c: {  	p1 =	slt.u32 s9, $0xF7A;
	s5 =	simm.s32 @!p2 $0x0  }
0x1d: {  	s5 =	simm.s32 @p1 $0x1;
	p0 =	seq.s32 s7, s2  }
0x1e: {  	s7 =	smul.u32 @!p0 $0xF7A, s2;
	p2 =	seq.s32 @!p0 s5, $0x0  }
0x1f: {  	s9 =	smul.u32 $0xF7A, s1;
	s8 =	simm.s32 @!p0 $0x1BF5;
	p2 =	por !p2, p0  }
0x20: {  	[sflag:s8] =	ssyncset.s32 @!p0 $0xFFFFF086;
	s6 =	sadd.s32 @!p0 s3, s7;
	s7 =	simm.s32 @!p0 $0x108  }
0x21: {  	s3 =	sadd.s32 s3, s9;
	s6 =	sadd.s32 @!p0 $0x88, s6;
	s7 =	simm.s32 @p2 $0x1082  }
0x22: {  	[simem:s7], [sflag:s8] =	dma.local @!p0 [hbm:s6], $0xF7A  }
0x23: {  	s9 =	sor.u32 $0xD0000000, s2;
	s6 =	simm.s32 $0x108;
	_ =	swait.ge @!p0 [sflag:s8], $0x0  }
0x24: {  	s3 =	sadd.s32 $0x88, s3;
	s6 =	simm.s32 @!p1 $0x1082;
	[sflag:s4] =	ssyncset.s32 $0xFFFFF086  }
0x25: {  	[simem:s6], [sflag:s4] =	dma.local [hbm:s3], $0xF7A  }
0x26: {  	[smem:$0x3F9E] =	sst s1;
	(tag) =	ssettag s2;
	_ =	strace s9  }
0x27: {  	s1 =	sld [smem:$0x3FAE]  }
0x28: {  	s2 =	sld [smem:$0x3FAF]  }
0x29: {  	s4 =	sld [smem:$0x3FB1]  }
0x2a: {  	p0 =	seq.s32 s5, $0x0;
	s5 =	sld [smem:$0x3FB2]  }
0x2b: {  	s6 =	sld [smem:$0x3FB3]  }
0x2c: {  	s7 =	sld [smem:$0x3FB4]  }
0x2d: {  	s3 =	simm.s32 $0x108;
	s8 =	sld [smem:$0x3FB5]  }
0x2e: {  	s3 =	simm.s32 @!p0 $0x1082;
	s9 =	sld [smem:$0x3FB6]  }
0x2f: {  	lr =	sadd.s32 s0, s3;
	s0 =	sld [smem:$0x3FAD]  }
0x30: {  	s3 =	sld [smem:$0x3FB0]  }
0x31: {  	[smem:$0x3FB9] =	sst s10  }
0x32: {  	s10 =	sld [smem:$0x3FB7];
	_ =	sdelay $0x3  }
0x33: {  	p0 =	seq.s32 s10, $0x1;
	s10 =	sld [smem:$0x3FB9];
	_ =	sdelay $0x3  }
0x34: {  	[smem:$0x3FB9] =	sst s10  }
0x35: {  	s10 =	sld [smem:$0x3FB8];
	_ =	sdelay $0x3  }
0x36: {  	p1 =	seq.s32 s10, $0x1;
	s10 =	sld [smem:$0x3FB9];
	_ =	sdelay $0x3  }
0x37: {  	[smem:$0x3FB9] =	sst s10  }
0x38: {  	s10 =	sld [smem:$0x3FBA]  }
0x39: {  	_ = 	snop;
	(pc) =	sbr.ind lr, $3  }
0x3a: {  	_ = 	snop  }
0x3b: {  	_ = 	snop  }
0x3c: {  	p2 =	seq.s32 s10, $0x1;
	s10 =	sld [smem:$0x3FB9]  }
0x3d: {  	_ =	shalt  }
0x3e: {  	_ =	shalt  }
0x3f: {  	_ =	shalt  }
0x40: {  	_ =	shalt  }
0x41: {  	_ =	shalt  }
0x42: {  	_ =	shalt  }
0x43: {  	_ =	shalt  }
0x44: {  	_ =	shalt  }
0x45: {  	_ =	shalt  }
0x46: {  	_ =	shalt  }
0x47: {  	_ =	shalt  }
0x48: {  	_ =	shalt  }
0x49: {  	_ =	shalt  }
0x4a: {  	_ =	shalt  }
0x4b: {  	_ =	shalt  }
0x4c: {  	_ =	shalt  }
0x4d: {  	_ =	shalt  }
0x4e: {  	_ =	shalt  }
0x4f: {  	_ =	shalt  }
0x50: {  	_ =	shalt  }
0x51: {  	_ =	shalt  }
0x52: {  	_ =	shalt  }
0x53: {  	_ =	shalt  }
0x54: {  	_ =	shalt  }
0x55: {  	_ =	shalt  }
0x56: {  	_ =	shalt  }
0x57: {  	_ =	shalt  }
0x58: {  	_ =	shalt  }
0x59: {  	_ =	shalt  }
0x5a: {  	_ =	shalt  }
0x5b: {  	_ =	shalt  }
0x5c: {  	_ =	shalt  }
0x5d: {  	_ =	shalt  }
0x5e: {  	_ =	shalt  }
0x5f: {  	_ =	shalt  }
0x60: {  	_ =	shalt  }
0x61: {  	_ =	shalt  }
0x62: {  	_ =	shalt  }
0x63: {  	_ =	shalt  }
0x64: {  	_ =	shalt  }
0x65: {  	_ =	shalt  }
0x66: {  	_ =	shalt  }
0x67: {  	_ =	shalt  }
0x68: {  	_ =	shalt  }
0x69: {  	_ =	shalt  }
0x6a: {  	_ =	shalt  }
0x6b: {  	_ =	shalt  }
0x6c: {  	_ =	shalt  }
0x6d: {  	_ =	shalt  }
0x6e: {  	_ =	shalt  }
0x6f: {  	_ =	shalt  }
0x70: {  	_ =	shalt  }
0x71: {  	_ =	shalt  }
0x72: {  	_ =	shalt  }
0x73: {  	_ =	shalt  }
0x74: {  	_ =	shalt  }
0x75: {  	_ =	shalt  }
0x76: {  	_ =	shalt  }
0x77: {  	_ =	shalt  }
0x78: {  	_ =	shalt  }
0x79: {  	_ =	shalt  }
0x7a: {  	_ =	shalt  }
0x7b: {  	_ =	shalt  }
0x7c: {  	_ =	shalt  }
0x7d: {  	_ =	shalt  }
0x7e: {  	_ =	shalt  }
0x7f: {  	_ =	shalt  }
0x80: {  	_ =	shalt  }
0x81: {  	_ =	shalt  }
0x82: {  	_ =	shalt  }
0x83: {  	_ =	shalt  }
0x84: {  	_ =	shalt  }
0x85: {  	_ =	shalt  }
0x86: {  	_ =	shalt  }
0x87: {  	_ =	shalt  }
.Lfunc_end0:
.L_simem_size_0:
called_computation_lowered:
.L_overlay_start_0:
0x88: {  	s2 =	sld [smem:$0x3FD9]  }
0x89: {  	s3 =	sld [smem:$0x3FFE];
	_ =	sdelay $0x1  }
0x8a: {  	s1 =	srdreg.scid  }
0x8b: {  	s0 =	sand.u32 $0x1, s1  }
0x8c: {  	s14 =	sshll.u32 s0, $0xA;
	s2 =	sadd.s32 s3, s2  }
0x8d: {  	s2 =	sadd.s32 s2, s14  }
0x8e: {  	[smem:$0x3FC5] =	sst s2  }
0x8f: {  	_ = 	snop  }
0x90: {  	s2 =	sld [smem:$0x3FD0];
	_ =	sdelay $0x1  }
0x91: {  	s15 =	sld [smem:$0x3FC9]  }
0x92: {  	s5 =	simm.s32 $0xA;
	s6 =	simm.s32 $0x10;
	s4 =	sld [smem:$0x3FC8]  }
0x93: {  	[smem:s6], [sflag:s5] =	dma.local [hbm:s2], $0x1  }
0x94: {  	_ =	swait.eq [sflag:s5], $0x1  }
0x95: {  	[sflag:s5] =	ssyncset.done $0x0  }
0x96: {  	[sflag:s5] =	ssyncadd.s32 $0xFFFFFFFF  }
0x97: {  	s16 =	sld [smem:$0x10];
	(tm) =	ssettm $0x1  }
0x98: {  	s17 =	sld [smem:$0x3FFB];
	_ =	sdelay $0x3  }
0x99: {  	_ =	strace s17  }
0x9a: {  	s5 =	sld [smem:$0x3FFC];
	_ =	sdelay $0x3  }
0x9b: {  	_ =	strace s5  }
0x9c: {  	s5 =	sld [smem:$0x3FFD];
	_ =	sdelay $0x3  }
0x9d: {  	_ =	strace s5  }
0x9e: {  	_ =	strace $0x8FFFFFFF  }
0x9f: {  	s18 =	sld [smem:$0x3FDB];
	_ =	sdelay $0x1  }
0xa0: {  	s19 =	simm.s32 $_scs_section_size  }
0xa1: {  	s7 =	simm.s32 $_size__tile_overlayer_lowered;
	s8 =	simm.s32 $_tile_overlayer_lowered  }
0xa2: {  	s22 =	simm.s32 $0x1BFF;
	s21 =	sshll.u32 s8, $0x1;
	s5 =	sadd.s32 s19, s18  }
0xa3: {  	s9 =	simm.s32 $0x0;
	s20 =	sshll.u32 s7, $0x1;
	s7 =	sadd.s32 s21, s5  }
0xa4: {  	[timem:s9], [sflag:s22] =	dma.local [hbm:s7], s20  }
0xa5: {  	_ =	swait.ge [sflag:s22], s20  }
0xa6: {  	s6 =	ssub.s32 $0x0, s20;
	[sflag:s22] =	ssyncset.done $0x0  }
0xa7: {  	[sflag:s22] =	ssyncadd.s32 s6;
	_ =	sdelay $0x1  }
0xa8: {  	s23 =	simm.s32 $0x1B8B  }
0xa9: {  	_ =	swait.ge [sflag:s23], $0x1  }
0xaa: {  	[sflag:s23] =	ssyncset.done $0x0  }
0xab: {  	s25 =	simm.s32 $0x1B8E;
	s24 =	sld [smem:$0x3FFE];
	[sflag:s23] =	ssyncadd.s32 $0xFFFFFFFF  }
0xac: {  	s26 =	simm.s32 $execute0_lowered;
	[smem:$0x3FD2] =	sst s25  }
0xad: {  	s7 =	sshll.u32 s26, $0x1;
	_ =	strace $0x80000046;
	[dreg:$0x1] =	wrdreg $0xFFFFFFFF  }
0xae: {  	s28 =	simm.s32 $_size_execute0_lowered;
	s5 =	sadd.s32 s5, s7;
	[dreg:$0x0] =	wrdreg $0x0  }
0xaf: {  	s7 =	sshll.u32 s28, $0x1;
	[dreg:$0x2] =	wrdreg s5  }
0xb0: {  	[dreg:$0x3] =	wrdreg s7  }
0xb1: {  	[dreg:$0x4] =	wrdreg $0xC0  }
0xb2: {  	_ =	task [dreg:s9], $0x5FFFF  }
0xb3: {  	[dreg:$0x1] =	wrdreg $0xFFFFFFFF  }
0xb4: {  	[dreg:$0x0] =	wrdreg $0x60  }
0xb5: {  	[dreg:$0x2] =	wrdreg s15  }
0xb6: {  	[dreg:$0x3] =	wrdreg s4  }
0xb7: {  	[dreg:$0x4] =	wrdreg s24  }
0xb8: {  	[dreg:$0x5] =	wrdreg s16  }
0xb9: {  	[dreg:$0x6] =	wrdreg $0x9  }
0xba: {  	_ =	task.clear_ibuf [dreg:s9], $0x7FFFF;
	_ =	strace $0x90000046  }
0xbb: {  	s29 =	simm.s32 $0x9;
	_ =	strace $0x80000048  }
0xbc: {  	_ =	swait.ge [sflag:s29], $0x1  }
0xbd: {  	[sflag:s29] =	ssyncadd.s32 $0xFFFFFFFF  }
0xbe: {  	_ =	strace $0x90000048  }
0xbf: {  	_ =	sfence  }
0xc0: {  	s30 =	sld [smem:$0x0];
	_ =	sdelay $0x2  }
0xc1: {  	s31 =	sshll.u32 s1, $0xD;
	s1 =	sshrl.u32 s1, $0x2  }
0xc2: {  	s3 =	sand.u32 $0x4000, s31;
	s1 =	sadd.s32 s1, s30  }
0xc3: {  	s0 =	sor.u32 s3, s0;
	s1 =	sshll.u32 s1, $0x11  }
0xc4: {  	s0 =	sor.u32 s1, s0  }
0xc5: {  	s0 =	sadd.s32 $0x8F2B, s0  }
0xc6: {  	[sflag:s0] =	ssyncadd.remote.s32 $0x1  }
0xc7: {  	_ =	sfence.sel $0xFFFF  }
0xc8: {  	[dreg:$0x0] =	wrdreg $0xFFFFFFFF;
	(pc) =	sbr.abs _section_cstart, $3  }
0xc9: {  	[dreg:$0x1] =	wrdreg $0xFFFFFFFF  }
0xca: {  	_ =	task.clear_ibuf [dreg:s9], $0x2FFFF;
	_ =	strace $0x9FFFFFFF  }
0xcb: {  	(tm) =	ssettm $0x7FFFFFFF  }
tec
execute0_lowered:
.L_overlay_start_1:
0x0: {  	(tag) =	ssettag $0x1  }
0x1: {  	s1 =	rddreg [dreg:$0x0]  }
0x2: {  	s0 =	rddreg [dreg:$0x1]  }
0x3: {  	s2 =	rddreg [dreg:$0x2]  }
0x4: {  	s11 =	rddreg [dreg:$0x3];
	s4 =	srdreg.scid  }
0x5: {  	s7 =	stileid.u32;
	s3 =	simm.s32 $0x0;
	s17 =	simm.s32 $0x1  }
0x6: {  	s18 =	simm.s32 $0x880;
	s29 =	simm.s32 $0x5880;
	s30 =	simm.s32 $0x6080  }
0x7: {  	s31 =	simm.s32 $0x6880;
	s19 =	simm.s32 $0x2;
	s20 =	simm.s32 $0x3  }
0x8: {  	s21 =	simm.s32 $0x4;
	s22 =	simm.s32 $0x5;
	s23 =	simm.s32 $0x0  }
0x9: {  	s4 =	sand.u32 $0x1, s4;
	s5 =	sshll.u32 s7, $0x1;
	[smem:$0x7FF] =	sst s3  }
0xa: {  	s26 =	sshll.u32 s7, $0xA;
	s7 =	sadd.s32 $0x200, s1;
	s8 =	sadd.s32 $0x300, s1  }
0xb: {  	s10 =	sadd.s32 $0x500, s1;
	s12 =	sadd.s32 $0x600, s1;
	s13 =	sadd.s32 $0x700, s1  }
0xc: {  	s9 =	sor.u32 s4, s5;
	_ =	strace $0x80000047;
	s4 =	ssub.s32 $0x2, s4  }
0xd: {  	s16 =	sand.u32 $0x3000, s26;
	s26 =	simm.s32 $0x4880;
	s5 =	sshll.u32 s9, $0x8  }
0xe: {  	s25 =	sshrl.u32 s4, $0x1;
	s6 =	sshll.u32 s9, $0x1;
	s28 =	sshll.u32 s9, $0xC  }
0xf: {  	s9 =	sadd.s32 $0x400, s1;
	v0 =	vmov s16;
	s16 =	simm.s32 $0x8080;
	s2 =	sadd.s32 s5, s2  }
0x10: {  	v1 =	vlaneseq.u32;
	s15 =	ssub.s32 s4, s25;
	s4 =	sadd.s32 s0, s6;
	s6 =	sadd.s32 $0x100, s1  }
0x11: {  	v2 =	vshrl.u32 v1, $0x3;
	s11 =	sadd.s32 s11, s28;
	s0 =	simm.s32 $0x7080;
	s5 =	sadd.s32 $0x600, s2  }
0x12: {  	vm0 =	vmmov $0xffff;
	v1 =	vand.u32 $0x7, v1;
	v2 =	vmul.u32 $0x8, v2;
	s14 =	sadd.s32 $0x800, s11;
	s15 =	smax.u32 s15, $0x1;
	s2 =	simm.s32 $0x7880  }
.LBB2_1:
0x13: {  	[tilespmem:s3], [sflag:$0x1] =	stream.linear.gather [hbm4b:s4+s3], $0x10, $0x38;
	[tilespmem:$0x8880] =	vst v63  }
0x14: {  	s24 =	simm.s32 $0x80  }
0x15: {  	[tilespmem:s24], [sflag:$0x2] =	stream.linear.gather [hbm4b:s5+s3], $0x800, $0x38;
	[tilespmem:$0x8880] =	vst v63  }
0x16: {  	_ =	swait.ge [sflag:s17], $0x10  }
0x17: {  	[sflag:s17] =	ssyncset.done $0x0  }
0x18: {  	[sflag:s17] =	ssyncadd.s32 $0xFFFFFFF0  }
0x19: {  	v3 =	vld [tilespmem:$0x0];
	_ =	sdelay $0x4  }
0x1a: {  	v3 =	vadd.s32 v0, v3  }
0x1b: {  	[tilespmem:$0x0] =	vst v3  }
0x1c: {  	v3 =	vld.msk [tilespmem:$0x0], $0xff;
	_ =	sdelay $0x4  }
0x1d: {  	v4 =	vshll.u32 v3, $0x4  }
0x1e: {  	v3 =	vand.u32 $0x7, v3;
	v4 =	vand.u32 $0xFFFFFF80, v4  }
0x1f: {  	v3 =	vor.u32 v3, v4  }
0x20: {  	v3 =	vperm.xlane v3, v1;
	_ =	sdelay $0x1  }
0x21: {  	v3 =	vadd.s32 v2, v3;
	_ =	sdelay $0x4  }
0x22: {  	[tilespmem:s18], [sflag:$0x3] =	stream.indirect_vreg.gather [hbm4b:s1+s3], $0x80, v3, vm0, $0xb8;
	[tilespmem:$0x8880] =	vst v63  }
0x23: {  	s25 =	simm.s32 $0x1080  }
0x24: {  	[tilespmem:s25], [sflag:$0x3] =	stream.indirect_vreg.gather [hbm4b:s6+s3], $0x80, v3, vm0, $0xb8;
	[tilespmem:$0x8880] =	vst v63  }
0x25: {  	s28 =	simm.s32 $0x1880  }
0x26: {  	[tilespmem:s28], [sflag:$0x3] =	stream.indirect_vreg.gather [hbm4b:s7+s3], $0x80, v3, vm0, $0xb8;
	[tilespmem:$0x8880] =	vst v63  }
0x27: {  	s25 =	simm.s32 $0x2080  }
0x28: {  	[tilespmem:s25], [sflag:$0x3] =	stream.indirect_vreg.gather [hbm4b:s8+s3], $0x80, v3, vm0, $0xb8;
	[tilespmem:$0x8880] =	vst v63  }
0x29: {  	s28 =	simm.s32 $0x2880  }
0x2a: {  	[tilespmem:s28], [sflag:$0x3] =	stream.indirect_vreg.gather [hbm4b:s9+s3], $0x80, v3, vm0, $0xb8;
	[tilespmem:$0x8880] =	vst v63  }
0x2b: {  	s25 =	simm.s32 $0x3080  }
0x2c: {  	[tilespmem:s25], [sflag:$0x3] =	stream.indirect_vreg.gather [hbm4b:s10+s3], $0x80, v3, vm0, $0xb8;
	[tilespmem:$0x8880] =	vst v63  }
0x2d: {  	s28 =	simm.s32 $0x3880  }
0x2e: {  	[tilespmem:s28], [sflag:$0x3] =	stream.indirect_vreg.gather [hbm4b:s12+s3], $0x80, v3, vm0, $0xb8;
	[tilespmem:$0x8880] =	vst v63  }
0x2f: {  	s25 =	simm.s32 $0x4080  }
0x30: {  	[tilespmem:s25], [sflag:$0x3] =	stream.indirect_vreg.gather [hbm4b:s13+s3], $0x80, v3, vm0, $0xb8;
	[tilespmem:$0x8880] =	vst v63  }
0x31: {  	v3 =	vld.msk [tilespmem:$0x8], $0xff;
	_ =	sdelay $0x4  }
0x32: {  	v4 =	vshll.u32 v3, $0x4  }
0x33: {  	v3 =	vand.u32 $0x7, v3;
	v4 =	vand.u32 $0xFFFFFF80, v4  }
0x34: {  	v3 =	vor.u32 v3, v4  }
0x35: {  	v3 =	vperm.xlane v3, v1;
	_ =	sdelay $0x1  }
0x36: {  	v3 =	vadd.s32 v2, v3;
	_ =	sdelay $0x4  }
0x37: {  	[tilespmem:s26], [sflag:$0x4] =	stream.indirect_vreg.gather [hbm4b:s1+s3], $0x80, v3, vm0, $0xb8;
	[tilespmem:$0x8880] =	vst v63  }
0x38: {  	s28 =	simm.s32 $0x5080  }
0x39: {  	[tilespmem:s28], [sflag:$0x4] =	stream.indirect_vreg.gather [hbm4b:s6+s3], $0x80, v3, vm0, $0xb8;
	[tilespmem:$0x8880] =	vst v63  }
0x3a: {  	_ = 	snop  }
0x3b: {  	[tilespmem:s29], [sflag:$0x4] =	stream.indirect_vreg.gather [hbm4b:s7+s3], $0x80, v3, vm0, $0xb8;
	[tilespmem:$0x8880] =	vst v63  }
0x3c: {  	_ = 	snop  }
0x3d: {  	[tilespmem:s30], [sflag:$0x4] =	stream.indirect_vreg.gather [hbm4b:s8+s3], $0x80, v3, vm0, $0xb8;
	[tilespmem:$0x8880] =	vst v63  }
0x3e: {  	_ = 	snop  }
0x3f: {  	[tilespmem:s31], [sflag:$0x4] =	stream.indirect_vreg.gather [hbm4b:s9+s3], $0x80, v3, vm0, $0xb8;
	[tilespmem:$0x8880] =	vst v63  }
0x40: {  	_ = 	snop  }
0x41: {  	[tilespmem:s0], [sflag:$0x4] =	stream.indirect_vreg.gather [hbm4b:s10+s3], $0x80, v3, vm0, $0xb8;
	[tilespmem:$0x8880] =	vst v63  }
0x42: {  	_ = 	snop  }
0x43: {  	[tilespmem:s2], [sflag:$0x4] =	stream.indirect_vreg.gather [hbm4b:s12+s3], $0x80, v3, vm0, $0xb8;
	[tilespmem:$0x8880] =	vst v63  }
0x44: {  	_ = 	snop  }
0x45: {  	[tilespmem:s16], [sflag:$0x4] =	stream.indirect_vreg.gather [hbm4b:s13+s3], $0x80, v3, vm0, $0xb8;
	[tilespmem:$0x8880] =	vst v63  }
0x46: {  	_ =	swait.ge [sflag:s19], $0x800  }
0x47: {  	[sflag:s19] =	ssyncset.done $0x0  }
0x48: {  	[sflag:s19] =	ssyncadd.s32 $0xFFFFF800  }
0x49: {  	_ =	swait.ge [sflag:s20], $0x4000  }
0x4a: {  	[sflag:s20] =	ssyncset.done $0x0  }
0x4b: {  	[sflag:s20] =	ssyncadd.s32 $0xFFFFC000  }
0x4c: {  	s24 =	simm.s32 $0x0;
	v3 =	vld [tilespmem:$0x80]  }
0x4d: {  	v7 =	vld [tilespmem:s24+$0x880]  }
0x4e: {  	v9 =	vld [tilespmem:s24+$0x890]  }
0x4f: {  	v8 =	vld [tilespmem:s24+$0x8A0]  }
0x50: {  	v6 =	vld [tilespmem:s24+$0x8B0]  }
0x51: {  	v4 =	vld [tilespmem:s24+$0x8C0]  }
0x52: {  	v5 =	vld [tilespmem:s24+$0x8D0];
	v10 =	vmul.f32 v7, v3  }
0x53: {  	s25 =	simm.s32 $0x1000;
	v9 =	vmul.f32 v9, v3;
	v7 =	vld [tilespmem:s24+$0x8E0]  }
.LBB2_2:
0x54: {  	s28 =	sshra.s32 s25, $0x2;
	p0 =	sne.s32 s25, $0xF000;
	[tilespmem:s24+$0x880] =	vst v10;
	v8 =	vmul.f32 v8, v3;
	v10 =	vld [tilespmem:s24+$0x8F0]  }
0x55: {  	v11 =	vld [tilespmem:s28+$0x880];
	[tilespmem:s24+$0x890] =	vst v9;
	v6 =	vmul.f32 v6, v3  }
0x56: {  	v9 =	vld [tilespmem:s28+$0x890];
	[tilespmem:s24+$0x8A0] =	vst v8;
	v4 =	vmul.f32 v4, v3  }
.Ltmp0:
0x57: {  	v8 =	vld [tilespmem:s28+$0x8A0];
	[tilespmem:s24+$0x8B0] =	vst v6;
	v5 =	vmul.f32 v5, v3;
	(pc) =	sbr.rel @p0 .LBB2_2-.Ltmp0, $4  }
0x58: {  	v6 =	vld [tilespmem:s28+$0x8B0];
	[tilespmem:s24+$0x8C0] =	vst v4;
	v7 =	vmul.f32 v7, v3  }
0x59: {  	v4 =	vld [tilespmem:s28+$0x8C0];
	[tilespmem:s24+$0x8D0] =	vst v5;
	v12 =	vmul.f32 v10, v3  }
0x5a: {  	v10 =	vmul.f32 v11, v3;
	v5 =	vld [tilespmem:s28+$0x8D0];
	[tilespmem:s24+$0x8E0] =	vst v7  }
0x5b: {  	s25 =	sadd.s32 $0x1000, s25;
	v9 =	vmul.f32 v9, v3;
	v7 =	vld [tilespmem:s28+$0x8E0];
	[tilespmem:s24+$0x8F0] =	vst v12;
	s24 =	smov.u32 s28  }
0x5c: {  	[tilespmem:s24+$0x880] =	vst v10;
	v8 =	vmul.f32 v8, v3;
	v10 =	vld [tilespmem:s24+$0x8F0]  }
0x5d: {  	[tilespmem:s24+$0x890] =	vst v9;
	v6 =	vmul.f32 v6, v3  }
0x5e: {  	[tilespmem:s24+$0x8A0] =	vst v8;
	v4 =	vmul.f32 v4, v3  }
0x5f: {  	[tilespmem:s24+$0x8B0] =	vst v6;
	v5 =	vmul.f32 v5, v3  }
0x60: {  	[tilespmem:s24+$0x8C0] =	vst v4;
	v4 =	vmul.f32 v7, v3  }
0x61: {  	[tilespmem:s24+$0x8D0] =	vst v5;
	v3 =	vmul.f32 v10, v3  }
0x62: {  	[tilespmem:s24+$0x8E0] =	vst v4  }
0x63: {  	[tilespmem:s24+$0x8F0] =	vst v3  }
0x64: {  	s24 =	simm.s32 $0x0;
	v3 =	vld [tilespmem:$0x100]  }
0x65: {  	v7 =	vld [tilespmem:s24+$0x900]  }
0x66: {  	v9 =	vld [tilespmem:s24+$0x910]  }
0x67: {  	v8 =	vld [tilespmem:s24+$0x920]  }
0x68: {  	v6 =	vld [tilespmem:s24+$0x930]  }
0x69: {  	v4 =	vld [tilespmem:s24+$0x940]  }
0x6a: {  	v5 =	vld [tilespmem:s24+$0x950];
	v10 =	vmul.f32 v7, v3  }
0x6b: {  	s25 =	simm.s32 $0x1000;
	v9 =	vmul.f32 v9, v3;
	v7 =	vld [tilespmem:s24+$0x960]  }
.LBB2_4:
0x6c: {  	s28 =	sshra.s32 s25, $0x2;
	p0 =	sne.s32 s25, $0xF000;
	[tilespmem:s24+$0x900] =	vst v10;
	v8 =	vmul.f32 v8, v3;
	v10 =	vld [tilespmem:s24+$0x970]  }
0x6d: {  	v11 =	vld [tilespmem:s28+$0x900];
	[tilespmem:s24+$0x910] =	vst v9;
	v6 =	vmul.f32 v6, v3  }
0x6e: {  	v9 =	vld [tilespmem:s28+$0x910];
	[tilespmem:s24+$0x920] =	vst v8;
	v4 =	vmul.f32 v4, v3  }
.Ltmp1:
0x6f: {  	v8 =	vld [tilespmem:s28+$0x920];
	[tilespmem:s24+$0x930] =	vst v6;
	v5 =	vmul.f32 v5, v3;
	(pc) =	sbr.rel @p0 .LBB2_4-.Ltmp1, $4  }
0x70: {  	v6 =	vld [tilespmem:s28+$0x930];
	[tilespmem:s24+$0x940] =	vst v4;
	v7 =	vmul.f32 v7, v3  }
0x71: {  	v4 =	vld [tilespmem:s28+$0x940];
	[tilespmem:s24+$0x950] =	vst v5;
	v12 =	vmul.f32 v10, v3  }
0x72: {  	v10 =	vmul.f32 v11, v3;
	v5 =	vld [tilespmem:s28+$0x950];
	[tilespmem:s24+$0x960] =	vst v7  }
0x73: {  	s25 =	sadd.s32 $0x1000, s25;
	v9 =	vmul.f32 v9, v3;
	v7 =	vld [tilespmem:s28+$0x960];
	[tilespmem:s24+$0x970] =	vst v12;
	s24 =	smov.u32 s28  }
0x74: {  	[tilespmem:s24+$0x900] =	vst v10;
	v8 =	vmul.f32 v8, v3;
	v10 =	vld [tilespmem:s24+$0x970]  }
0x75: {  	[tilespmem:s24+$0x910] =	vst v9;
	v6 =	vmul.f32 v6, v3  }
0x76: {  	[tilespmem:s24+$0x920] =	vst v8;
	v4 =	vmul.f32 v4, v3  }
0x77: {  	[tilespmem:s24+$0x930] =	vst v6;
	v5 =	vmul.f32 v5, v3  }
0x78: {  	[tilespmem:s24+$0x940] =	vst v4;
	v4 =	vmul.f32 v7, v3  }
0x79: {  	[tilespmem:s24+$0x950] =	vst v5;
	v3 =	vmul.f32 v10, v3  }
0x7a: {  	[tilespmem:s24+$0x960] =	vst v4  }
0x7b: {  	[tilespmem:s24+$0x970] =	vst v3  }
0x7c: {  	s24 =	simm.s32 $0x0;
	v3 =	vld [tilespmem:$0x180]  }
0x7d: {  	v7 =	vld [tilespmem:s24+$0x980]  }
0x7e: {  	v9 =	vld [tilespmem:s24+$0x990]  }
0x7f: {  	v8 =	vld [tilespmem:s24+$0x9A0]  }
0x80: {  	v6 =	vld [tilespmem:s24+$0x9B0]  }
0x81: {  	v4 =	vld [tilespmem:s24+$0x9C0]  }
0x82: {  	v5 =	vld [tilespmem:s24+$0x9D0];
	v10 =	vmul.f32 v7, v3  }
0x83: {  	s25 =	simm.s32 $0x1000;
	v9 =	vmul.f32 v9, v3;
	v7 =	vld [tilespmem:s24+$0x9E0]  }
.LBB2_6:
0x84: {  	s28 =	sshra.s32 s25, $0x2;
	p0 =	sne.s32 s25, $0xF000;
	[tilespmem:s24+$0x980] =	vst v10;
	v8 =	vmul.f32 v8, v3;
	v10 =	vld [tilespmem:s24+$0x9F0]  }
0x85: {  	v11 =	vld [tilespmem:s28+$0x980];
	[tilespmem:s24+$0x990] =	vst v9;
	v6 =	vmul.f32 v6, v3  }
0x86: {  	v9 =	vld [tilespmem:s28+$0x990];
	[tilespmem:s24+$0x9A0] =	vst v8;
	v4 =	vmul.f32 v4, v3  }
.Ltmp2:
0x87: {  	v8 =	vld [tilespmem:s28+$0x9A0];
	[tilespmem:s24+$0x9B0] =	vst v6;
	v5 =	vmul.f32 v5, v3;
	(pc) =	sbr.rel @p0 .LBB2_6-.Ltmp2, $4  }
0x88: {  	v6 =	vld [tilespmem:s28+$0x9B0];
	[tilespmem:s24+$0x9C0] =	vst v4;
	v7 =	vmul.f32 v7, v3  }
0x89: {  	v4 =	vld [tilespmem:s28+$0x9C0];
	[tilespmem:s24+$0x9D0] =	vst v5;
	v12 =	vmul.f32 v10, v3  }
0x8a: {  	v10 =	vmul.f32 v11, v3;
	v5 =	vld [tilespmem:s28+$0x9D0];
	[tilespmem:s24+$0x9E0] =	vst v7  }
0x8b: {  	s25 =	sadd.s32 $0x1000, s25;
	v9 =	vmul.f32 v9, v3;
	v7 =	vld [tilespmem:s28+$0x9E0];
	[tilespmem:s24+$0x9F0] =	vst v12;
	s24 =	smov.u32 s28  }
0x8c: {  	[tilespmem:s24+$0x980] =	vst v10;
	v8 =	vmul.f32 v8, v3;
	v10 =	vld [tilespmem:s24+$0x9F0]  }
0x8d: {  	[tilespmem:s24+$0x990] =	vst v9;
	v6 =	vmul.f32 v6, v3  }
0x8e: {  	[tilespmem:s24+$0x9A0] =	vst v8;
	v4 =	vmul.f32 v4, v3  }
0x8f: {  	[tilespmem:s24+$0x9B0] =	vst v6;
	v5 =	vmul.f32 v5, v3  }
0x90: {  	[tilespmem:s24+$0x9C0] =	vst v4;
	v4 =	vmul.f32 v7, v3  }
0x91: {  	[tilespmem:s24+$0x9D0] =	vst v5;
	v3 =	vmul.f32 v10, v3  }
0x92: {  	[tilespmem:s24+$0x9E0] =	vst v4  }
0x93: {  	[tilespmem:s24+$0x9F0] =	vst v3  }
0x94: {  	s24 =	simm.s32 $0x0;
	v3 =	vld [tilespmem:$0x200]  }
0x95: {  	v7 =	vld [tilespmem:s24+$0xA00]  }
0x96: {  	v9 =	vld [tilespmem:s24+$0xA10]  }
0x97: {  	v8 =	vld [tilespmem:s24+$0xA20]  }
0x98: {  	v6 =	vld [tilespmem:s24+$0xA30]  }
0x99: {  	v4 =	vld [tilespmem:s24+$0xA40]  }
0x9a: {  	v5 =	vld [tilespmem:s24+$0xA50];
	v10 =	vmul.f32 v7, v3  }
0x9b: {  	s25 =	simm.s32 $0x1000;
	v9 =	vmul.f32 v9, v3;
	v7 =	vld [tilespmem:s24+$0xA60]  }
.LBB2_8:
0x9c: {  	s28 =	sshra.s32 s25, $0x2;
	p0 =	sne.s32 s25, $0xF000;
	[tilespmem:s24+$0xA00] =	vst v10;
	v8 =	vmul.f32 v8, v3;
	v10 =	vld [tilespmem:s24+$0xA70]  }
0x9d: {  	v11 =	vld [tilespmem:s28+$0xA00];
	[tilespmem:s24+$0xA10] =	vst v9;
	v6 =	vmul.f32 v6, v3  }
0x9e: {  	v9 =	vld [tilespmem:s28+$0xA10];
	[tilespmem:s24+$0xA20] =	vst v8;
	v4 =	vmul.f32 v4, v3  }
.Ltmp3:
0x9f: {  	v8 =	vld [tilespmem:s28+$0xA20];
	[tilespmem:s24+$0xA30] =	vst v6;
	v5 =	vmul.f32 v5, v3;
	(pc) =	sbr.rel @p0 .LBB2_8-.Ltmp3, $4  }
0xa0: {  	v6 =	vld [tilespmem:s28+$0xA30];
	[tilespmem:s24+$0xA40] =	vst v4;
	v7 =	vmul.f32 v7, v3  }
0xa1: {  	v4 =	vld [tilespmem:s28+$0xA40];
	[tilespmem:s24+$0xA50] =	vst v5;
	v12 =	vmul.f32 v10, v3  }
0xa2: {  	v10 =	vmul.f32 v11, v3;
	v5 =	vld [tilespmem:s28+$0xA50];
	[tilespmem:s24+$0xA60] =	vst v7  }
0xa3: {  	s25 =	sadd.s32 $0x1000, s25;
	v9 =	vmul.f32 v9, v3;
	v7 =	vld [tilespmem:s28+$0xA60];
	[tilespmem:s24+$0xA70] =	vst v12;
	s24 =	smov.u32 s28  }
0xa4: {  	[tilespmem:s24+$0xA00] =	vst v10;
	v8 =	vmul.f32 v8, v3;
	v10 =	vld [tilespmem:s24+$0xA70]  }
0xa5: {  	[tilespmem:s24+$0xA10] =	vst v9;
	v6 =	vmul.f32 v6, v3  }
0xa6: {  	[tilespmem:s24+$0xA20] =	vst v8;
	v4 =	vmul.f32 v4, v3  }
0xa7: {  	[tilespmem:s24+$0xA30] =	vst v6;
	v5 =	vmul.f32 v5, v3  }
0xa8: {  	[tilespmem:s24+$0xA40] =	vst v4;
	v4 =	vmul.f32 v7, v3  }
0xa9: {  	[tilespmem:s24+$0xA50] =	vst v5;
	v3 =	vmul.f32 v10, v3  }
0xaa: {  	[tilespmem:s24+$0xA60] =	vst v4  }
0xab: {  	[tilespmem:s24+$0xA70] =	vst v3  }
0xac: {  	s24 =	simm.s32 $0x0;
	v3 =	vld [tilespmem:$0x280]  }
0xad: {  	v7 =	vld [tilespmem:s24+$0xA80]  }
0xae: {  	v9 =	vld [tilespmem:s24+$0xA90]  }
0xaf: {  	v8 =	vld [tilespmem:s24+$0xAA0]  }
0xb0: {  	v6 =	vld [tilespmem:s24+$0xAB0]  }
0xb1: {  	v4 =	vld [tilespmem:s24+$0xAC0]  }
0xb2: {  	v5 =	vld [tilespmem:s24+$0xAD0];
	v10 =	vmul.f32 v7, v3  }
0xb3: {  	s25 =	simm.s32 $0x1000;
	v9 =	vmul.f32 v9, v3;
	v7 =	vld [tilespmem:s24+$0xAE0]  }
.LBB2_10:
0xb4: {  	s28 =	sshra.s32 s25, $0x2;
	p0 =	sne.s32 s25, $0xF000;
	[tilespmem:s24+$0xA80] =	vst v10;
	v8 =	vmul.f32 v8, v3;
	v10 =	vld [tilespmem:s24+$0xAF0]  }
0xb5: {  	v11 =	vld [tilespmem:s28+$0xA80];
	[tilespmem:s24+$0xA90] =	vst v9;
	v6 =	vmul.f32 v6, v3  }
0xb6: {  	v9 =	vld [tilespmem:s28+$0xA90];
	[tilespmem:s24+$0xAA0] =	vst v8;
	v4 =	vmul.f32 v4, v3  }
.Ltmp4:
0xb7: {  	v8 =	vld [tilespmem:s28+$0xAA0];
	[tilespmem:s24+$0xAB0] =	vst v6;
	v5 =	vmul.f32 v5, v3;
	(pc) =	sbr.rel @p0 .LBB2_10-.Ltmp4, $4  }
0xb8: {  	v6 =	vld [tilespmem:s28+$0xAB0];
	[tilespmem:s24+$0xAC0] =	vst v4;
	v7 =	vmul.f32 v7, v3  }
0xb9: {  	v4 =	vld [tilespmem:s28+$0xAC0];
	[tilespmem:s24+$0xAD0] =	vst v5;
	v12 =	vmul.f32 v10, v3  }
0xba: {  	v10 =	vmul.f32 v11, v3;
	v5 =	vld [tilespmem:s28+$0xAD0];
	[tilespmem:s24+$0xAE0] =	vst v7  }
0xbb: {  	s25 =	sadd.s32 $0x1000, s25;
	v9 =	vmul.f32 v9, v3;
	v7 =	vld [tilespmem:s28+$0xAE0];
	[tilespmem:s24+$0xAF0] =	vst v12;
	s24 =	smov.u32 s28  }
0xbc: {  	[tilespmem:s24+$0xA80] =	vst v10;
	v8 =	vmul.f32 v8, v3;
	v10 =	vld [tilespmem:s24+$0xAF0]  }
0xbd: {  	[tilespmem:s24+$0xA90] =	vst v9;
	v6 =	vmul.f32 v6, v3  }
0xbe: {  	[tilespmem:s24+$0xAA0] =	vst v8;
	v4 =	vmul.f32 v4, v3  }
0xbf: {  	[tilespmem:s24+$0xAB0] =	vst v6;
	v5 =	vmul.f32 v5, v3  }
0xc0: {  	[tilespmem:s24+$0xAC0] =	vst v4;
	v4 =	vmul.f32 v7, v3  }
0xc1: {  	[tilespmem:s24+$0xAD0] =	vst v5;
	v3 =	vmul.f32 v10, v3  }
0xc2: {  	[tilespmem:s24+$0xAE0] =	vst v4  }
0xc3: {  	[tilespmem:s24+$0xAF0] =	vst v3  }
0xc4: {  	s24 =	simm.s32 $0x0;
	v3 =	vld [tilespmem:$0x300]  }
0xc5: {  	v7 =	vld [tilespmem:s24+$0xB00]  }
0xc6: {  	v9 =	vld [tilespmem:s24+$0xB10]  }
0xc7: {  	v8 =	vld [tilespmem:s24+$0xB20]  }
0xc8: {  	v6 =	vld [tilespmem:s24+$0xB30]  }
0xc9: {  	v4 =	vld [tilespmem:s24+$0xB40]  }
0xca: {  	v5 =	vld [tilespmem:s24+$0xB50];
	v10 =	vmul.f32 v7, v3  }
0xcb: {  	s25 =	simm.s32 $0x1000;
	v9 =	vmul.f32 v9, v3;
	v7 =	vld [tilespmem:s24+$0xB60]  }
.LBB2_12:
0xcc: {  	s28 =	sshra.s32 s25, $0x2;
	p0 =	sne.s32 s25, $0xF000;
	[tilespmem:s24+$0xB00] =	vst v10;
	v8 =	vmul.f32 v8, v3;
	v10 =	vld [tilespmem:s24+$0xB70]  }
0xcd: {  	v11 =	vld [tilespmem:s28+$0xB00];
	[tilespmem:s24+$0xB10] =	vst v9;
	v6 =	vmul.f32 v6, v3  }
0xce: {  	v9 =	vld [tilespmem:s28+$0xB10];
	[tilespmem:s24+$0xB20] =	vst v8;
	v4 =	vmul.f32 v4, v3  }
.Ltmp5:
0xcf: {  	v8 =	vld [tilespmem:s28+$0xB20];
	[tilespmem:s24+$0xB30] =	vst v6;
	v5 =	vmul.f32 v5, v3;
	(pc) =	sbr.rel @p0 .LBB2_12-.Ltmp5, $4  }
0xd0: {  	v6 =	vld [tilespmem:s28+$0xB30];
	[tilespmem:s24+$0xB40] =	vst v4;
	v7 =	vmul.f32 v7, v3  }
0xd1: {  	v4 =	vld [tilespmem:s28+$0xB40];
	[tilespmem:s24+$0xB50] =	vst v5;
	v12 =	vmul.f32 v10, v3  }
0xd2: {  	v10 =	vmul.f32 v11, v3;
	v5 =	vld [tilespmem:s28+$0xB50];
	[tilespmem:s24+$0xB60] =	vst v7  }
0xd3: {  	s25 =	sadd.s32 $0x1000, s25;
	v9 =	vmul.f32 v9, v3;
	v7 =	vld [tilespmem:s28+$0xB60];
	[tilespmem:s24+$0xB70] =	vst v12;
	s24 =	smov.u32 s28  }
0xd4: {  	[tilespmem:s24+$0xB00] =	vst v10;
	v8 =	vmul.f32 v8, v3;
	v10 =	vld [tilespmem:s24+$0xB70]  }
0xd5: {  	[tilespmem:s24+$0xB10] =	vst v9;
	v6 =	vmul.f32 v6, v3  }
0xd6: {  	[tilespmem:s24+$0xB20] =	vst v8;
	v4 =	vmul.f32 v4, v3  }
0xd7: {  	[tilespmem:s24+$0xB30] =	vst v6;
	v5 =	vmul.f32 v5, v3  }
0xd8: {  	[tilespmem:s24+$0xB40] =	vst v4;
	v4 =	vmul.f32 v7, v3  }
0xd9: {  	[tilespmem:s24+$0xB50] =	vst v5;
	v3 =	vmul.f32 v10, v3  }
0xda: {  	[tilespmem:s24+$0xB60] =	vst v4  }
0xdb: {  	[tilespmem:s24+$0xB70] =	vst v3  }
0xdc: {  	s24 =	simm.s32 $0x0;
	v3 =	vld [tilespmem:$0x380]  }
0xdd: {  	v7 =	vld [tilespmem:s24+$0xB80]  }
0xde: {  	v9 =	vld [tilespmem:s24+$0xB90]  }
0xdf: {  	v8 =	vld [tilespmem:s24+$0xBA0]  }
0xe0: {  	v6 =	vld [tilespmem:s24+$0xBB0]  }
0xe1: {  	v4 =	vld [tilespmem:s24+$0xBC0]  }
0xe2: {  	v5 =	vld [tilespmem:s24+$0xBD0];
	v10 =	vmul.f32 v7, v3  }
0xe3: {  	s25 =	simm.s32 $0x1000;
	v9 =	vmul.f32 v9, v3;
	v7 =	vld [tilespmem:s24+$0xBE0]  }
.LBB2_14:
0xe4: {  	s28 =	sshra.s32 s25, $0x2;
	p0 =	sne.s32 s25, $0xF000;
	[tilespmem:s24+$0xB80] =	vst v10;
	v8 =	vmul.f32 v8, v3;
	v10 =	vld [tilespmem:s24+$0xBF0]  }
0xe5: {  	v11 =	vld [tilespmem:s28+$0xB80];
	[tilespmem:s24+$0xB90] =	vst v9;
	v6 =	vmul.f32 v6, v3  }
0xe6: {  	v9 =	vld [tilespmem:s28+$0xB90];
	[tilespmem:s24+$0xBA0] =	vst v8;
	v4 =	vmul.f32 v4, v3  }
.Ltmp6:
0xe7: {  	v8 =	vld [tilespmem:s28+$0xBA0];
	[tilespmem:s24+$0xBB0] =	vst v6;
	v5 =	vmul.f32 v5, v3;
	(pc) =	sbr.rel @p0 .LBB2_14-.Ltmp6, $4  }
0xe8: {  	v6 =	vld [tilespmem:s28+$0xBB0];
	[tilespmem:s24+$0xBC0] =	vst v4;
	v7 =	vmul.f32 v7, v3  }
0xe9: {  	v4 =	vld [tilespmem:s28+$0xBC0];
	[tilespmem:s24+$0xBD0] =	vst v5;
	v12 =	vmul.f32 v10, v3  }
0xea: {  	v10 =	vmul.f32 v11, v3;
	v5 =	vld [tilespmem:s28+$0xBD0];
	[tilespmem:s24+$0xBE0] =	vst v7  }
0xeb: {  	s25 =	sadd.s32 $0x1000, s25;
	v9 =	vmul.f32 v9, v3;
	v7 =	vld [tilespmem:s28+$0xBE0];
	[tilespmem:s24+$0xBF0] =	vst v12;
	s24 =	smov.u32 s28  }
0xec: {  	[tilespmem:s24+$0xB80] =	vst v10;
	v8 =	vmul.f32 v8, v3;
	v10 =	vld [tilespmem:s24+$0xBF0]  }
0xed: {  	[tilespmem:s24+$0xB90] =	vst v9;
	v6 =	vmul.f32 v6, v3  }
0xee: {  	[tilespmem:s24+$0xBA0] =	vst v8;
	v4 =	vmul.f32 v4, v3  }
0xef: {  	[tilespmem:s24+$0xBB0] =	vst v6;
	v5 =	vmul.f32 v5, v3  }
0xf0: {  	[tilespmem:s24+$0xBC0] =	vst v4;
	v4 =	vmul.f32 v7, v3  }
0xf1: {  	[tilespmem:s24+$0xBD0] =	vst v5;
	v3 =	vmul.f32 v10, v3  }
0xf2: {  	[tilespmem:s24+$0xBE0] =	vst v4  }
0xf3: {  	[tilespmem:s24+$0xBF0] =	vst v3  }
0xf4: {  	s24 =	simm.s32 $0x0;
	v3 =	vld [tilespmem:$0x400]  }
0xf5: {  	v7 =	vld [tilespmem:s24+$0xC00]  }
0xf6: {  	v9 =	vld [tilespmem:s24+$0xC10]  }
0xf7: {  	v8 =	vld [tilespmem:s24+$0xC20]  }
0xf8: {  	v6 =	vld [tilespmem:s24+$0xC30]  }
0xf9: {  	v4 =	vld [tilespmem:s24+$0xC40]  }
0xfa: {  	v5 =	vld [tilespmem:s24+$0xC50];
	v10 =	vmul.f32 v7, v3  }
0xfb: {  	s25 =	simm.s32 $0x1000;
	v9 =	vmul.f32 v9, v3;
	v7 =	vld [tilespmem:s24+$0xC60]  }
.LBB2_16:
0xfc: {  	s28 =	sshra.s32 s25, $0x2;
	p0 =	sne.s32 s25, $0xF000;
	[tilespmem:s24+$0xC00] =	vst v10;
	v8 =	vmul.f32 v8, v3;
	v10 =	vld [tilespmem:s24+$0xC70]  }
0xfd: {  	v11 =	vld [tilespmem:s28+$0xC00];
	[tilespmem:s24+$0xC10] =	vst v9;
	v6 =	vmul.f32 v6, v3  }
0xfe: {  	v9 =	vld [tilespmem:s28+$0xC10];
	[tilespmem:s24+$0xC20] =	vst v8;
	v4 =	vmul.f32 v4, v3  }
.Ltmp7:
0xff: {  	v8 =	vld [tilespmem:s28+$0xC20];
	[tilespmem:s24+$0xC30] =	vst v6;
	v5 =	vmul.f32 v5, v3;
	(pc) =	sbr.rel @p0 .LBB2_16-.Ltmp7, $4  }
0x100: {  	v6 =	vld [tilespmem:s28+$0xC30];
	[tilespmem:s24+$0xC40] =	vst v4;
	v7 =	vmul.f32 v7, v3  }
0x101: {  	v4 =	vld [tilespmem:s28+$0xC40];
	[tilespmem:s24+$0xC50] =	vst v5;
	v12 =	vmul.f32 v10, v3  }
0x102: {  	v10 =	vmul.f32 v11, v3;
	v5 =	vld [tilespmem:s28+$0xC50];
	[tilespmem:s24+$0xC60] =	vst v7  }
0x103: {  	s25 =	sadd.s32 $0x1000, s25;
	v9 =	vmul.f32 v9, v3;
	v7 =	vld [tilespmem:s28+$0xC60];
	[tilespmem:s24+$0xC70] =	vst v12;
	s24 =	smov.u32 s28  }
0x104: {  	[tilespmem:s24+$0xC00] =	vst v10;
	v8 =	vmul.f32 v8, v3;
	v10 =	vld [tilespmem:s24+$0xC70]  }
0x105: {  	[tilespmem:s24+$0xC10] =	vst v9;
	v6 =	vmul.f32 v6, v3  }
0x106: {  	[tilespmem:s24+$0xC20] =	vst v8;
	v4 =	vmul.f32 v4, v3  }
0x107: {  	[tilespmem:s24+$0xC30] =	vst v6;
	v5 =	vmul.f32 v5, v3  }
0x108: {  	[tilespmem:s24+$0xC40] =	vst v4;
	v4 =	vmul.f32 v7, v3  }
0x109: {  	[tilespmem:s24+$0xC50] =	vst v5;
	v3 =	vmul.f32 v10, v3  }
0x10a: {  	[tilespmem:s24+$0xC60] =	vst v4  }
0x10b: {  	s28 =	simm.s32 $0x0;
	[tilespmem:s24+$0xC70] =	vst v3  }
0x10c: {  	[hbm4b:s11+s28] =	stream.linear.scatter [tilespmem:s18], [sflag:$0x5], $0x4000, $0x38;
	[tilespmem:$0x8880] =	vst v63  }
0x10d: {  	_ =	swait.ge [sflag:s21], $0x4000  }
0x10e: {  	[sflag:s21] =	ssyncset.done $0x0  }
0x10f: {  	[sflag:s21] =	ssyncadd.s32 $0xFFFFC000  }
0x110: {  	s24 =	simm.s32 $0x0;
	v3 =	vld [tilespmem:$0x480]  }
0x111: {  	v7 =	vld [tilespmem:s24+$0x4880]  }
0x112: {  	v9 =	vld [tilespmem:s24+$0x4890]  }
0x113: {  	v8 =	vld [tilespmem:s24+$0x48A0]  }
0x114: {  	v6 =	vld [tilespmem:s24+$0x48B0]  }
0x115: {  	v4 =	vld [tilespmem:s24+$0x48C0]  }
0x116: {  	v5 =	vld [tilespmem:s24+$0x48D0];
	v10 =	vmul.f32 v7, v3  }
0x117: {  	s25 =	simm.s32 $0x1000;
	v9 =	vmul.f32 v9, v3;
	v7 =	vld [tilespmem:s24+$0x48E0]  }
.LBB2_18:
0x118: {  	s28 =	sshra.s32 s25, $0x2;
	p0 =	sne.s32 s25, $0xF000;
	[tilespmem:s24+$0x4880] =	vst v10;
	v8 =	vmul.f32 v8, v3;
	v10 =	vld [tilespmem:s24+$0x48F0]  }
0x119: {  	v11 =	vld [tilespmem:s28+$0x4880];
	[tilespmem:s24+$0x4890] =	vst v9;
	v6 =	vmul.f32 v6, v3  }
0x11a: {  	v9 =	vld [tilespmem:s28+$0x4890];
	[tilespmem:s24+$0x48A0] =	vst v8;
	v4 =	vmul.f32 v4, v3  }
.Ltmp8:
0x11b: {  	v8 =	vld [tilespmem:s28+$0x48A0];
	[tilespmem:s24+$0x48B0] =	vst v6;
	v5 =	vmul.f32 v5, v3;
	(pc) =	sbr.rel @p0 .LBB2_18-.Ltmp8, $4  }
0x11c: {  	v6 =	vld [tilespmem:s28+$0x48B0];
	[tilespmem:s24+$0x48C0] =	vst v4;
	v7 =	vmul.f32 v7, v3  }
0x11d: {  	v4 =	vld [tilespmem:s28+$0x48C0];
	[tilespmem:s24+$0x48D0] =	vst v5;
	v12 =	vmul.f32 v10, v3  }
0x11e: {  	v10 =	vmul.f32 v11, v3;
	v5 =	vld [tilespmem:s28+$0x48D0];
	[tilespmem:s24+$0x48E0] =	vst v7  }
0x11f: {  	s25 =	sadd.s32 $0x1000, s25;
	v9 =	vmul.f32 v9, v3;
	v7 =	vld [tilespmem:s28+$0x48E0];
	[tilespmem:s24+$0x48F0] =	vst v12;
	s24 =	smov.u32 s28  }
0x120: {  	[tilespmem:s24+$0x4880] =	vst v10;
	v8 =	vmul.f32 v8, v3;
	v10 =	vld [tilespmem:s24+$0x48F0]  }
0x121: {  	[tilespmem:s24+$0x4890] =	vst v9;
	v6 =	vmul.f32 v6, v3  }
0x122: {  	[tilespmem:s24+$0x48A0] =	vst v8;
	v4 =	vmul.f32 v4, v3  }
0x123: {  	[tilespmem:s24+$0x48B0] =	vst v6;
	v5 =	vmul.f32 v5, v3  }
0x124: {  	[tilespmem:s24+$0x48C0] =	vst v4;
	v4 =	vmul.f32 v7, v3  }
0x125: {  	[tilespmem:s24+$0x48D0] =	vst v5;
	v3 =	vmul.f32 v10, v3  }
0x126: {  	[tilespmem:s24+$0x48E0] =	vst v4  }
0x127: {  	[tilespmem:s24+$0x48F0] =	vst v3  }
0x128: {  	s24 =	simm.s32 $0x0;
	v3 =	vld [tilespmem:$0x500]  }
0x129: {  	v7 =	vld [tilespmem:s24+$0x4900]  }
0x12a: {  	v9 =	vld [tilespmem:s24+$0x4910]  }
0x12b: {  	v8 =	vld [tilespmem:s24+$0x4920]  }
0x12c: {  	v6 =	vld [tilespmem:s24+$0x4930]  }
0x12d: {  	v4 =	vld [tilespmem:s24+$0x4940]  }
0x12e: {  	v5 =	vld [tilespmem:s24+$0x4950];
	v10 =	vmul.f32 v7, v3  }
0x12f: {  	s25 =	simm.s32 $0x1000;
	v9 =	vmul.f32 v9, v3;
	v7 =	vld [tilespmem:s24+$0x4960]  }
.LBB2_20:
0x130: {  	s28 =	sshra.s32 s25, $0x2;
	p0 =	sne.s32 s25, $0xF000;
	[tilespmem:s24+$0x4900] =	vst v10;
	v8 =	vmul.f32 v8, v3;
	v10 =	vld [tilespmem:s24+$0x4970]  }
0x131: {  	v11 =	vld [tilespmem:s28+$0x4900];
	[tilespmem:s24+$0x4910] =	vst v9;
	v6 =	vmul.f32 v6, v3  }
0x132: {  	v9 =	vld [tilespmem:s28+$0x4910];
	[tilespmem:s24+$0x4920] =	vst v8;
	v4 =	vmul.f32 v4, v3  }
.Ltmp9:
0x133: {  	v8 =	vld [tilespmem:s28+$0x4920];
	[tilespmem:s24+$0x4930] =	vst v6;
	v5 =	vmul.f32 v5, v3;
	(pc) =	sbr.rel @p0 .LBB2_20-.Ltmp9, $4  }
0x134: {  	v6 =	vld [tilespmem:s28+$0x4930];
	[tilespmem:s24+$0x4940] =	vst v4;
	v7 =	vmul.f32 v7, v3  }
0x135: {  	v4 =	vld [tilespmem:s28+$0x4940];
	[tilespmem:s24+$0x4950] =	vst v5;
	v12 =	vmul.f32 v10, v3  }
0x136: {  	v10 =	vmul.f32 v11, v3;
	v5 =	vld [tilespmem:s28+$0x4950];
	[tilespmem:s24+$0x4960] =	vst v7  }
0x137: {  	s25 =	sadd.s32 $0x1000, s25;
	v9 =	vmul.f32 v9, v3;
	v7 =	vld [tilespmem:s28+$0x4960];
	[tilespmem:s24+$0x4970] =	vst v12;
	s24 =	smov.u32 s28  }
0x138: {  	[tilespmem:s24+$0x4900] =	vst v10;
	v8 =	vmul.f32 v8, v3;
	v10 =	vld [tilespmem:s24+$0x4970]  }
0x139: {  	[tilespmem:s24+$0x4910] =	vst v9;
	v6 =	vmul.f32 v6, v3  }
0x13a: {  	[tilespmem:s24+$0x4920] =	vst v8;
	v4 =	vmul.f32 v4, v3  }
0x13b: {  	[tilespmem:s24+$0x4930] =	vst v6;
	v5 =	vmul.f32 v5, v3  }
0x13c: {  	[tilespmem:s24+$0x4940] =	vst v4;
	v4 =	vmul.f32 v7, v3  }
0x13d: {  	[tilespmem:s24+$0x4950] =	vst v5;
	v3 =	vmul.f32 v10, v3  }
0x13e: {  	[tilespmem:s24+$0x4960] =	vst v4  }
0x13f: {  	[tilespmem:s24+$0x4970] =	vst v3  }
0x140: {  	s24 =	simm.s32 $0x0;
	v3 =	vld [tilespmem:$0x580]  }
0x141: {  	v7 =	vld [tilespmem:s24+$0x4980]  }
0x142: {  	v9 =	vld [tilespmem:s24+$0x4990]  }
0x143: {  	v8 =	vld [tilespmem:s24+$0x49A0]  }
0x144: {  	v6 =	vld [tilespmem:s24+$0x49B0]  }
0x145: {  	v4 =	vld [tilespmem:s24+$0x49C0]  }
0x146: {  	v5 =	vld [tilespmem:s24+$0x49D0];
	v10 =	vmul.f32 v7, v3  }
0x147: {  	s25 =	simm.s32 $0x1000;
	v9 =	vmul.f32 v9, v3;
	v7 =	vld [tilespmem:s24+$0x49E0]  }
.LBB2_22:
0x148: {  	s28 =	sshra.s32 s25, $0x2;
	p0 =	sne.s32 s25, $0xF000;
	[tilespmem:s24+$0x4980] =	vst v10;
	v8 =	vmul.f32 v8, v3;
	v10 =	vld [tilespmem:s24+$0x49F0]  }
0x149: {  	v11 =	vld [tilespmem:s28+$0x4980];
	[tilespmem:s24+$0x4990] =	vst v9;
	v6 =	vmul.f32 v6, v3  }
0x14a: {  	v9 =	vld [tilespmem:s28+$0x4990];
	[tilespmem:s24+$0x49A0] =	vst v8;
	v4 =	vmul.f32 v4, v3  }
.Ltmp10:
0x14b: {  	v8 =	vld [tilespmem:s28+$0x49A0];
	[tilespmem:s24+$0x49B0] =	vst v6;
	v5 =	vmul.f32 v5, v3;
	(pc) =	sbr.rel @p0 .LBB2_22-.Ltmp10, $4  }
0x14c: {  	v6 =	vld [tilespmem:s28+$0x49B0];
	[tilespmem:s24+$0x49C0] =	vst v4;
	v7 =	vmul.f32 v7, v3  }
0x14d: {  	v4 =	vld [tilespmem:s28+$0x49C0];
	[tilespmem:s24+$0x49D0] =	vst v5;
	v12 =	vmul.f32 v10, v3  }
0x14e: {  	v10 =	vmul.f32 v11, v3;
	v5 =	vld [tilespmem:s28+$0x49D0];
	[tilespmem:s24+$0x49E0] =	vst v7  }
0x14f: {  	s25 =	sadd.s32 $0x1000, s25;
	v9 =	vmul.f32 v9, v3;
	v7 =	vld [tilespmem:s28+$0x49E0];
	[tilespmem:s24+$0x49F0] =	vst v12;
	s24 =	smov.u32 s28  }
0x150: {  	[tilespmem:s24+$0x4980] =	vst v10;
	v8 =	vmul.f32 v8, v3;
	v10 =	vld [tilespmem:s24+$0x49F0]  }
0x151: {  	[tilespmem:s24+$0x4990] =	vst v9;
	v6 =	vmul.f32 v6, v3  }
0x152: {  	[tilespmem:s24+$0x49A0] =	vst v8;
	v4 =	vmul.f32 v4, v3  }
0x153: {  	[tilespmem:s24+$0x49B0] =	vst v6;
	v5 =	vmul.f32 v5, v3  }
0x154: {  	[tilespmem:s24+$0x49C0] =	vst v4;
	v4 =	vmul.f32 v7, v3  }
0x155: {  	[tilespmem:s24+$0x49D0] =	vst v5;
	v3 =	vmul.f32 v10, v3  }
0x156: {  	[tilespmem:s24+$0x49E0] =	vst v4  }
0x157: {  	[tilespmem:s24+$0x49F0] =	vst v3  }
0x158: {  	s24 =	simm.s32 $0x0;
	v3 =	vld [tilespmem:$0x600]  }
0x159: {  	v7 =	vld [tilespmem:s24+$0x4A00]  }
0x15a: {  	v9 =	vld [tilespmem:s24+$0x4A10]  }
0x15b: {  	v8 =	vld [tilespmem:s24+$0x4A20]  }
0x15c: {  	v6 =	vld [tilespmem:s24+$0x4A30]  }
0x15d: {  	v4 =	vld [tilespmem:s24+$0x4A40]  }
0x15e: {  	v5 =	vld [tilespmem:s24+$0x4A50];
	v10 =	vmul.f32 v7, v3  }
0x15f: {  	s25 =	simm.s32 $0x1000;
	v9 =	vmul.f32 v9, v3;
	v7 =	vld [tilespmem:s24+$0x4A60]  }
.LBB2_24:
0x160: {  	s28 =	sshra.s32 s25, $0x2;
	p0 =	sne.s32 s25, $0xF000;
	[tilespmem:s24+$0x4A00] =	vst v10;
	v8 =	vmul.f32 v8, v3;
	v10 =	vld [tilespmem:s24+$0x4A70]  }
0x161: {  	v11 =	vld [tilespmem:s28+$0x4A00];
	[tilespmem:s24+$0x4A10] =	vst v9;
	v6 =	vmul.f32 v6, v3  }
0x162: {  	v9 =	vld [tilespmem:s28+$0x4A10];
	[tilespmem:s24+$0x4A20] =	vst v8;
	v4 =	vmul.f32 v4, v3  }
.Ltmp11:
0x163: {  	v8 =	vld [tilespmem:s28+$0x4A20];
	[tilespmem:s24+$0x4A30] =	vst v6;
	v5 =	vmul.f32 v5, v3;
	(pc) =	sbr.rel @p0 .LBB2_24-.Ltmp11, $4  }
0x164: {  	v6 =	vld [tilespmem:s28+$0x4A30];
	[tilespmem:s24+$0x4A40] =	vst v4;
	v7 =	vmul.f32 v7, v3  }
0x165: {  	v4 =	vld [tilespmem:s28+$0x4A40];
	[tilespmem:s24+$0x4A50] =	vst v5;
	v12 =	vmul.f32 v10, v3  }
0x166: {  	v10 =	vmul.f32 v11, v3;
	v5 =	vld [tilespmem:s28+$0x4A50];
	[tilespmem:s24+$0x4A60] =	vst v7  }
0x167: {  	s25 =	sadd.s32 $0x1000, s25;
	v9 =	vmul.f32 v9, v3;
	v7 =	vld [tilespmem:s28+$0x4A60];
	[tilespmem:s24+$0x4A70] =	vst v12;
	s24 =	smov.u32 s28  }
0x168: {  	[tilespmem:s24+$0x4A00] =	vst v10;
	v8 =	vmul.f32 v8, v3;
	v10 =	vld [tilespmem:s24+$0x4A70]  }
0x169: {  	[tilespmem:s24+$0x4A10] =	vst v9;
	v6 =	vmul.f32 v6, v3  }
0x16a: {  	[tilespmem:s24+$0x4A20] =	vst v8;
	v4 =	vmul.f32 v4, v3  }
0x16b: {  	[tilespmem:s24+$0x4A30] =	vst v6;
	v5 =	vmul.f32 v5, v3  }
0x16c: {  	[tilespmem:s24+$0x4A40] =	vst v4;
	v4 =	vmul.f32 v7, v3  }
0x16d: {  	[tilespmem:s24+$0x4A50] =	vst v5;
	v3 =	vmul.f32 v10, v3  }
0x16e: {  	[tilespmem:s24+$0x4A60] =	vst v4  }
0x16f: {  	[tilespmem:s24+$0x4A70] =	vst v3  }
0x170: {  	s24 =	simm.s32 $0x0;
	v3 =	vld [tilespmem:$0x680]  }
0x171: {  	v7 =	vld [tilespmem:s24+$0x4A80]  }
0x172: {  	v9 =	vld [tilespmem:s24+$0x4A90]  }
0x173: {  	v8 =	vld [tilespmem:s24+$0x4AA0]  }
0x174: {  	v6 =	vld [tilespmem:s24+$0x4AB0]  }
0x175: {  	v4 =	vld [tilespmem:s24+$0x4AC0]  }
0x176: {  	v5 =	vld [tilespmem:s24+$0x4AD0];
	v10 =	vmul.f32 v7, v3  }
0x177: {  	s25 =	simm.s32 $0x1000;
	v9 =	vmul.f32 v9, v3;
	v7 =	vld [tilespmem:s24+$0x4AE0]  }
.LBB2_26:
0x178: {  	s28 =	sshra.s32 s25, $0x2;
	p0 =	sne.s32 s25, $0xF000;
	[tilespmem:s24+$0x4A80] =	vst v10;
	v8 =	vmul.f32 v8, v3;
	v10 =	vld [tilespmem:s24+$0x4AF0]  }
0x179: {  	v11 =	vld [tilespmem:s28+$0x4A80];
	[tilespmem:s24+$0x4A90] =	vst v9;
	v6 =	vmul.f32 v6, v3  }
0x17a: {  	v9 =	vld [tilespmem:s28+$0x4A90];
	[tilespmem:s24+$0x4AA0] =	vst v8;
	v4 =	vmul.f32 v4, v3  }
.Ltmp12:
0x17b: {  	v8 =	vld [tilespmem:s28+$0x4AA0];
	[tilespmem:s24+$0x4AB0] =	vst v6;
	v5 =	vmul.f32 v5, v3;
	(pc) =	sbr.rel @p0 .LBB2_26-.Ltmp12, $4  }
0x17c: {  	v6 =	vld [tilespmem:s28+$0x4AB0];
	[tilespmem:s24+$0x4AC0] =	vst v4;
	v7 =	vmul.f32 v7, v3  }
0x17d: {  	v4 =	vld [tilespmem:s28+$0x4AC0];
	[tilespmem:s24+$0x4AD0] =	vst v5;
	v12 =	vmul.f32 v10, v3  }
0x17e: {  	v10 =	vmul.f32 v11, v3;
	v5 =	vld [tilespmem:s28+$0x4AD0];
	[tilespmem:s24+$0x4AE0] =	vst v7  }
0x17f: {  	s25 =	sadd.s32 $0x1000, s25;
	v9 =	vmul.f32 v9, v3;
	v7 =	vld [tilespmem:s28+$0x4AE0];
	[tilespmem:s24+$0x4AF0] =	vst v12;
	s24 =	smov.u32 s28  }
0x180: {  	[tilespmem:s24+$0x4A80] =	vst v10;
	v8 =	vmul.f32 v8, v3;
	v10 =	vld [tilespmem:s24+$0x4AF0]  }
0x181: {  	[tilespmem:s24+$0x4A90] =	vst v9;
	v6 =	vmul.f32 v6, v3  }
0x182: {  	[tilespmem:s24+$0x4AA0] =	vst v8;
	v4 =	vmul.f32 v4, v3  }
0x183: {  	[tilespmem:s24+$0x4AB0] =	vst v6;
	v5 =	vmul.f32 v5, v3  }
0x184: {  	[tilespmem:s24+$0x4AC0] =	vst v4;
	v4 =	vmul.f32 v7, v3  }
0x185: {  	[tilespmem:s24+$0x4AD0] =	vst v5;
	v3 =	vmul.f32 v10, v3  }
0x186: {  	[tilespmem:s24+$0x4AE0] =	vst v4  }
0x187: {  	[tilespmem:s24+$0x4AF0] =	vst v3  }
0x188: {  	s24 =	simm.s32 $0x0;
	v3 =	vld [tilespmem:$0x700]  }
0x189: {  	v7 =	vld [tilespmem:s24+$0x4B00]  }
0x18a: {  	v9 =	vld [tilespmem:s24+$0x4B10]  }
0x18b: {  	v8 =	vld [tilespmem:s24+$0x4B20]  }
0x18c: {  	v6 =	vld [tilespmem:s24+$0x4B30]  }
0x18d: {  	v4 =	vld [tilespmem:s24+$0x4B40]  }
0x18e: {  	v5 =	vld [tilespmem:s24+$0x4B50];
	v10 =	vmul.f32 v7, v3  }
0x18f: {  	s25 =	simm.s32 $0x1000;
	v9 =	vmul.f32 v9, v3;
	v7 =	vld [tilespmem:s24+$0x4B60]  }
.LBB2_28:
0x190: {  	s28 =	sshra.s32 s25, $0x2;
	p0 =	sne.s32 s25, $0xF000;
	[tilespmem:s24+$0x4B00] =	vst v10;
	v8 =	vmul.f32 v8, v3;
	v10 =	vld [tilespmem:s24+$0x4B70]  }
0x191: {  	v11 =	vld [tilespmem:s28+$0x4B00];
	[tilespmem:s24+$0x4B10] =	vst v9;
	v6 =	vmul.f32 v6, v3  }
0x192: {  	v9 =	vld [tilespmem:s28+$0x4B10];
	[tilespmem:s24+$0x4B20] =	vst v8;
	v4 =	vmul.f32 v4, v3  }
.Ltmp13:
0x193: {  	v8 =	vld [tilespmem:s28+$0x4B20];
	[tilespmem:s24+$0x4B30] =	vst v6;
	v5 =	vmul.f32 v5, v3;
	(pc) =	sbr.rel @p0 .LBB2_28-.Ltmp13, $4  }
0x194: {  	v6 =	vld [tilespmem:s28+$0x4B30];
	[tilespmem:s24+$0x4B40] =	vst v4;
	v7 =	vmul.f32 v7, v3  }
0x195: {  	v4 =	vld [tilespmem:s28+$0x4B40];
	[tilespmem:s24+$0x4B50] =	vst v5;
	v12 =	vmul.f32 v10, v3  }
0x196: {  	v10 =	vmul.f32 v11, v3;
	v5 =	vld [tilespmem:s28+$0x4B50];
	[tilespmem:s24+$0x4B60] =	vst v7  }
0x197: {  	s25 =	sadd.s32 $0x1000, s25;
	v9 =	vmul.f32 v9, v3;
	v7 =	vld [tilespmem:s28+$0x4B60];
	[tilespmem:s24+$0x4B70] =	vst v12;
	s24 =	smov.u32 s28  }
0x198: {  	[tilespmem:s24+$0x4B00] =	vst v10;
	v8 =	vmul.f32 v8, v3;
	v10 =	vld [tilespmem:s24+$0x4B70]  }
0x199: {  	[tilespmem:s24+$0x4B10] =	vst v9;
	v6 =	vmul.f32 v6, v3  }
0x19a: {  	[tilespmem:s24+$0x4B20] =	vst v8;
	v4 =	vmul.f32 v4, v3  }
0x19b: {  	[tilespmem:s24+$0x4B30] =	vst v6;
	v5 =	vmul.f32 v5, v3  }
0x19c: {  	[tilespmem:s24+$0x4B40] =	vst v4;
	v4 =	vmul.f32 v7, v3  }
0x19d: {  	[tilespmem:s24+$0x4B50] =	vst v5;
	v3 =	vmul.f32 v10, v3  }
0x19e: {  	[tilespmem:s24+$0x4B60] =	vst v4  }
0x19f: {  	[tilespmem:s24+$0x4B70] =	vst v3  }
0x1a0: {  	s24 =	simm.s32 $0x0;
	v3 =	vld [tilespmem:$0x780]  }
0x1a1: {  	v7 =	vld [tilespmem:s24+$0x4B80]  }
0x1a2: {  	v9 =	vld [tilespmem:s24+$0x4B90]  }
0x1a3: {  	v8 =	vld [tilespmem:s24+$0x4BA0]  }
0x1a4: {  	v6 =	vld [tilespmem:s24+$0x4BB0]  }
0x1a5: {  	v4 =	vld [tilespmem:s24+$0x4BC0]  }
0x1a6: {  	v5 =	vld [tilespmem:s24+$0x4BD0];
	v10 =	vmul.f32 v7, v3  }
0x1a7: {  	s25 =	simm.s32 $0x1000;
	v9 =	vmul.f32 v9, v3;
	v7 =	vld [tilespmem:s24+$0x4BE0]  }
.LBB2_30:
0x1a8: {  	s28 =	sshra.s32 s25, $0x2;
	p0 =	sne.s32 s25, $0xF000;
	[tilespmem:s24+$0x4B80] =	vst v10;
	v8 =	vmul.f32 v8, v3;
	v10 =	vld [tilespmem:s24+$0x4BF0]  }
0x1a9: {  	v11 =	vld [tilespmem:s28+$0x4B80];
	[tilespmem:s24+$0x4B90] =	vst v9;
	v6 =	vmul.f32 v6, v3  }
0x1aa: {  	v9 =	vld [tilespmem:s28+$0x4B90];
	[tilespmem:s24+$0x4BA0] =	vst v8;
	v4 =	vmul.f32 v4, v3  }
.Ltmp14:
0x1ab: {  	v8 =	vld [tilespmem:s28+$0x4BA0];
	[tilespmem:s24+$0x4BB0] =	vst v6;
	v5 =	vmul.f32 v5, v3;
	(pc) =	sbr.rel @p0 .LBB2_30-.Ltmp14, $4  }
0x1ac: {  	v6 =	vld [tilespmem:s28+$0x4BB0];
	[tilespmem:s24+$0x4BC0] =	vst v4;
	v7 =	vmul.f32 v7, v3  }
0x1ad: {  	v4 =	vld [tilespmem:s28+$0x4BC0];
	[tilespmem:s24+$0x4BD0] =	vst v5;
	v12 =	vmul.f32 v10, v3  }
0x1ae: {  	v10 =	vmul.f32 v11, v3;
	v5 =	vld [tilespmem:s28+$0x4BD0];
	[tilespmem:s24+$0x4BE0] =	vst v7  }
0x1af: {  	s25 =	sadd.s32 $0x1000, s25;
	v9 =	vmul.f32 v9, v3;
	v7 =	vld [tilespmem:s28+$0x4BE0];
	[tilespmem:s24+$0x4BF0] =	vst v12;
	s24 =	smov.u32 s28  }
0x1b0: {  	[tilespmem:s24+$0x4B80] =	vst v10;
	v8 =	vmul.f32 v8, v3;
	v10 =	vld [tilespmem:s24+$0x4BF0]  }
0x1b1: {  	[tilespmem:s24+$0x4B90] =	vst v9;
	v6 =	vmul.f32 v6, v3  }
0x1b2: {  	[tilespmem:s24+$0x4BA0] =	vst v8;
	v4 =	vmul.f32 v4, v3  }
0x1b3: {  	[tilespmem:s24+$0x4BB0] =	vst v6;
	v5 =	vmul.f32 v5, v3  }
0x1b4: {  	[tilespmem:s24+$0x4BC0] =	vst v4;
	v4 =	vmul.f32 v7, v3  }
0x1b5: {  	[tilespmem:s24+$0x4BD0] =	vst v5;
	v3 =	vmul.f32 v10, v3  }
0x1b6: {  	[tilespmem:s24+$0x4BE0] =	vst v4  }
0x1b7: {  	[tilespmem:s24+$0x4BF0] =	vst v3  }
0x1b8: {  	s24 =	simm.s32 $0x0;
	v3 =	vld [tilespmem:$0x800]  }
0x1b9: {  	v7 =	vld [tilespmem:s24+$0x4C00]  }
0x1ba: {  	v9 =	vld [tilespmem:s24+$0x4C10]  }
0x1bb: {  	v8 =	vld [tilespmem:s24+$0x4C20]  }
0x1bc: {  	v6 =	vld [tilespmem:s24+$0x4C30]  }
0x1bd: {  	v4 =	vld [tilespmem:s24+$0x4C40]  }
0x1be: {  	v5 =	vld [tilespmem:s24+$0x4C50];
	v10 =	vmul.f32 v7, v3  }
0x1bf: {  	s25 =	simm.s32 $0x1000;
	v9 =	vmul.f32 v9, v3;
	v7 =	vld [tilespmem:s24+$0x4C60]  }
.LBB2_32:
0x1c0: {  	s28 =	sshra.s32 s25, $0x2;
	p0 =	sne.s32 s25, $0xF000;
	[tilespmem:s24+$0x4C00] =	vst v10;
	v8 =	vmul.f32 v8, v3;
	v10 =	vld [tilespmem:s24+$0x4C70]  }
0x1c1: {  	v11 =	vld [tilespmem:s28+$0x4C00];
	[tilespmem:s24+$0x4C10] =	vst v9;
	v6 =	vmul.f32 v6, v3  }
0x1c2: {  	v9 =	vld [tilespmem:s28+$0x4C10];
	[tilespmem:s24+$0x4C20] =	vst v8;
	v4 =	vmul.f32 v4, v3  }
.Ltmp15:
0x1c3: {  	v8 =	vld [tilespmem:s28+$0x4C20];
	[tilespmem:s24+$0x4C30] =	vst v6;
	v5 =	vmul.f32 v5, v3;
	(pc) =	sbr.rel @p0 .LBB2_32-.Ltmp15, $4  }
0x1c4: {  	v6 =	vld [tilespmem:s28+$0x4C30];
	[tilespmem:s24+$0x4C40] =	vst v4;
	v7 =	vmul.f32 v7, v3  }
0x1c5: {  	v4 =	vld [tilespmem:s28+$0x4C40];
	[tilespmem:s24+$0x4C50] =	vst v5;
	v12 =	vmul.f32 v10, v3  }
0x1c6: {  	v10 =	vmul.f32 v11, v3;
	v5 =	vld [tilespmem:s28+$0x4C50];
	[tilespmem:s24+$0x4C60] =	vst v7  }
0x1c7: {  	s25 =	sadd.s32 $0x1000, s25;
	v9 =	vmul.f32 v9, v3;
	v7 =	vld [tilespmem:s28+$0x4C60];
	[tilespmem:s24+$0x4C70] =	vst v12;
	s24 =	smov.u32 s28  }
0x1c8: {  	[tilespmem:s24+$0x4C00] =	vst v10;
	v8 =	vmul.f32 v8, v3;
	v62 =	vld [tilespmem:s24+$0x4C70]  }
0x1c9: {  	[tilespmem:s24+$0x4C10] =	vst v9;
	v6 =	vmul.f32 v6, v3  }
0x1ca: {  	[tilespmem:s24+$0x4C20] =	vst v8;
	v4 =	vmul.f32 v4, v3  }
0x1cb: {  	[tilespmem:s24+$0x4C30] =	vst v6;
	v5 =	vmul.f32 v5, v3  }
0x1cc: {  	[tilespmem:s24+$0x4C40] =	vst v4;
	v63 =	vmul.f32 v7, v3  }
0x1cd: {  	[tilespmem:s24+$0x4C50] =	vst v5;
	v3 =	vmul.f32 v62, v3  }
0x1ce: {  	[tilespmem:s24+$0x4C60] =	vst v63  }
0x1cf: {  	s23 =	sadd.s32 $0x1, s23;
	[tilespmem:s24+$0x4C70] =	vst v3  }
0x1d0: {  	[hbm4b:s14+s3] =	stream.linear.scatter [tilespmem:s26], [sflag:$0x4], $0x4000, $0x38;
	[tilespmem:$0x8880] =	vst v63  }
0x1d1: {  	p0 =	sne.s32 s23, s15;
	_ =	swait.ge [sflag:s22], $0x4000  }
.Ltmp16:
0x1d2: {  	[sflag:s22] =	ssyncset.done $0x0;
	(pc) =	sbr.rel @p0 .LBB2_1-.Ltmp16, $4  }
0x1d3: {  	[sflag:s22] =	ssyncadd.s32 $0xFFFFC000  }
0x1d4: {  	_ =	swait.ge [sflag:s21], $0x4000  }
0x1d5: {  	[sflag:s21] =	ssyncset.done $0x0  }
0x1d6: {  	[sflag:s21] =	ssyncadd.s32 $0xFFFFC000  }
0x1d7: {  	_ =	sfence.sel $0x180000  }
0x1d8: {  	[bflag:$0x0] =	sbarrier.arrive $0xFFFF  }
0x1d9: {  	_ =	strace $0x90000047  }
0x1da: {  	s0 =	stileid.u32;
	[bflag:$0x2] =	sbarrier.arrive $0xFFFF  }
0x1db: {  	p0 =	sne.s32 s0, $0x0;
	s0 =	rddreg [dreg:$0x4]  }
0x1dc: {  	s0 =	sadd.s32 @!p0 $0x100000, s0  }
0x1dd: {  	[sflag:s0] =	ssyncadd.tile.s32 @!p0 $0x1;
	_ =	shalt  }
.Lfunc_end2:
_tile_overlayer_lowered:
.L_overlay_start_2:
0x1de: {  	(tag) =	ssettag $0x2  }
0x1df: {  	s0 =	rddreg [dreg:$0x0];
	s2 =	stileid.u32  }
0x1e0: {  	s1 =	rddreg [dreg:$0x1];
	p0 =	sne.s32 s2, $0x0  }
0x1e1: {  	s3 =	rddreg [dreg:$0x2];
	[bflag:$0x3] =	sbarrier.arrive $0xFFFF;
	s2 =	simm.s32 @!p0 $0x1C06  }
0x1e2: {  	[timem:s3], [sflag:s2] =	dma.local @!p0 [hbm:s0], s1  }
0x1e3: {  	s0 =	simm.s32 @!p0 $0x6  }
0x1e4: {  	_ =	swait.ge @!p0 [sflag:s0], s1  }
0x1e5: {  	s1 =	ssub.s32 @!p0 $0x0, s1;
	[sflag:s0] =	ssyncset.done @!p0 $0x0  }
0x1e6: {  	[sflag:s0] =	ssyncadd.s32 @!p0 s1  }
0x1e7: {  	[bflag:$0x3] =	sbarrier.arrive $0xFFFF  }
0x1e8: {  	_ =	shalt  }

</sc_bundles>
